<compile_context>
chip_gen: v7x
topology: tpu7x:2x2x1
jax: 0.10.2.dev20260603
libtpu: 0.0.44.dev20260713+nightly
codegen_flags: <defaults>
</compile_context>

<pallas_src>
import dataclasses

import jax
import jax.numpy as jnp
from jax import lax
from jax.experimental import pallas as pl
from jax.experimental.pallas import tpu as pltpu
from jax.experimental.pallas import tpu_sc as plsc

N_NODES = 10000
N_EDGES = 320000
NPAD = 10240
NS = 16
L = 16
E_PER_SUB = N_EDGES // NS
EVECS = E_PER_SUB // L
NODES_PER_SUB = NPAD // NS
NVECS_FULL = NPAD // L
NVECS_RANGE = NODES_PER_SUB // L


def _rsqrt16(d):
    h = d * jnp.float32(0.5)
    i = plsc.bitcast(d, jnp.int32)
    i = jnp.int32(0x5F3759DF) - lax.shift_right_logical(i, 1)
    y = plsc.bitcast(i, jnp.float32)
    for _ in range(3):
        y = y * (jnp.float32(1.5) - h * y * y)
    return y


def _sc_body(ei_h, w_h, u_h, v_h,
             se, de, wn, acc, dis, vf, srd, rng, sem, sem2, stage, full):
    sid = lax.axis_index("s")
    ebase = sid * E_PER_SUB
    nbase = sid * NODES_PER_SUB
    zero16 = jnp.zeros((L,), jnp.float32)

    cp_se = pltpu.async_copy(ei_h.at[pl.ds(ebase, E_PER_SUB)], se, sem)
    cp_de = pltpu.async_copy(ei_h.at[pl.ds(N_EDGES + ebase, E_PER_SUB)], de, sem2)
    cp_wn = pltpu.async_copy(w_h.at[pl.ds(ebase, E_PER_SUB)], wn, sem2)

    @plsc.parallel_loop(0, NVECS_FULL, unroll=16)
    def _(j):
        acc[pl.ds(j * L, L)] = zero16

    cp_de.wait()
    cp_wn.wait()

    @plsc.parallel_loop(0, EVECS, unroll=10)
    def _(i):
        slc = pl.ds(i * L, L)
        plsc.addupdate_scatter(acc, [de[slc]], wn[slc])

    pltpu.sync_copy(acc, stage.at[sid])
    plsc.subcore_barrier()
    pltpu.sync_copy(stage.at[:, pl.ds(nbase, NODES_PER_SUB)], srd)

    @plsc.parallel_loop(0, NVECS_RANGE, unroll=8)
    def _(j):
        slc = pl.ds(j * L, L)
        d = jnp.full((L,), 1.0, jnp.float32)
        for t in range(NS):
            d = d + srd[t, slc]
        rng[slc] = _rsqrt16(d)

    pltpu.sync_copy(rng, full.at[pl.ds(nbase, NODES_PER_SUB)])
    plsc.subcore_barrier()
    cp_dis = pltpu.async_copy(full, dis, sem2)

    @plsc.parallel_loop(0, NVECS_FULL, unroll=16)
    def _(j):
        acc[pl.ds(j * L, L)] = zero16

    cp_se.wait()
    cp_dis.wait()

    @plsc.parallel_loop(0, EVECS, unroll=10)
    def _(i):
        slc = pl.ds(i * L, L)
        mv = wn[slc] * plsc.load_gather(dis, [de[slc]])
        wn[slc] = mv
        plsc.addupdate_scatter(acc, [se[slc]], mv)

    pltpu.sync_copy(acc, stage.at[sid])
    plsc.subcore_barrier()
    pltpu.sync_copy(stage.at[:, pl.ds(nbase, NODES_PER_SUB)], srd)

    @plsc.parallel_loop(0, NVECS_RANGE, unroll=8)
    def _(j):
        slc = pl.ds(j * L, L)
        dloc = dis[pl.ds(nbase + j * L, L)]
        a = jnp.zeros((L,), jnp.float32)
        for t in range(NS):
            a = a + srd[t, slc]
        rng[slc] = dloc * a + dloc * dloc

    pltpu.sync_copy(rng, full.at[pl.ds(nbase, NODES_PER_SUB)])
    pltpu.sync_copy(rng, v_h.at[pl.ds(nbase, NODES_PER_SUB)])
    plsc.subcore_barrier()
    cp_vf = pltpu.async_copy(full, vf, sem2)

    @plsc.parallel_loop(0, NVECS_FULL, unroll=16)
    def _(j):
        acc[pl.ds(j * L, L)] = zero16

    cp_vf.wait()

    @plsc.parallel_loop(0, EVECS, unroll=10)
    def _(i):
        slc = pl.ds(i * L, L)
        vd = plsc.load_gather(vf, [de[slc]])
        plsc.addupdate_scatter(acc, [se[slc]], wn[slc] * vd)

    pltpu.sync_copy(acc, stage.at[sid])
    plsc.subcore_barrier()
    pltpu.sync_copy(stage.at[:, pl.ds(nbase, NODES_PER_SUB)], srd)

    @plsc.parallel_loop(0, NVECS_RANGE, unroll=8)
    def _(j):
        slc = pl.ds(j * L, L)
        nslc = pl.ds(nbase + j * L, L)
        dloc = dis[nslc]
        a = jnp.zeros((L,), jnp.float32)
        for t in range(NS):
            a = a + srd[t, slc]
        rng[slc] = dloc * a + dloc * dloc * vf[nslc]

    pltpu.sync_copy(rng, u_h.at[pl.ds(nbase, NODES_PER_SUB)])


@jax.jit
def _sc_edge_kernel(ei, w):
    mesh = plsc.VectorSubcoreMesh(core_axis_name="c", subcore_axis_name="s", num_cores=1)
    f32 = jnp.float32
    cp = pltpu.CompilerParams()
    if "needs_layout_passes" in pltpu.CompilerParams.__dataclass_fields__:
        cp = dataclasses.replace(cp, needs_layout_passes=False)
    fn = pl.kernel(
        _sc_body,
        compiler_params=cp,
        out_type=(jax.ShapeDtypeStruct((NPAD,), f32),
                  jax.ShapeDtypeStruct((NPAD,), f32)),
        mesh=mesh,
        scratch_types=[
            pltpu.VMEM((E_PER_SUB,), jnp.int32),
            pltpu.VMEM((E_PER_SUB,), jnp.int32),
            pltpu.VMEM((E_PER_SUB,), f32),
            pltpu.VMEM((NPAD,), f32),
            pltpu.VMEM((NPAD,), f32),
            pltpu.VMEM((NPAD,), f32),
            pltpu.VMEM((NS, NODES_PER_SUB), f32),
            pltpu.VMEM((NODES_PER_SUB,), f32),
            pltpu.SemaphoreType.DMA,
            pltpu.SemaphoreType.DMA,
            pltpu.VMEM_SHARED((NS, NPAD), f32),
            pltpu.VMEM_SHARED((NPAD,), f32),
        ],
    )
    return fn(ei, w)


def _tc_body(u_ref, v_ref, x_ref, w1, b1r, w2, b2r, wd1, bd1r, wd2, bd2r, o_ref):
    s = jnp.sum(v_ref[...][:, :N_NODES])
    p = jnp.dot(u_ref[...][:, :N_NODES], x_ref[...], preferred_element_type=jnp.float32)
    t = jnp.dot(p, w1[...], preferred_element_type=jnp.float32) + s * b1r[...]
    g = jnp.dot(t, w2[...], preferred_element_type=jnp.float32) * jnp.float32(1.0 / N_NODES) + b2r[...]
    z = jnp.maximum(jnp.dot(g, wd1[...], preferred_element_type=jnp.float32) + bd1r[...], 0.0)
    logits = jnp.dot(z, wd2[...], preferred_element_type=jnp.float32) + bd2r[...]
    m = jnp.max(logits, axis=-1, keepdims=True)
    e = jnp.exp(logits - m)
    o_ref[...] = e / jnp.sum(e, axis=-1, keepdims=True)


def kernel(node_features, edge_index, edge_weight, W1, b1, W2, b2, Wd1, bd1, Wd2, bd2):
    ei = edge_index.astype(jnp.int32).reshape(2 * N_EDGES)
    w = edge_weight.astype(jnp.float32)
    u_pad, v_pad = _sc_edge_kernel(ei, w)
    u = u_pad.reshape(1, NPAD)
    v = v_pad.reshape(1, NPAD)
    out = pl.pallas_call(
        _tc_body,
        out_shape=jax.ShapeDtypeStruct((1, 2), jnp.float32),
    )(u, v, node_features, W1, b1.reshape(1, -1), W2, b2.reshape(1, -1),
      Wd1, bd1.reshape(1, -1), Wd2, bd2.reshape(1, -1))
    return out

# --- scband reference (transcript-rebuilt; emitter-appended) ---
"""Pipeline reference for scband-gcn-85040352461485 (READ-ONLY COPY).

The authoritative reference and input builder live on the scoring server;
editing this copy changes nothing except your own understanding.
"""

import jax, jax.numpy as jnp
import numpy as np

N_NODES = 10000
N_EDGES = 320000
D_IN = 128
D_HID = 256  # in_channels * conv_booster
N_CLASSES = 2


def setup_inputs(seed: int = 0) -> dict:
    key = jax.random.key(seed)
    ks = jax.random.split(key, 12)
    x = jax.random.normal(ks[0], (N_NODES, D_IN), dtype=jnp.float32)
    edge_index = jax.random.randint(ks[1], (2, N_EDGES), 0, N_NODES, dtype=jnp.int64)
    edge_weight = jax.random.uniform(ks[2], (N_EDGES,), dtype=jnp.float32)
    # GCNConv 1: 128 -> 256
    W1 = jax.random.normal(ks[3], (D_IN, D_HID), dtype=jnp.float32) / np.sqrt(D_IN)
    b1 = jnp.zeros((D_HID,), dtype=jnp.float32)
    # GCNConv 2: 256 -> 256
    W2 = jax.random.normal(ks[4], (D_HID, D_HID), dtype=jnp.float32) / np.sqrt(D_HID)
    b2 = jnp.zeros((D_HID,), dtype=jnp.float32)
    # downstream dense: 256 -> 128 -> 2
    Wd1 = jax.random.normal(ks[5], (D_HID, D_HID // 2), dtype=jnp.float32) / np.sqrt(D_HID)
    bd1 = jnp.zeros((D_HID // 2,), dtype=jnp.float32)
    Wd2 = jax.random.normal(ks[6], (D_HID // 2, N_CLASSES), dtype=jnp.float32) / np.sqrt(D_HID // 2)
    bd2 = jnp.zeros((N_CLASSES,), dtype=jnp.float32)
    return {"node_features": x, "edge_index": edge_index, "edge_weight": edge_weight,
            "W1": W1, "b1": b1, "W2": W2, "b2": b2,
            "Wd1": Wd1, "bd1": bd1, "Wd2": Wd2, "bd2": bd2}


def gcn_conv(x, edge_index, edge_weight, W, b):
    # GCNConv with edge weights, add_self_loops=True, symmetric normalization
    n = x.shape[0]
    src = edge_index[0]
    dst = edge_index[1]
    loop = jnp.arange(n, dtype=src.dtype)
    src_f = jnp.concatenate([src, loop])
    dst_f = jnp.concatenate([dst, loop])
    w_f = jnp.concatenate([edge_weight, jnp.ones((n,), dtype=x.dtype)])
    deg = jnp.zeros((n,), dtype=x.dtype).at[dst_f].add(w_f)
    deg_inv_sqrt = jnp.where(deg > 0, jax.lax.rsqrt(jnp.maximum(deg, 1e-12)), 0.0)
    norm = deg_inv_sqrt[src_f] * w_f * deg_inv_sqrt[dst_f]
    h = x @ W
    msg = h[src_f] * norm[:, None]
    out = jnp.zeros((n, W.shape[1]), dtype=x.dtype).at[dst_f].add(msg)
    return out + b


def reference(node_features, edge_index, edge_weight, W1, b1, W2, b2, Wd1, bd1, Wd2, bd2):
    h = gcn_conv(node_features, edge_index, edge_weight, W1, b1)
    h = gcn_conv(h, edge_index, edge_weight, W2, b2)
    # MeanAggregation pooling (global mean over nodes -> graph embedding)
    g = jnp.mean(h, axis=0, keepdims=True)
    z = jax.nn.relu(g @ Wd1 + bd1)
    logits = z @ Wd2 + bd2
    return jax.nn.softmax(logits, axis=-1)

if __name__ == "__main__":
    import jax
    _d = setup_inputs()
    print(jax.jit(kernel)(*tuple(_d.values())))

</pallas_src>

<mosaic_0001>
#map = affine_map<(d0, d1) -> (0)>
module attributes {stable_mosaic.version = 14 : i64} {
  func.func @_sc_body(%arg0: i32, %arg1: i32, %arg2: memref<640000xi32, #tpu.memory_space<hbm>>, %arg3: memref<320000xf32, #tpu.memory_space<hbm>>, %arg4: memref<10240xf32, #tpu.memory_space<hbm>>, %arg5: memref<10240xf32, #tpu.memory_space<hbm>>, %arg6: memref<20000xi32, #tpu.memory_space<vmem>>, %arg7: memref<20000xi32, #tpu.memory_space<vmem>>, %arg8: memref<20000xf32, #tpu.memory_space<vmem>>, %arg9: memref<10240xf32, #tpu.memory_space<vmem>>, %arg10: memref<10240xf32, #tpu.memory_space<vmem>>, %arg11: memref<10240xf32, #tpu.memory_space<vmem>>, %arg12: memref<16x640xf32, #tpu.memory_space<vmem>>, %arg13: memref<640xf32, #tpu.memory_space<vmem>>, %arg14: memref<!tpu.dma_semaphore, #tpu.memory_space<semaphore_mem>>, %arg15: memref<!tpu.dma_semaphore, #tpu.memory_space<semaphore_mem>>, %arg16: memref<16x10240xf32, #tpu.memory_space<vmem_shared>>, %arg17: memref<10240xf32, #tpu.memory_space<vmem_shared>>) attributes {dimension_semantics = [#tpu.dimension_semantics<core_parallel>, #tpu.dimension_semantics<subcore_parallel>], iteration_bounds = array<i64: 1, 16>, scalar_prefetch = 0 : i64, scratch_operands = 12 : i64, tpu.core_type = #tpu.core_type<sc_vector_subcore>, window_params = [{transform_indices = #map}, {transform_indices = #map}, {transform_indices = #map}, {transform_indices = #map}]} {
    %mul3A = arith.constant 20000 : i32
    %mul3A_0 = arith.muli %arg1, %mul3A : i32
    %mul3A_1 = arith.constant 640 : i32
    %mul3A_2 = arith.muli %arg1, %mul3A_1 : i32
    %broadcast_in_dim3A = arith.constant 0.000000e+00 : f32
    %broadcast_in_dim3A_3 = vector.broadcast %broadcast_in_dim3A : f32 to vector<16xf32>
    %dma_start3A = tpu.memref_slice %arg2[%mul3A_0] : memref<640000xi32, #tpu.memory_space<hbm>> -> memref<20000xi32, #tpu.memory_space<hbm>>
    %dma_start3A_4 = tpu.memref_slice %arg2[%mul3A_0] : memref<640000xi32, #tpu.memory_space<hbm>> -> memref<20000xi32, #tpu.memory_space<hbm>>
    tpu.enqueue_dma source(%dma_start3A_4 : memref<20000xi32, #tpu.memory_space<hbm>>) target(%arg6 : memref<20000xi32, #tpu.memory_space<vmem>>) target_semaphore(%arg14 : memref<!tpu.dma_semaphore, #tpu.memory_space<semaphore_mem>>)
    %add3A = arith.constant 320000 : i32
    %add3A_5 = arith.addi %add3A, %mul3A_0 : i32
    %dma_start3A_6 = tpu.memref_slice %arg2[%add3A_5] : memref<640000xi32, #tpu.memory_space<hbm>> -> memref<20000xi32, #tpu.memory_space<hbm>>
    %dma_start3A_7 = tpu.memref_slice %arg2[%add3A_5] : memref<640000xi32, #tpu.memory_space<hbm>> -> memref<20000xi32, #tpu.memory_space<hbm>>
    tpu.enqueue_dma source(%dma_start3A_7 : memref<20000xi32, #tpu.memory_space<hbm>>) target(%arg7 : memref<20000xi32, #tpu.memory_space<vmem>>) target_semaphore(%arg15 : memref<!tpu.dma_semaphore, #tpu.memory_space<semaphore_mem>>)
    %dma_start3A_8 = tpu.memref_slice %arg3[%mul3A_0] : memref<320000xf32, #tpu.memory_space<hbm>> -> memref<20000xf32, #tpu.memory_space<hbm>>
    %dma_start3A_9 = tpu.memref_slice %arg3[%mul3A_0] : memref<320000xf32, #tpu.memory_space<hbm>> -> memref<20000xf32, #tpu.memory_space<hbm>>
    tpu.enqueue_dma source(%dma_start3A_9 : memref<20000xf32, #tpu.memory_space<hbm>>) target(%arg8 : memref<20000xf32, #tpu.memory_space<vmem>>) target_semaphore(%arg15 : memref<!tpu.dma_semaphore, #tpu.memory_space<semaphore_mem>>)
    %parallel_loop3A = arith.constant 0 : i32
    %parallel_loop3A_10 = arith.constant 640 : i32
    %parallel_loop3A_11 = arith.constant 1 : i32
    scf.for %parallel_loop3A_45 = %parallel_loop3A to %parallel_loop3A_10 step %parallel_loop3A_11  : i32 {
      %parallel_loop3A_46 = arith.constant 16 : i32
      %parallel_loop3A_47 = arith.muli %parallel_loop3A_45, %parallel_loop3A_46 : i32
      %parallel_loop3A_48 = arith.index_cast %parallel_loop3A_47 : i32 to index
      %parallel_loop3A_49 = tpu.vector_load %arg9[%parallel_loop3A_48] {strides = array<i32>} : memref<10240xf32, #tpu.memory_space<vmem>>, vector<16xf32>,
      tpu.vector_store %arg9[%parallel_loop3A_48], %broadcast_in_dim3A_3 {strides = array<i32>} : memref<10240xf32, #tpu.memory_space<vmem>>, vector<16xf32>,
    } {sc.loop_unroll_factor = 16 : i64, sc.parallel_access}
    %dma_wait3A = tpu.memref_slice %arg2[%add3A_5] : memref<640000xi32, #tpu.memory_space<hbm>> -> memref<20000xi32, #tpu.memory_space<hbm>>
    %dma_wait3A_12 = tpu.memref_slice %arg2[%add3A_5] : memref<640000xi32, #tpu.memory_space<hbm>> -> memref<20000xi32, #tpu.memory_space<hbm>>
    tpu.wait_dma2 semaphore(%arg15 : memref<!tpu.dma_semaphore, #tpu.memory_space<semaphore_mem>>) src(%dma_wait3A_12 : memref<20000xi32, #tpu.memory_space<hbm>>) dst(%arg7 : memref<20000xi32, #tpu.memory_space<vmem>>)
    %dma_wait3A_13 = tpu.memref_slice %arg3[%mul3A_0] : memref<320000xf32, #tpu.memory_space<hbm>> -> memref<20000xf32, #tpu.memory_space<hbm>>
    %dma_wait3A_14 = tpu.memref_slice %arg3[%mul3A_0] : memref<320000xf32, #tpu.memory_space<hbm>> -> memref<20000xf32, #tpu.memory_space<hbm>>
    tpu.wait_dma2 semaphore(%arg15 : memref<!tpu.dma_semaphore, #tpu.memory_space<semaphore_mem>>) src(%dma_wait3A_14 : memref<20000xf32, #tpu.memory_space<hbm>>) dst(%arg8 : memref<20000xf32, #tpu.memory_space<vmem>>)
    %parallel_loop3A_15 = arith.constant 0 : i32
    %parallel_loop3A_16 = arith.constant 1250 : i32
    %parallel_loop3A_17 = arith.constant 1 : i32
    scf.for %parallel_loop3A_45 = %parallel_loop3A_15 to %parallel_loop3A_16 step %parallel_loop3A_17  : i32 {
      %parallel_loop3A_46 = arith.constant 16 : i32
      %parallel_loop3A_47 = arith.muli %parallel_loop3A_45, %parallel_loop3A_46 : i32
      %parallel_loop3A_48 = arith.index_cast %parallel_loop3A_47 : i32 to index
      %parallel_loop3A_49 = tpu.vector_load %arg7[%parallel_loop3A_48] {strides = array<i32>} : memref<20000xi32, #tpu.memory_space<vmem>>, vector<16xi32>,
      %parallel_loop3A_50 = arith.index_cast %parallel_loop3A_47 : i32 to index
      %parallel_loop3A_51 = tpu.vector_load %arg8[%parallel_loop3A_50] {strides = array<i32>} : memref<20000xf32, #tpu.memory_space<vmem>>, vector<16xf32>,
      tpu.vector_store_idx %arg9[%parallel_loop3A_49], %parallel_loop3A_51 {add = true} : memref<10240xf32, #tpu.memory_space<vmem>>[vector<16xi32>], vector<16xf32>,
    } {sc.loop_unroll_factor = 10 : i64, sc.parallel_access}
    "tpu.region"() ({
      %run_scoped3A = tpu.sem_alloc : memref<!tpu.dma_semaphore, #tpu.memory_space<semaphore_mem>>
      %dma_start3A_45 = arith.constant 0 : i32
      %dma_start3A_46 = tpu.memref_slice %arg16[%arg1, %dma_start3A_45] : memref<16x10240xf32, #tpu.memory_space<vmem_shared>> -> memref<1x10240xf32, #tpu.memory_space<vmem_shared>>
      %dma_start3A_47 = tpu.memref_squeeze %dma_start3A_46 : memref<1x10240xf32, #tpu.memory_space<vmem_shared>> -> memref<10240xf32, #tpu.memory_space<vmem_shared>>
      %dma_start3A_48 = arith.constant 0 : i32
      %dma_start3A_49 = tpu.memref_slice %arg16[%arg1, %dma_start3A_48] : memref<16x10240xf32, #tpu.memory_space<vmem_shared>> -> memref<1x10240xf32, #tpu.memory_space<vmem_shared>>
      %dma_start3A_50 = tpu.memref_squeeze %dma_start3A_49 : memref<1x10240xf32, #tpu.memory_space<vmem_shared>> -> memref<10240xf32, #tpu.memory_space<vmem_shared>>
      tpu.enqueue_dma source(%arg9 : memref<10240xf32, #tpu.memory_space<vmem>>) target(%dma_start3A_50 : memref<10240xf32, #tpu.memory_space<vmem_shared>>) target_semaphore(%run_scoped3A : memref<!tpu.dma_semaphore, #tpu.memory_space<semaphore_mem>>)
      %dma_wait3A_51 = arith.constant 0 : i32
      %dma_wait3A_52 = tpu.memref_slice %arg16[%arg1, %dma_wait3A_51] : memref<16x10240xf32, #tpu.memory_space<vmem_shared>> -> memref<1x10240xf32, #tpu.memory_space<vmem_shared>>
      %dma_wait3A_53 = tpu.memref_squeeze %dma_wait3A_52 : memref<1x10240xf32, #tpu.memory_space<vmem_shared>> -> memref<10240xf32, #tpu.memory_space<vmem_shared>>
      %dma_wait3A_54 = arith.constant 0 : i32
      %dma_wait3A_55 = tpu.memref_slice %arg16[%arg1, %dma_wait3A_54] : memref<16x10240xf32, #tpu.memory_space<vmem_shared>> -> memref<1x10240xf32, #tpu.memory_space<vmem_shared>>
      %dma_wait3A_56 = tpu.memref_squeeze %dma_wait3A_55 : memref<1x10240xf32, #tpu.memory_space<vmem_shared>> -> memref<10240xf32, #tpu.memory_space<vmem_shared>>
      tpu.wait_dma2 semaphore(%run_scoped3A : memref<!tpu.dma_semaphore, #tpu.memory_space<semaphore_mem>>) src(%arg9 : memref<10240xf32, #tpu.memory_space<vmem>>) dst(%dma_wait3A_56 : memref<10240xf32, #tpu.memory_space<vmem_shared>>)
      tpu.yield
    }) : () -> ()
    %barrier3A = arith.constant 0 : index
    tpu.barrier barrier_id(%barrier3A)
    "tpu.region"() ({
      %run_scoped3A = tpu.sem_alloc : memref<!tpu.dma_semaphore, #tpu.memory_space<semaphore_mem>>
      %dma_start3A_45 = arith.constant 0 : i32
      %dma_start3A_46 = tpu.memref_slice %arg16[%dma_start3A_45, %mul3A_2] : memref<16x10240xf32, #tpu.memory_space<vmem_shared>> -> memref<16x640xf32, #tpu.memory_space<vmem_shared>>
      %dma_start3A_47 = arith.constant 0 : i32
      %dma_start3A_48 = tpu.memref_slice %arg16[%dma_start3A_47, %mul3A_2] : memref<16x10240xf32, #tpu.memory_space<vmem_shared>> -> memref<16x640xf32, #tpu.memory_space<vmem_shared>>
      tpu.enqueue_dma source(%dma_start3A_48 : memref<16x640xf32, #tpu.memory_space<vmem_shared>>) target(%arg12 : memref<16x640xf32, #tpu.memory_space<vmem>>) target_semaphore(%run_scoped3A : memref<!tpu.dma_semaphore, #tpu.memory_space<semaphore_mem>>)
      %dma_wait3A_49 = arith.constant 0 : i32
      %dma_wait3A_50 = tpu.memref_slice %arg16[%dma_wait3A_49, %mul3A_2] : memref<16x10240xf32, #tpu.memory_space<vmem_shared>> -> memref<16x640xf32, #tpu.memory_space<vmem_shared>>
      %dma_wait3A_51 = arith.constant 0 : i32
      %dma_wait3A_52 = tpu.memref_slice %arg16[%dma_wait3A_51, %mul3A_2] : memref<16x10240xf32, #tpu.memory_space<vmem_shared>> -> memref<16x640xf32, #tpu.memory_space<vmem_shared>>
      tpu.wait_dma2 semaphore(%run_scoped3A : memref<!tpu.dma_semaphore, #tpu.memory_space<semaphore_mem>>) src(%dma_wait3A_52 : memref<16x640xf32, #tpu.memory_space<vmem_shared>>) dst(%arg12 : memref<16x640xf32, #tpu.memory_space<vmem>>)
      tpu.yield
    }) : () -> ()
    %parallel_loop3A_18 = arith.constant 0 : i32
    %parallel_loop3A_19 = arith.constant 40 : i32
    %parallel_loop3A_20 = arith.constant 1 : i32
    scf.for %parallel_loop3A_45 = %parallel_loop3A_18 to %parallel_loop3A_19 step %parallel_loop3A_20  : i32 {
      %parallel_loop3A_46 = arith.constant 16 : i32
      %parallel_loop3A_47 = arith.muli %parallel_loop3A_45, %parallel_loop3A_46 : i32
      %parallel_loop3A_48 = arith.constant 1.000000e+00 : f32
      %parallel_loop3A_49 = vector.broadcast %parallel_loop3A_48 : f32 to vector<16xf32>
      %parallel_loop3A_50 = arith.constant 0 : i32
      %parallel_loop3A_51 = arith.index_cast %parallel_loop3A_50 : i32 to index
      %parallel_loop3A_52 = arith.index_cast %parallel_loop3A_47 : i32 to index
      %parallel_loop3A_53 = tpu.vector_load %arg12[%parallel_loop3A_51, %parallel_loop3A_52] {strides = array<i32>} : memref<16x640xf32, #tpu.memory_space<vmem>>, vector<16xf32>,
      %parallel_loop3A_54 = arith.addf %parallel_loop3A_49, %parallel_loop3A_53 : vector<16xf32>
      %parallel_loop3A_55 = arith.constant 1 : i32
      %parallel_loop3A_56 = arith.index_cast %parallel_loop3A_55 : i32 to index
      %parallel_loop3A_57 = arith.index_cast %parallel_loop3A_47 : i32 to index
      %parallel_loop3A_58 = tpu.vector_load %arg12[%parallel_loop3A_56, %parallel_loop3A_57] {strides = array<i32>} : memref<16x640xf32, #tpu.memory_space<vmem>>, vector<16xf32>,
      %parallel_loop3A_59 = arith.addf %parallel_loop3A_54, %parallel_loop3A_58 : vector<16xf32>
      %parallel_loop3A_60 = arith.constant 2 : i32
      %parallel_loop3A_61 = arith.index_cast %parallel_loop3A_60 : i32 to index
      %parallel_loop3A_62 = arith.index_cast %parallel_loop3A_47 : i32 to index
      %parallel_loop3A_63 = tpu.vector_load %arg12[%parallel_loop3A_61, %parallel_loop3A_62] {strides = array<i32>} : memref<16x640xf32, #tpu.memory_space<vmem>>, vector<16xf32>,
      %parallel_loop3A_64 = arith.addf %parallel_loop3A_59, %parallel_loop3A_63 : vector<16xf32>
      %parallel_loop3A_65 = arith.constant 3 : i32
      %parallel_loop3A_66 = arith.index_cast %parallel_loop3A_65 : i32 to index
      %parallel_loop3A_67 = arith.index_cast %parallel_loop3A_47 : i32 to index
      %parallel_loop3A_68 = tpu.vector_load %arg12[%parallel_loop3A_66, %parallel_loop3A_67] {strides = array<i32>} : memref<16x640xf32, #tpu.memory_space<vmem>>, vector<16xf32>,
      %parallel_loop3A_69 = arith.addf %parallel_loop3A_64, %parallel_loop3A_68 : vector<16xf32>
      %parallel_loop3A_70 = arith.constant 4 : i32
      %parallel_loop3A_71 = arith.index_cast %parallel_loop3A_70 : i32 to index
      %parallel_loop3A_72 = arith.index_cast %parallel_loop3A_47 : i32 to index
      %parallel_loop3A_73 = tpu.vector_load %arg12[%parallel_loop3A_71, %parallel_loop3A_72] {strides = array<i32>} : memref<16x640xf32, #tpu.memory_space<vmem>>, vector<16xf32>,
      %parallel_loop3A_74 = arith.addf %parallel_loop3A_69, %parallel_loop3A_73 : vector<16xf32>
      %parallel_loop3A_75 = arith.constant 5 : i32
      %parallel_loop3A_76 = arith.index_cast %parallel_loop3A_75 : i32 to index
      %parallel_loop3A_77 = arith.index_cast %parallel_loop3A_47 : i32 to index
      %parallel_loop3A_78 = tpu.vector_load %arg12[%parallel_loop3A_76, %parallel_loop3A_77] {strides = array<i32>} : memref<16x640xf32, #tpu.memory_space<vmem>>, vector<16xf32>,
      %parallel_loop3A_79 = arith.addf %parallel_loop3A_74, %parallel_loop3A_78 : vector<16xf32>
      %parallel_loop3A_80 = arith.constant 6 : i32
      %parallel_loop3A_81 = arith.index_cast %parallel_loop3A_80 : i32 to index
      %parallel_loop3A_82 = arith.index_cast %parallel_loop3A_47 : i32 to index
      %parallel_loop3A_83 = tpu.vector_load %arg12[%parallel_loop3A_81, %parallel_loop3A_82] {strides = array<i32>} : memref<16x640xf32, #tpu.memory_space<vmem>>, vector<16xf32>,
      %parallel_loop3A_84 = arith.addf %parallel_loop3A_79, %parallel_loop3A_83 : vector<16xf32>
      %parallel_loop3A_85 = arith.constant 7 : i32
      %parallel_loop3A_86 = arith.index_cast %parallel_loop3A_85 : i32 to index
      %parallel_loop3A_87 = arith.index_cast %parallel_loop3A_47 : i32 to index
      %parallel_loop3A_88 = tpu.vector_load %arg12[%parallel_loop3A_86, %parallel_loop3A_87] {strides = array<i32>} : memref<16x640xf32, #tpu.memory_space<vmem>>, vector<16xf32>,
      %parallel_loop3A_89 = arith.addf %parallel_loop3A_84, %parallel_loop3A_88 : vector<16xf32>
      %parallel_loop3A_90 = arith.constant 8 : i32
      %parallel_loop3A_91 = arith.index_cast %parallel_loop3A_90 : i32 to index
      %parallel_loop3A_92 = arith.index_cast %parallel_loop3A_47 : i32 to index
      %parallel_loop3A_93 = tpu.vector_load %arg12[%parallel_loop3A_91, %parallel_loop3A_92] {strides = array<i32>} : memref<16x640xf32, #tpu.memory_space<vmem>>, vector<16xf32>,
      %parallel_loop3A_94 = arith.addf %parallel_loop3A_89, %parallel_loop3A_93 : vector<16xf32>
      %parallel_loop3A_95 = arith.constant 9 : i32
      %parallel_loop3A_96 = arith.index_cast %parallel_loop3A_95 : i32 to index
      %parallel_loop3A_97 = arith.index_cast %parallel_loop3A_47 : i32 to index
      %parallel_loop3A_98 = tpu.vector_load %arg12[%parallel_loop3A_96, %parallel_loop3A_97] {strides = array<i32>} : memref<16x640xf32, #tpu.memory_space<vmem>>, vector<16xf32>,
      %parallel_loop3A_99 = arith.addf %parallel_loop3A_94, %parallel_loop3A_98 : vector<16xf32>
      %parallel_loop3A_100 = arith.constant 10 : i32
      %parallel_loop3A_101 = arith.index_cast %parallel_loop3A_100 : i32 to index
      %parallel_loop3A_102 = arith.index_cast %parallel_loop3A_47 : i32 to index
      %parallel_loop3A_103 = tpu.vector_load %arg12[%parallel_loop3A_101, %parallel_loop3A_102] {strides = array<i32>} : memref<16x640xf32, #tpu.memory_space<vmem>>, vector<16xf32>,
      %parallel_loop3A_104 = arith.addf %parallel_loop3A_99, %parallel_loop3A_103 : vector<16xf32>
      %parallel_loop3A_105 = arith.constant 11 : i32
      %parallel_loop3A_106 = arith.index_cast %parallel_loop3A_105 : i32 to index
      %parallel_loop3A_107 = arith.index_cast %parallel_loop3A_47 : i32 to index
      %parallel_loop3A_108 = tpu.vector_load %arg12[%parallel_loop3A_106, %parallel_loop3A_107] {strides = array<i32>} : memref<16x640xf32, #tpu.memory_space<vmem>>, vector<16xf32>,
      %parallel_loop3A_109 = arith.addf %parallel_loop3A_104, %parallel_loop3A_108 : vector<16xf32>
      %parallel_loop3A_110 = arith.constant 12 : i32
      %parallel_loop3A_111 = arith.index_cast %parallel_loop3A_110 : i32 to index
      %parallel_loop3A_112 = arith.index_cast %parallel_loop3A_47 : i32 to index
      %parallel_loop3A_113 = tpu.vector_load %arg12[%parallel_loop3A_111, %parallel_loop3A_112] {strides = array<i32>} : memref<16x640xf32, #tpu.memory_space<vmem>>, vector<16xf32>,
      %parallel_loop3A_114 = arith.addf %parallel_loop3A_109, %parallel_loop3A_113 : vector<16xf32>
      %parallel_loop3A_115 = arith.constant 13 : i32
      %parallel_loop3A_116 = arith.index_cast %parallel_loop3A_115 : i32 to index
      %parallel_loop3A_117 = arith.index_cast %parallel_loop3A_47 : i32 to index
      %parallel_loop3A_118 = tpu.vector_load %arg12[%parallel_loop3A_116, %parallel_loop3A_117] {strides = array<i32>} : memref<16x640xf32, #tpu.memory_space<vmem>>, vector<16xf32>,
      %parallel_loop3A_119 = arith.addf %parallel_loop3A_114, %parallel_loop3A_118 : vector<16xf32>
      %parallel_loop3A_120 = arith.constant 14 : i32
      %parallel_loop3A_121 = arith.index_cast %parallel_loop3A_120 : i32 to index
      %parallel_loop3A_122 = arith.index_cast %parallel_loop3A_47 : i32 to index
      %parallel_loop3A_123 = tpu.vector_load %arg12[%parallel_loop3A_121, %parallel_loop3A_122] {strides = array<i32>} : memref<16x640xf32, #tpu.memory_space<vmem>>, vector<16xf32>,
      %parallel_loop3A_124 = arith.addf %parallel_loop3A_119, %parallel_loop3A_123 : vector<16xf32>
      %parallel_loop3A_125 = arith.constant 15 : i32
      %parallel_loop3A_126 = arith.index_cast %parallel_loop3A_125 : i32 to index
      %parallel_loop3A_127 = arith.index_cast %parallel_loop3A_47 : i32 to index
      %parallel_loop3A_128 = tpu.vector_load %arg12[%parallel_loop3A_126, %parallel_loop3A_127] {strides = array<i32>} : memref<16x640xf32, #tpu.memory_space<vmem>>, vector<16xf32>,
      %parallel_loop3A_129 = arith.addf %parallel_loop3A_124, %parallel_loop3A_128 : vector<16xf32>
      %parallel_loop3A_130 = arith.constant 5.000000e-01 : f32
      %parallel_loop3A_131 = vector.broadcast %parallel_loop3A_130 : f32 to vector<16xf32>
      %parallel_loop3A_132 = arith.mulf %parallel_loop3A_129, %parallel_loop3A_131 : vector<16xf32>
      %parallel_loop3A_133 = vector.bitcast %parallel_loop3A_129 : vector<16xf32> to vector<16xi32>
      %parallel_loop3A_134 = arith.constant 1 : i32
      %parallel_loop3A_135 = vector.broadcast %parallel_loop3A_134 : i32 to vector<16xi32>
      %parallel_loop3A_136 = arith.shrui %parallel_loop3A_133, %parallel_loop3A_135 : vector<16xi32>
      %parallel_loop3A_137 = arith.constant 1597463007 : i32
      %parallel_loop3A_138 = vector.broadcast %parallel_loop3A_137 : i32 to vector<16xi32>
      %parallel_loop3A_139 = arith.subi %parallel_loop3A_138, %parallel_loop3A_136 : vector<16xi32>
      %parallel_loop3A_140 = vector.bitcast %parallel_loop3A_139 : vector<16xi32> to vector<16xf32>
      %parallel_loop3A_141 = arith.mulf %parallel_loop3A_132, %parallel_loop3A_140 : vector<16xf32>
      %parallel_loop3A_142 = arith.mulf %parallel_loop3A_141, %parallel_loop3A_140 : vector<16xf32>
      %parallel_loop3A_143 = arith.constant 1.500000e+00 : f32
      %parallel_loop3A_144 = vector.broadcast %parallel_loop3A_143 : f32 to vector<16xf32>
      %parallel_loop3A_145 = arith.subf %parallel_loop3A_144, %parallel_loop3A_142 : vector<16xf32>
      %parallel_loop3A_146 = arith.mulf %parallel_loop3A_140, %parallel_loop3A_145 : vector<16xf32>
      %parallel_loop3A_147 = arith.mulf %parallel_loop3A_132, %parallel_loop3A_146 : vector<16xf32>
      %parallel_loop3A_148 = arith.mulf %parallel_loop3A_147, %parallel_loop3A_146 : vector<16xf32>
      %parallel_loop3A_149 = arith.constant 1.500000e+00 : f32
      %parallel_loop3A_150 = vector.broadcast %parallel_loop3A_149 : f32 to vector<16xf32>
      %parallel_loop3A_151 = arith.subf %parallel_loop3A_150, %parallel_loop3A_148 : vector<16xf32>
      %parallel_loop3A_152 = arith.mulf %parallel_loop3A_146, %parallel_loop3A_151 : vector<16xf32>
      %parallel_loop3A_153 = arith.mulf %parallel_loop3A_132, %parallel_loop3A_152 : vector<16xf32>
      %parallel_loop3A_154 = arith.mulf %parallel_loop3A_153, %parallel_loop3A_152 : vector<16xf32>
      %parallel_loop3A_155 = arith.constant 1.500000e+00 : f32
      %parallel_loop3A_156 = vector.broadcast %parallel_loop3A_155 : f32 to vector<16xf32>
      %parallel_loop3A_157 = arith.subf %parallel_loop3A_156, %parallel_loop3A_154 : vector<16xf32>
      %parallel_loop3A_158 = arith.mulf %parallel_loop3A_152, %parallel_loop3A_157 : vector<16xf32>
      %parallel_loop3A_159 = arith.index_cast %parallel_loop3A_47 : i32 to index
      %parallel_loop3A_160 = tpu.vector_load %arg13[%parallel_loop3A_159] {strides = array<i32>} : memref<640xf32, #tpu.memory_space<vmem>>, vector<16xf32>,
      tpu.vector_store %arg13[%parallel_loop3A_159], %parallel_loop3A_158 {strides = array<i32>} : memref<640xf32, #tpu.memory_space<vmem>>, vector<16xf32>,
    } {sc.loop_unroll_factor = 8 : i64, sc.parallel_access}
    "tpu.region"() ({
      %run_scoped3A = tpu.sem_alloc : memref<!tpu.dma_semaphore, #tpu.memory_space<semaphore_mem>>
      %dma_start3A_45 = tpu.memref_slice %arg17[%mul3A_2] : memref<10240xf32, #tpu.memory_space<vmem_shared>> -> memref<640xf32, #tpu.memory_space<vmem_shared>>
      %dma_start3A_46 = tpu.memref_slice %arg17[%mul3A_2] : memref<10240xf32, #tpu.memory_space<vmem_shared>> -> memref<640xf32, #tpu.memory_space<vmem_shared>>
      tpu.enqueue_dma source(%arg13 : memref<640xf32, #tpu.memory_space<vmem>>) target(%dma_start3A_46 : memref<640xf32, #tpu.memory_space<vmem_shared>>) target_semaphore(%run_scoped3A : memref<!tpu.dma_semaphore, #tpu.memory_space<semaphore_mem>>)
      %dma_wait3A_47 = tpu.memref_slice %arg17[%mul3A_2] : memref<10240xf32, #tpu.memory_space<vmem_shared>> -> memref<640xf32, #tpu.memory_space<vmem_shared>>
      %dma_wait3A_48 = tpu.memref_slice %arg17[%mul3A_2] : memref<10240xf32, #tpu.memory_space<vmem_shared>> -> memref<640xf32, #tpu.memory_space<vmem_shared>>
      tpu.wait_dma2 semaphore(%run_scoped3A : memref<!tpu.dma_semaphore, #tpu.memory_space<semaphore_mem>>) src(%arg13 : memref<640xf32, #tpu.memory_space<vmem>>) dst(%dma_wait3A_48 : memref<640xf32, #tpu.memory_space<vmem_shared>>)
      tpu.yield
    }) : () -> ()
    %barrier3A_21 = arith.constant 0 : index
    tpu.barrier barrier_id(%barrier3A_21)
    tpu.enqueue_dma source(%arg17 : memref<10240xf32, #tpu.memory_space<vmem_shared>>) target(%arg10 : memref<10240xf32, #tpu.memory_space<vmem>>) target_semaphore(%arg15 : memref<!tpu.dma_semaphore, #tpu.memory_space<semaphore_mem>>)
    %parallel_loop3A_22 = arith.constant 0 : i32
    %parallel_loop3A_23 = arith.constant 640 : i32
    %parallel_loop3A_24 = arith.constant 1 : i32
    scf.for %parallel_loop3A_45 = %parallel_loop3A_22 to %parallel_loop3A_23 step %parallel_loop3A_24  : i32 {
      %parallel_loop3A_46 = arith.constant 16 : i32
      %parallel_loop3A_47 = arith.muli %parallel_loop3A_45, %parallel_loop3A_46 : i32
      %parallel_loop3A_48 = arith.index_cast %parallel_loop3A_47 : i32 to index
      %parallel_loop3A_49 = tpu.vector_load %arg9[%parallel_loop3A_48] {strides = array<i32>} : memref<10240xf32, #tpu.memory_space<vmem>>, vector<16xf32>,
      tpu.vector_store %arg9[%parallel_loop3A_48], %broadcast_in_dim3A_3 {strides = array<i32>} : memref<10240xf32, #tpu.memory_space<vmem>>, vector<16xf32>,
    } {sc.loop_unroll_factor = 16 : i64, sc.parallel_access}
    %dma_wait3A_25 = tpu.memref_slice %arg2[%mul3A_0] : memref<640000xi32, #tpu.memory_space<hbm>> -> memref<20000xi32, #tpu.memory_space<hbm>>
    %dma_wait3A_26 = tpu.memref_slice %arg2[%mul3A_0] : memref<640000xi32, #tpu.memory_space<hbm>> -> memref<20000xi32, #tpu.memory_space<hbm>>
    tpu.wait_dma2 semaphore(%arg14 : memref<!tpu.dma_semaphore, #tpu.memory_space<semaphore_mem>>) src(%dma_wait3A_26 : memref<20000xi32, #tpu.memory_space<hbm>>) dst(%arg6 : memref<20000xi32, #tpu.memory_space<vmem>>)
    tpu.wait_dma2 semaphore(%arg15 : memref<!tpu.dma_semaphore, #tpu.memory_space<semaphore_mem>>) src(%arg17 : memref<10240xf32, #tpu.memory_space<vmem_shared>>) dst(%arg10 : memref<10240xf32, #tpu.memory_space<vmem>>)
    %parallel_loop3A_27 = arith.constant 0 : i32
    %parallel_loop3A_28 = arith.constant 1250 : i32
    %parallel_loop3A_29 = arith.constant 1 : i32
    scf.for %parallel_loop3A_45 = %parallel_loop3A_27 to %parallel_loop3A_28 step %parallel_loop3A_29  : i32 {
      %parallel_loop3A_46 = arith.constant 16 : i32
      %parallel_loop3A_47 = arith.muli %parallel_loop3A_45, %parallel_loop3A_46 : i32
      %parallel_loop3A_48 = arith.index_cast %parallel_loop3A_47 : i32 to index
      %parallel_loop3A_49 = tpu.vector_load %arg8[%parallel_loop3A_48] {strides = array<i32>} : memref<20000xf32, #tpu.memory_space<vmem>>, vector<16xf32>,
      %parallel_loop3A_50 = arith.index_cast %parallel_loop3A_47 : i32 to index
      %parallel_loop3A_51 = tpu.vector_load %arg7[%parallel_loop3A_50] {strides = array<i32>} : memref<20000xi32, #tpu.memory_space<vmem>>, vector<16xi32>,
      %parallel_loop3A_52 = tpu.vector_load_idx %arg10[%parallel_loop3A_51] : memref<10240xf32, #tpu.memory_space<vmem>>[vector<16xi32>], vector<16xf32>,
      %parallel_loop3A_53 = arith.mulf %parallel_loop3A_49, %parallel_loop3A_52 : vector<16xf32>
      %parallel_loop3A_54 = arith.index_cast %parallel_loop3A_47 : i32 to index
      %parallel_loop3A_55 = tpu.vector_load %arg8[%parallel_loop3A_54] {strides = array<i32>} : memref<20000xf32, #tpu.memory_space<vmem>>, vector<16xf32>,
      tpu.vector_store %arg8[%parallel_loop3A_54], %parallel_loop3A_53 {strides = array<i32>} : memref<20000xf32, #tpu.memory_space<vmem>>, vector<16xf32>,
      %parallel_loop3A_56 = arith.index_cast %parallel_loop3A_47 : i32 to index
      %parallel_loop3A_57 = tpu.vector_load %arg6[%parallel_loop3A_56] {strides = array<i32>} : memref<20000xi32, #tpu.memory_space<vmem>>, vector<16xi32>,
      tpu.vector_store_idx %arg9[%parallel_loop3A_57], %parallel_loop3A_53 {add = true} : memref<10240xf32, #tpu.memory_space<vmem>>[vector<16xi32>], vector<16xf32>,
    } {sc.loop_unroll_factor = 10 : i64, sc.parallel_access}
    "tpu.region"() ({
      %run_scoped3A = tpu.sem_alloc : memref<!tpu.dma_semaphore, #tpu.memory_space<semaphore_mem>>
      %dma_start3A_45 = arith.constant 0 : i32
      %dma_start3A_46 = tpu.memref_slice %arg16[%arg1, %dma_start3A_45] : memref<16x10240xf32, #tpu.memory_space<vmem_shared>> -> memref<1x10240xf32, #tpu.memory_space<vmem_shared>>
      %dma_start3A_47 = tpu.memref_squeeze %dma_start3A_46 : memref<1x10240xf32, #tpu.memory_space<vmem_shared>> -> memref<10240xf32, #tpu.memory_space<vmem_shared>>
      %dma_start3A_48 = arith.constant 0 : i32
      %dma_start3A_49 = tpu.memref_slice %arg16[%arg1, %dma_start3A_48] : memref<16x10240xf32, #tpu.memory_space<vmem_shared>> -> memref<1x10240xf32, #tpu.memory_space<vmem_shared>>
      %dma_start3A_50 = tpu.memref_squeeze %dma_start3A_49 : memref<1x10240xf32, #tpu.memory_space<vmem_shared>> -> memref<10240xf32, #tpu.memory_space<vmem_shared>>
      tpu.enqueue_dma source(%arg9 : memref<10240xf32, #tpu.memory_space<vmem>>) target(%dma_start3A_50 : memref<10240xf32, #tpu.memory_space<vmem_shared>>) target_semaphore(%run_scoped3A : memref<!tpu.dma_semaphore, #tpu.memory_space<semaphore_mem>>)
      %dma_wait3A_51 = arith.constant 0 : i32
      %dma_wait3A_52 = tpu.memref_slice %arg16[%arg1, %dma_wait3A_51] : memref<16x10240xf32, #tpu.memory_space<vmem_shared>> -> memref<1x10240xf32, #tpu.memory_space<vmem_shared>>
      %dma_wait3A_53 = tpu.memref_squeeze %dma_wait3A_52 : memref<1x10240xf32, #tpu.memory_space<vmem_shared>> -> memref<10240xf32, #tpu.memory_space<vmem_shared>>
      %dma_wait3A_54 = arith.constant 0 : i32
      %dma_wait3A_55 = tpu.memref_slice %arg16[%arg1, %dma_wait3A_54] : memref<16x10240xf32, #tpu.memory_space<vmem_shared>> -> memref<1x10240xf32, #tpu.memory_space<vmem_shared>>
      %dma_wait3A_56 = tpu.memref_squeeze %dma_wait3A_55 : memref<1x10240xf32, #tpu.memory_space<vmem_shared>> -> memref<10240xf32, #tpu.memory_space<vmem_shared>>
      tpu.wait_dma2 semaphore(%run_scoped3A : memref<!tpu.dma_semaphore, #tpu.memory_space<semaphore_mem>>) src(%arg9 : memref<10240xf32, #tpu.memory_space<vmem>>) dst(%dma_wait3A_56 : memref<10240xf32, #tpu.memory_space<vmem_shared>>)
      tpu.yield
    }) : () -> ()
    %barrier3A_30 = arith.constant 0 : index
    tpu.barrier barrier_id(%barrier3A_30)
    "tpu.region"() ({
      %run_scoped3A = tpu.sem_alloc : memref<!tpu.dma_semaphore, #tpu.memory_space<semaphore_mem>>
      %dma_start3A_45 = arith.constant 0 : i32
      %dma_start3A_46 = tpu.memref_slice %arg16[%dma_start3A_45, %mul3A_2] : memref<16x10240xf32, #tpu.memory_space<vmem_shared>> -> memref<16x640xf32, #tpu.memory_space<vmem_shared>>
      %dma_start3A_47 = arith.constant 0 : i32
      %dma_start3A_48 = tpu.memref_slice %arg16[%dma_start3A_47, %mul3A_2] : memref<16x10240xf32, #tpu.memory_space<vmem_shared>> -> memref<16x640xf32, #tpu.memory_space<vmem_shared>>
      tpu.enqueue_dma source(%dma_start3A_48 : memref<16x640xf32, #tpu.memory_space<vmem_shared>>) target(%arg12 : memref<16x640xf32, #tpu.memory_space<vmem>>) target_semaphore(%run_scoped3A : memref<!tpu.dma_semaphore, #tpu.memory_space<semaphore_mem>>)
      %dma_wait3A_49 = arith.constant 0 : i32
      %dma_wait3A_50 = tpu.memref_slice %arg16[%dma_wait3A_49, %mul3A_2] : memref<16x10240xf32, #tpu.memory_space<vmem_shared>> -> memref<16x640xf32, #tpu.memory_space<vmem_shared>>
      %dma_wait3A_51 = arith.constant 0 : i32
      %dma_wait3A_52 = tpu.memref_slice %arg16[%dma_wait3A_51, %mul3A_2] : memref<16x10240xf32, #tpu.memory_space<vmem_shared>> -> memref<16x640xf32, #tpu.memory_space<vmem_shared>>
      tpu.wait_dma2 semaphore(%run_scoped3A : memref<!tpu.dma_semaphore, #tpu.memory_space<semaphore_mem>>) src(%dma_wait3A_52 : memref<16x640xf32, #tpu.memory_space<vmem_shared>>) dst(%arg12 : memref<16x640xf32, #tpu.memory_space<vmem>>)
      tpu.yield
    }) : () -> ()
    %parallel_loop3A_31 = arith.constant 0 : i32
    %parallel_loop3A_32 = arith.constant 40 : i32
    %parallel_loop3A_33 = arith.constant 1 : i32
    scf.for %parallel_loop3A_45 = %parallel_loop3A_31 to %parallel_loop3A_32 step %parallel_loop3A_33  : i32 {
      %parallel_loop3A_46 = arith.constant 16 : i32
      %parallel_loop3A_47 = arith.muli %parallel_loop3A_45, %parallel_loop3A_46 : i32
      %parallel_loop3A_48 = arith.constant 16 : i32
      %parallel_loop3A_49 = arith.muli %parallel_loop3A_45, %parallel_loop3A_48 : i32
      %parallel_loop3A_50 = arith.addi %mul3A_2, %parallel_loop3A_49 : i32
      %parallel_loop3A_51 = arith.index_cast %parallel_loop3A_50 : i32 to index
      %parallel_loop3A_52 = tpu.vector_load %arg10[%parallel_loop3A_51] {strides = array<i32>} : memref<10240xf32, #tpu.memory_space<vmem>>, vector<16xf32>,
      %parallel_loop3A_53 = arith.constant 0.000000e+00 : f32
      %parallel_loop3A_54 = vector.broadcast %parallel_loop3A_53 : f32 to vector<16xf32>
      %parallel_loop3A_55 = arith.constant 0 : i32
      %parallel_loop3A_56 = arith.index_cast %parallel_loop3A_55 : i32 to index
      %parallel_loop3A_57 = arith.index_cast %parallel_loop3A_47 : i32 to index
      %parallel_loop3A_58 = tpu.vector_load %arg12[%parallel_loop3A_56, %parallel_loop3A_57] {strides = array<i32>} : memref<16x640xf32, #tpu.memory_space<vmem>>, vector<16xf32>,
      %parallel_loop3A_59 = arith.addf %parallel_loop3A_54, %parallel_loop3A_58 : vector<16xf32>
      %parallel_loop3A_60 = arith.constant 1 : i32
      %parallel_loop3A_61 = arith.index_cast %parallel_loop3A_60 : i32 to index
      %parallel_loop3A_62 = arith.index_cast %parallel_loop3A_47 : i32 to index
      %parallel_loop3A_63 = tpu.vector_load %arg12[%parallel_loop3A_61, %parallel_loop3A_62] {strides = array<i32>} : memref<16x640xf32, #tpu.memory_space<vmem>>, vector<16xf32>,
      %parallel_loop3A_64 = arith.addf %parallel_loop3A_59, %parallel_loop3A_63 : vector<16xf32>
      %parallel_loop3A_65 = arith.constant 2 : i32
      %parallel_loop3A_66 = arith.index_cast %parallel_loop3A_65 : i32 to index
      %parallel_loop3A_67 = arith.index_cast %parallel_loop3A_47 : i32 to index
      %parallel_loop3A_68 = tpu.vector_load %arg12[%parallel_loop3A_66, %parallel_loop3A_67] {strides = array<i32>} : memref<16x640xf32, #tpu.memory_space<vmem>>, vector<16xf32>,
      %parallel_loop3A_69 = arith.addf %parallel_loop3A_64, %parallel_loop3A_68 : vector<16xf32>
      %parallel_loop3A_70 = arith.constant 3 : i32
      %parallel_loop3A_71 = arith.index_cast %parallel_loop3A_70 : i32 to index
      %parallel_loop3A_72 = arith.index_cast %parallel_loop3A_47 : i32 to index
      %parallel_loop3A_73 = tpu.vector_load %arg12[%parallel_loop3A_71, %parallel_loop3A_72] {strides = array<i32>} : memref<16x640xf32, #tpu.memory_space<vmem>>, vector<16xf32>,
      %parallel_loop3A_74 = arith.addf %parallel_loop3A_69, %parallel_loop3A_73 : vector<16xf32>
      %parallel_loop3A_75 = arith.constant 4 : i32
      %parallel_loop3A_76 = arith.index_cast %parallel_loop3A_75 : i32 to index
      %parallel_loop3A_77 = arith.index_cast %parallel_loop3A_47 : i32 to index
      %parallel_loop3A_78 = tpu.vector_load %arg12[%parallel_loop3A_76, %parallel_loop3A_77] {strides = array<i32>} : memref<16x640xf32, #tpu.memory_space<vmem>>, vector<16xf32>,
      %parallel_loop3A_79 = arith.addf %parallel_loop3A_74, %parallel_loop3A_78 : vector<16xf32>
      %parallel_loop3A_80 = arith.constant 5 : i32
      %parallel_loop3A_81 = arith.index_cast %parallel_loop3A_80 : i32 to index
      %parallel_loop3A_82 = arith.index_cast %parallel_loop3A_47 : i32 to index
      %parallel_loop3A_83 = tpu.vector_load %arg12[%parallel_loop3A_81, %parallel_loop3A_82] {strides = array<i32>} : memref<16x640xf32, #tpu.memory_space<vmem>>, vector<16xf32>,
      %parallel_loop3A_84 = arith.addf %parallel_loop3A_79, %parallel_loop3A_83 : vector<16xf32>
      %parallel_loop3A_85 = arith.constant 6 : i32
      %parallel_loop3A_86 = arith.index_cast %parallel_loop3A_85 : i32 to index
      %parallel_loop3A_87 = arith.index_cast %parallel_loop3A_47 : i32 to index
      %parallel_loop3A_88 = tpu.vector_load %arg12[%parallel_loop3A_86, %parallel_loop3A_87] {strides = array<i32>} : memref<16x640xf32, #tpu.memory_space<vmem>>, vector<16xf32>,
      %parallel_loop3A_89 = arith.addf %parallel_loop3A_84, %parallel_loop3A_88 : vector<16xf32>
      %parallel_loop3A_90 = arith.constant 7 : i32
      %parallel_loop3A_91 = arith.index_cast %parallel_loop3A_90 : i32 to index
      %parallel_loop3A_92 = arith.index_cast %parallel_loop3A_47 : i32 to index
      %parallel_loop3A_93 = tpu.vector_load %arg12[%parallel_loop3A_91, %parallel_loop3A_92] {strides = array<i32>} : memref<16x640xf32, #tpu.memory_space<vmem>>, vector<16xf32>,
      %parallel_loop3A_94 = arith.addf %parallel_loop3A_89, %parallel_loop3A_93 : vector<16xf32>
      %parallel_loop3A_95 = arith.constant 8 : i32
      %parallel_loop3A_96 = arith.index_cast %parallel_loop3A_95 : i32 to index
      %parallel_loop3A_97 = arith.index_cast %parallel_loop3A_47 : i32 to index
      %parallel_loop3A_98 = tpu.vector_load %arg12[%parallel_loop3A_96, %parallel_loop3A_97] {strides = array<i32>} : memref<16x640xf32, #tpu.memory_space<vmem>>, vector<16xf32>,
      %parallel_loop3A_99 = arith.addf %parallel_loop3A_94, %parallel_loop3A_98 : vector<16xf32>
      %parallel_loop3A_100 = arith.constant 9 : i32
      %parallel_loop3A_101 = arith.index_cast %parallel_loop3A_100 : i32 to index
      %parallel_loop3A_102 = arith.index_cast %parallel_loop3A_47 : i32 to index
      %parallel_loop3A_103 = tpu.vector_load %arg12[%parallel_loop3A_101, %parallel_loop3A_102] {strides = array<i32>} : memref<16x640xf32, #tpu.memory_space<vmem>>, vector<16xf32>,
      %parallel_loop3A_104 = arith.addf %parallel_loop3A_99, %parallel_loop3A_103 : vector<16xf32>
      %parallel_loop3A_105 = arith.constant 10 : i32
      %parallel_loop3A_106 = arith.index_cast %parallel_loop3A_105 : i32 to index
      %parallel_loop3A_107 = arith.index_cast %parallel_loop3A_47 : i32 to index
      %parallel_loop3A_108 = tpu.vector_load %arg12[%parallel_loop3A_106, %parallel_loop3A_107] {strides = array<i32>} : memref<16x640xf32, #tpu.memory_space<vmem>>, vector<16xf32>,
      %parallel_loop3A_109 = arith.addf %parallel_loop3A_104, %parallel_loop3A_108 : vector<16xf32>
      %parallel_loop3A_110 = arith.constant 11 : i32
      %parallel_loop3A_111 = arith.index_cast %parallel_loop3A_110 : i32 to index
      %parallel_loop3A_112 = arith.index_cast %parallel_loop3A_47 : i32 to index
      %parallel_loop3A_113 = tpu.vector_load %arg12[%parallel_loop3A_111, %parallel_loop3A_112] {strides = array<i32>} : memref<16x640xf32, #tpu.memory_space<vmem>>, vector<16xf32>,
      %parallel_loop3A_114 = arith.addf %parallel_loop3A_109, %parallel_loop3A_113 : vector<16xf32>
      %parallel_loop3A_115 = arith.constant 12 : i32
      %parallel_loop3A_116 = arith.index_cast %parallel_loop3A_115 : i32 to index
      %parallel_loop3A_117 = arith.index_cast %parallel_loop3A_47 : i32 to index
      %parallel_loop3A_118 = tpu.vector_load %arg12[%parallel_loop3A_116, %parallel_loop3A_117] {strides = array<i32>} : memref<16x640xf32, #tpu.memory_space<vmem>>, vector<16xf32>,
      %parallel_loop3A_119 = arith.addf %parallel_loop3A_114, %parallel_loop3A_118 : vector<16xf32>
      %parallel_loop3A_120 = arith.constant 13 : i32
      %parallel_loop3A_121 = arith.index_cast %parallel_loop3A_120 : i32 to index
      %parallel_loop3A_122 = arith.index_cast %parallel_loop3A_47 : i32 to index
      %parallel_loop3A_123 = tpu.vector_load %arg12[%parallel_loop3A_121, %parallel_loop3A_122] {strides = array<i32>} : memref<16x640xf32, #tpu.memory_space<vmem>>, vector<16xf32>,
      %parallel_loop3A_124 = arith.addf %parallel_loop3A_119, %parallel_loop3A_123 : vector<16xf32>
      %parallel_loop3A_125 = arith.constant 14 : i32
      %parallel_loop3A_126 = arith.index_cast %parallel_loop3A_125 : i32 to index
      %parallel_loop3A_127 = arith.index_cast %parallel_loop3A_47 : i32 to index
      %parallel_loop3A_128 = tpu.vector_load %arg12[%parallel_loop3A_126, %parallel_loop3A_127] {strides = array<i32>} : memref<16x640xf32, #tpu.memory_space<vmem>>, vector<16xf32>,
      %parallel_loop3A_129 = arith.addf %parallel_loop3A_124, %parallel_loop3A_128 : vector<16xf32>
      %parallel_loop3A_130 = arith.constant 15 : i32
      %parallel_loop3A_131 = arith.index_cast %parallel_loop3A_130 : i32 to index
      %parallel_loop3A_132 = arith.index_cast %parallel_loop3A_47 : i32 to index
      %parallel_loop3A_133 = tpu.vector_load %arg12[%parallel_loop3A_131, %parallel_loop3A_132] {strides = array<i32>} : memref<16x640xf32, #tpu.memory_space<vmem>>, vector<16xf32>,
      %parallel_loop3A_134 = arith.addf %parallel_loop3A_129, %parallel_loop3A_133 : vector<16xf32>
      %parallel_loop3A_135 = arith.mulf %parallel_loop3A_52, %parallel_loop3A_134 : vector<16xf32>
      %parallel_loop3A_136 = arith.mulf %parallel_loop3A_52, %parallel_loop3A_52 : vector<16xf32>
      %parallel_loop3A_137 = arith.addf %parallel_loop3A_135, %parallel_loop3A_136 : vector<16xf32>
      %parallel_loop3A_138 = arith.index_cast %parallel_loop3A_47 : i32 to index
      %parallel_loop3A_139 = tpu.vector_load %arg13[%parallel_loop3A_138] {strides = array<i32>} : memref<640xf32, #tpu.memory_space<vmem>>, vector<16xf32>,
      tpu.vector_store %arg13[%parallel_loop3A_138], %parallel_loop3A_137 {strides = array<i32>} : memref<640xf32, #tpu.memory_space<vmem>>, vector<16xf32>,
    } {sc.loop_unroll_factor = 8 : i64, sc.parallel_access}
    "tpu.region"() ({
      %run_scoped3A = tpu.sem_alloc : memref<!tpu.dma_semaphore, #tpu.memory_space<semaphore_mem>>
      %dma_start3A_45 = tpu.memref_slice %arg17[%mul3A_2] : memref<10240xf32, #tpu.memory_space<vmem_shared>> -> memref<640xf32, #tpu.memory_space<vmem_shared>>
      %dma_start3A_46 = tpu.memref_slice %arg17[%mul3A_2] : memref<10240xf32, #tpu.memory_space<vmem_shared>> -> memref<640xf32, #tpu.memory_space<vmem_shared>>
      tpu.enqueue_dma source(%arg13 : memref<640xf32, #tpu.memory_space<vmem>>) target(%dma_start3A_46 : memref<640xf32, #tpu.memory_space<vmem_shared>>) target_semaphore(%run_scoped3A : memref<!tpu.dma_semaphore, #tpu.memory_space<semaphore_mem>>)
      %dma_wait3A_47 = tpu.memref_slice %arg17[%mul3A_2] : memref<10240xf32, #tpu.memory_space<vmem_shared>> -> memref<640xf32, #tpu.memory_space<vmem_shared>>
      %dma_wait3A_48 = tpu.memref_slice %arg17[%mul3A_2] : memref<10240xf32, #tpu.memory_space<vmem_shared>> -> memref<640xf32, #tpu.memory_space<vmem_shared>>
      tpu.wait_dma2 semaphore(%run_scoped3A : memref<!tpu.dma_semaphore, #tpu.memory_space<semaphore_mem>>) src(%arg13 : memref<640xf32, #tpu.memory_space<vmem>>) dst(%dma_wait3A_48 : memref<640xf32, #tpu.memory_space<vmem_shared>>)
      tpu.yield
    }) : () -> ()
    "tpu.region"() ({
      %run_scoped3A = tpu.sem_alloc : memref<!tpu.dma_semaphore, #tpu.memory_space<semaphore_mem>>
      %dma_start3A_45 = tpu.memref_slice %arg5[%mul3A_2] : memref<10240xf32, #tpu.memory_space<hbm>> -> memref<640xf32, #tpu.memory_space<hbm>>
      %dma_start3A_46 = tpu.memref_slice %arg5[%mul3A_2] : memref<10240xf32, #tpu.memory_space<hbm>> -> memref<640xf32, #tpu.memory_space<hbm>>
      tpu.enqueue_dma source(%arg13 : memref<640xf32, #tpu.memory_space<vmem>>) target(%dma_start3A_46 : memref<640xf32, #tpu.memory_space<hbm>>) target_semaphore(%run_scoped3A : memref<!tpu.dma_semaphore, #tpu.memory_space<semaphore_mem>>)
      %dma_wait3A_47 = tpu.memref_slice %arg5[%mul3A_2] : memref<10240xf32, #tpu.memory_space<hbm>> -> memref<640xf32, #tpu.memory_space<hbm>>
      %dma_wait3A_48 = tpu.memref_slice %arg5[%mul3A_2] : memref<10240xf32, #tpu.memory_space<hbm>> -> memref<640xf32, #tpu.memory_space<hbm>>
      tpu.wait_dma2 semaphore(%run_scoped3A : memref<!tpu.dma_semaphore, #tpu.memory_space<semaphore_mem>>) src(%arg13 : memref<640xf32, #tpu.memory_space<vmem>>) dst(%dma_wait3A_48 : memref<640xf32, #tpu.memory_space<hbm>>)
      tpu.yield
    }) : () -> ()
    %barrier3A_34 = arith.constant 0 : index
    tpu.barrier barrier_id(%barrier3A_34)
    tpu.enqueue_dma source(%arg17 : memref<10240xf32, #tpu.memory_space<vmem_shared>>) target(%arg11 : memref<10240xf32, #tpu.memory_space<vmem>>) target_semaphore(%arg15 : memref<!tpu.dma_semaphore, #tpu.memory_space<semaphore_mem>>)
    %parallel_loop3A_35 = arith.constant 0 : i32
    %parallel_loop3A_36 = arith.constant 640 : i32
    %parallel_loop3A_37 = arith.constant 1 : i32
    scf.for %parallel_loop3A_45 = %parallel_loop3A_35 to %parallel_loop3A_36 step %parallel_loop3A_37  : i32 {
      %parallel_loop3A_46 = arith.constant 16 : i32
      %parallel_loop3A_47 = arith.muli %parallel_loop3A_45, %parallel_loop3A_46 : i32
      %parallel_loop3A_48 = arith.index_cast %parallel_loop3A_47 : i32 to index
      %parallel_loop3A_49 = tpu.vector_load %arg9[%parallel_loop3A_48] {strides = array<i32>} : memref<10240xf32, #tpu.memory_space<vmem>>, vector<16xf32>,
      tpu.vector_store %arg9[%parallel_loop3A_48], %broadcast_in_dim3A_3 {strides = array<i32>} : memref<10240xf32, #tpu.memory_space<vmem>>, vector<16xf32>,
    } {sc.loop_unroll_factor = 16 : i64, sc.parallel_access}
    tpu.wait_dma2 semaphore(%arg15 : memref<!tpu.dma_semaphore, #tpu.memory_space<semaphore_mem>>) src(%arg17 : memref<10240xf32, #tpu.memory_space<vmem_shared>>) dst(%arg11 : memref<10240xf32, #tpu.memory_space<vmem>>)
    %parallel_loop3A_38 = arith.constant 0 : i32
    %parallel_loop3A_39 = arith.constant 1250 : i32
    %parallel_loop3A_40 = arith.constant 1 : i32
    scf.for %parallel_loop3A_45 = %parallel_loop3A_38 to %parallel_loop3A_39 step %parallel_loop3A_40  : i32 {
      %parallel_loop3A_46 = arith.constant 16 : i32
      %parallel_loop3A_47 = arith.muli %parallel_loop3A_45, %parallel_loop3A_46 : i32
      %parallel_loop3A_48 = arith.index_cast %parallel_loop3A_47 : i32 to index
      %parallel_loop3A_49 = tpu.vector_load %arg7[%parallel_loop3A_48] {strides = array<i32>} : memref<20000xi32, #tpu.memory_space<vmem>>, vector<16xi32>,
      %parallel_loop3A_50 = tpu.vector_load_idx %arg11[%parallel_loop3A_49] : memref<10240xf32, #tpu.memory_space<vmem>>[vector<16xi32>], vector<16xf32>,
      %parallel_loop3A_51 = arith.index_cast %parallel_loop3A_47 : i32 to index
      %parallel_loop3A_52 = tpu.vector_load %arg6[%parallel_loop3A_51] {strides = array<i32>} : memref<20000xi32, #tpu.memory_space<vmem>>, vector<16xi32>,
      %parallel_loop3A_53 = arith.index_cast %parallel_loop3A_47 : i32 to index
      %parallel_loop3A_54 = tpu.vector_load %arg8[%parallel_loop3A_53] {strides = array<i32>} : memref<20000xf32, #tpu.memory_space<vmem>>, vector<16xf32>,
      %parallel_loop3A_55 = arith.mulf %parallel_loop3A_54, %parallel_loop3A_50 : vector<16xf32>
      tpu.vector_store_idx %arg9[%parallel_loop3A_52], %parallel_loop3A_55 {add = true} : memref<10240xf32, #tpu.memory_space<vmem>>[vector<16xi32>], vector<16xf32>,
    } {sc.loop_unroll_factor = 10 : i64, sc.parallel_access}
    "tpu.region"() ({
      %run_scoped3A = tpu.sem_alloc : memref<!tpu.dma_semaphore, #tpu.memory_space<semaphore_mem>>
      %dma_start3A_45 = arith.constant 0 : i32
      %dma_start3A_46 = tpu.memref_slice %arg16[%arg1, %dma_start3A_45] : memref<16x10240xf32, #tpu.memory_space<vmem_shared>> -> memref<1x10240xf32, #tpu.memory_space<vmem_shared>>
      %dma_start3A_47 = tpu.memref_squeeze %dma_start3A_46 : memref<1x10240xf32, #tpu.memory_space<vmem_shared>> -> memref<10240xf32, #tpu.memory_space<vmem_shared>>
      %dma_start3A_48 = arith.constant 0 : i32
      %dma_start3A_49 = tpu.memref_slice %arg16[%arg1, %dma_start3A_48] : memref<16x10240xf32, #tpu.memory_space<vmem_shared>> -> memref<1x10240xf32, #tpu.memory_space<vmem_shared>>
      %dma_start3A_50 = tpu.memref_squeeze %dma_start3A_49 : memref<1x10240xf32, #tpu.memory_space<vmem_shared>> -> memref<10240xf32, #tpu.memory_space<vmem_shared>>
      tpu.enqueue_dma source(%arg9 : memref<10240xf32, #tpu.memory_space<vmem>>) target(%dma_start3A_50 : memref<10240xf32, #tpu.memory_space<vmem_shared>>) target_semaphore(%run_scoped3A : memref<!tpu.dma_semaphore, #tpu.memory_space<semaphore_mem>>)
      %dma_wait3A_51 = arith.constant 0 : i32
      %dma_wait3A_52 = tpu.memref_slice %arg16[%arg1, %dma_wait3A_51] : memref<16x10240xf32, #tpu.memory_space<vmem_shared>> -> memref<1x10240xf32, #tpu.memory_space<vmem_shared>>
      %dma_wait3A_53 = tpu.memref_squeeze %dma_wait3A_52 : memref<1x10240xf32, #tpu.memory_space<vmem_shared>> -> memref<10240xf32, #tpu.memory_space<vmem_shared>>
      %dma_wait3A_54 = arith.constant 0 : i32
      %dma_wait3A_55 = tpu.memref_slice %arg16[%arg1, %dma_wait3A_54] : memref<16x10240xf32, #tpu.memory_space<vmem_shared>> -> memref<1x10240xf32, #tpu.memory_space<vmem_shared>>
      %dma_wait3A_56 = tpu.memref_squeeze %dma_wait3A_55 : memref<1x10240xf32, #tpu.memory_space<vmem_shared>> -> memref<10240xf32, #tpu.memory_space<vmem_shared>>
      tpu.wait_dma2 semaphore(%run_scoped3A : memref<!tpu.dma_semaphore, #tpu.memory_space<semaphore_mem>>) src(%arg9 : memref<10240xf32, #tpu.memory_space<vmem>>) dst(%dma_wait3A_56 : memref<10240xf32, #tpu.memory_space<vmem_shared>>)
      tpu.yield
    }) : () -> ()
    %barrier3A_41 = arith.constant 0 : index
    tpu.barrier barrier_id(%barrier3A_41)
    "tpu.region"() ({
      %run_scoped3A = tpu.sem_alloc : memref<!tpu.dma_semaphore, #tpu.memory_space<semaphore_mem>>
      %dma_start3A_45 = arith.constant 0 : i32
      %dma_start3A_46 = tpu.memref_slice %arg16[%dma_start3A_45, %mul3A_2] : memref<16x10240xf32, #tpu.memory_space<vmem_shared>> -> memref<16x640xf32, #tpu.memory_space<vmem_shared>>
      %dma_start3A_47 = arith.constant 0 : i32
      %dma_start3A_48 = tpu.memref_slice %arg16[%dma_start3A_47, %mul3A_2] : memref<16x10240xf32, #tpu.memory_space<vmem_shared>> -> memref<16x640xf32, #tpu.memory_space<vmem_shared>>
      tpu.enqueue_dma source(%dma_start3A_48 : memref<16x640xf32, #tpu.memory_space<vmem_shared>>) target(%arg12 : memref<16x640xf32, #tpu.memory_space<vmem>>) target_semaphore(%run_scoped3A : memref<!tpu.dma_semaphore, #tpu.memory_space<semaphore_mem>>)
      %dma_wait3A_49 = arith.constant 0 : i32
      %dma_wait3A_50 = tpu.memref_slice %arg16[%dma_wait3A_49, %mul3A_2] : memref<16x10240xf32, #tpu.memory_space<vmem_shared>> -> memref<16x640xf32, #tpu.memory_space<vmem_shared>>
      %dma_wait3A_51 = arith.constant 0 : i32
      %dma_wait3A_52 = tpu.memref_slice %arg16[%dma_wait3A_51, %mul3A_2] : memref<16x10240xf32, #tpu.memory_space<vmem_shared>> -> memref<16x640xf32, #tpu.memory_space<vmem_shared>>
      tpu.wait_dma2 semaphore(%run_scoped3A : memref<!tpu.dma_semaphore, #tpu.memory_space<semaphore_mem>>) src(%dma_wait3A_52 : memref<16x640xf32, #tpu.memory_space<vmem_shared>>) dst(%arg12 : memref<16x640xf32, #tpu.memory_space<vmem>>)
      tpu.yield
    }) : () -> ()
    %parallel_loop3A_42 = arith.constant 0 : i32
    %parallel_loop3A_43 = arith.constant 40 : i32
    %parallel_loop3A_44 = arith.constant 1 : i32
    scf.for %parallel_loop3A_45 = %parallel_loop3A_42 to %parallel_loop3A_43 step %parallel_loop3A_44  : i32 {
      %parallel_loop3A_46 = arith.constant 16 : i32
      %parallel_loop3A_47 = arith.muli %parallel_loop3A_45, %parallel_loop3A_46 : i32
      %parallel_loop3A_48 = arith.constant 16 : i32
      %parallel_loop3A_49 = arith.muli %parallel_loop3A_45, %parallel_loop3A_48 : i32
      %parallel_loop3A_50 = arith.addi %mul3A_2, %parallel_loop3A_49 : i32
      %parallel_loop3A_51 = arith.index_cast %parallel_loop3A_50 : i32 to index
      %parallel_loop3A_52 = tpu.vector_load %arg10[%parallel_loop3A_51] {strides = array<i32>} : memref<10240xf32, #tpu.memory_space<vmem>>, vector<16xf32>,
      %parallel_loop3A_53 = arith.constant 0.000000e+00 : f32
      %parallel_loop3A_54 = vector.broadcast %parallel_loop3A_53 : f32 to vector<16xf32>
      %parallel_loop3A_55 = arith.constant 0 : i32
      %parallel_loop3A_56 = arith.index_cast %parallel_loop3A_55 : i32 to index
      %parallel_loop3A_57 = arith.index_cast %parallel_loop3A_47 : i32 to index
      %parallel_loop3A_58 = tpu.vector_load %arg12[%parallel_loop3A_56, %parallel_loop3A_57] {strides = array<i32>} : memref<16x640xf32, #tpu.memory_space<vmem>>, vector<16xf32>,
      %parallel_loop3A_59 = arith.addf %parallel_loop3A_54, %parallel_loop3A_58 : vector<16xf32>
      %parallel_loop3A_60 = arith.constant 1 : i32
      %parallel_loop3A_61 = arith.index_cast %parallel_loop3A_60 : i32 to index
      %parallel_loop3A_62 = arith.index_cast %parallel_loop3A_47 : i32 to index
      %parallel_loop3A_63 = tpu.vector_load %arg12[%parallel_loop3A_61, %parallel_loop3A_62] {strides = array<i32>} : memref<16x640xf32, #tpu.memory_space<vmem>>, vector<16xf32>,
      %parallel_loop3A_64 = arith.addf %parallel_loop3A_59, %parallel_loop3A_63 : vector<16xf32>
      %parallel_loop3A_65 = arith.constant 2 : i32
      %parallel_loop3A_66 = arith.index_cast %parallel_loop3A_65 : i32 to index
      %parallel_loop3A_67 = arith.index_cast %parallel_loop3A_47 : i32 to index
      %parallel_loop3A_68 = tpu.vector_load %arg12[%parallel_loop3A_66, %parallel_loop3A_67] {strides = array<i32>} : memref<16x640xf32, #tpu.memory_space<vmem>>, vector<16xf32>,
      %parallel_loop3A_69 = arith.addf %parallel_loop3A_64, %parallel_loop3A_68 : vector<16xf32>
      %parallel_loop3A_70 = arith.constant 3 : i32
      %parallel_loop3A_71 = arith.index_cast %parallel_loop3A_70 : i32 to index
      %parallel_loop3A_72 = arith.index_cast %parallel_loop3A_47 : i32 to index
      %parallel_loop3A_73 = tpu.vector_load %arg12[%parallel_loop3A_71, %parallel_loop3A_72] {strides = array<i32>} : memref<16x640xf32, #tpu.memory_space<vmem>>, vector<16xf32>,
      %parallel_loop3A_74 = arith.addf %parallel_loop3A_69, %parallel_loop3A_73 : vector<16xf32>
      %parallel_loop3A_75 = arith.constant 4 : i32
      %parallel_loop3A_76 = arith.index_cast %parallel_loop3A_75 : i32 to index
      %parallel_loop3A_77 = arith.index_cast %parallel_loop3A_47 : i32 to index
      %parallel_loop3A_78 = tpu.vector_load %arg12[%parallel_loop3A_76, %parallel_loop3A_77] {strides = array<i32>} : memref<16x640xf32, #tpu.memory_space<vmem>>, vector<16xf32>,
      %parallel_loop3A_79 = arith.addf %parallel_loop3A_74, %parallel_loop3A_78 : vector<16xf32>
      %parallel_loop3A_80 = arith.constant 5 : i32
      %parallel_loop3A_81 = arith.index_cast %parallel_loop3A_80 : i32 to index
      %parallel_loop3A_82 = arith.index_cast %parallel_loop3A_47 : i32 to index
      %parallel_loop3A_83 = tpu.vector_load %arg12[%parallel_loop3A_81, %parallel_loop3A_82] {strides = array<i32>} : memref<16x640xf32, #tpu.memory_space<vmem>>, vector<16xf32>,
      %parallel_loop3A_84 = arith.addf %parallel_loop3A_79, %parallel_loop3A_83 : vector<16xf32>
      %parallel_loop3A_85 = arith.constant 6 : i32
      %parallel_loop3A_86 = arith.index_cast %parallel_loop3A_85 : i32 to index
      %parallel_loop3A_87 = arith.index_cast %parallel_loop3A_47 : i32 to index
      %parallel_loop3A_88 = tpu.vector_load %arg12[%parallel_loop3A_86, %parallel_loop3A_87] {strides = array<i32>} : memref<16x640xf32, #tpu.memory_space<vmem>>, vector<16xf32>,
      %parallel_loop3A_89 = arith.addf %parallel_loop3A_84, %parallel_loop3A_88 : vector<16xf32>
      %parallel_loop3A_90 = arith.constant 7 : i32
      %parallel_loop3A_91 = arith.index_cast %parallel_loop3A_90 : i32 to index
      %parallel_loop3A_92 = arith.index_cast %parallel_loop3A_47 : i32 to index
      %parallel_loop3A_93 = tpu.vector_load %arg12[%parallel_loop3A_91, %parallel_loop3A_92] {strides = array<i32>} : memref<16x640xf32, #tpu.memory_space<vmem>>, vector<16xf32>,
      %parallel_loop3A_94 = arith.addf %parallel_loop3A_89, %parallel_loop3A_93 : vector<16xf32>
      %parallel_loop3A_95 = arith.constant 8 : i32
      %parallel_loop3A_96 = arith.index_cast %parallel_loop3A_95 : i32 to index
      %parallel_loop3A_97 = arith.index_cast %parallel_loop3A_47 : i32 to index
      %parallel_loop3A_98 = tpu.vector_load %arg12[%parallel_loop3A_96, %parallel_loop3A_97] {strides = array<i32>} : memref<16x640xf32, #tpu.memory_space<vmem>>, vector<16xf32>,
      %parallel_loop3A_99 = arith.addf %parallel_loop3A_94, %parallel_loop3A_98 : vector<16xf32>
      %parallel_loop3A_100 = arith.constant 9 : i32
      %parallel_loop3A_101 = arith.index_cast %parallel_loop3A_100 : i32 to index
      %parallel_loop3A_102 = arith.index_cast %parallel_loop3A_47 : i32 to index
      %parallel_loop3A_103 = tpu.vector_load %arg12[%parallel_loop3A_101, %parallel_loop3A_102] {strides = array<i32>} : memref<16x640xf32, #tpu.memory_space<vmem>>, vector<16xf32>,
      %parallel_loop3A_104 = arith.addf %parallel_loop3A_99, %parallel_loop3A_103 : vector<16xf32>
      %parallel_loop3A_105 = arith.constant 10 : i32
      %parallel_loop3A_106 = arith.index_cast %parallel_loop3A_105 : i32 to index
      %parallel_loop3A_107 = arith.index_cast %parallel_loop3A_47 : i32 to index
      %parallel_loop3A_108 = tpu.vector_load %arg12[%parallel_loop3A_106, %parallel_loop3A_107] {strides = array<i32>} : memref<16x640xf32, #tpu.memory_space<vmem>>, vector<16xf32>,
      %parallel_loop3A_109 = arith.addf %parallel_loop3A_104, %parallel_loop3A_108 : vector<16xf32>
      %parallel_loop3A_110 = arith.constant 11 : i32
      %parallel_loop3A_111 = arith.index_cast %parallel_loop3A_110 : i32 to index
      %parallel_loop3A_112 = arith.index_cast %parallel_loop3A_47 : i32 to index
      %parallel_loop3A_113 = tpu.vector_load %arg12[%parallel_loop3A_111, %parallel_loop3A_112] {strides = array<i32>} : memref<16x640xf32, #tpu.memory_space<vmem>>, vector<16xf32>,
      %parallel_loop3A_114 = arith.addf %parallel_loop3A_109, %parallel_loop3A_113 : vector<16xf32>
      %parallel_loop3A_115 = arith.constant 12 : i32
      %parallel_loop3A_116 = arith.index_cast %parallel_loop3A_115 : i32 to index
      %parallel_loop3A_117 = arith.index_cast %parallel_loop3A_47 : i32 to index
      %parallel_loop3A_118 = tpu.vector_load %arg12[%parallel_loop3A_116, %parallel_loop3A_117] {strides = array<i32>} : memref<16x640xf32, #tpu.memory_space<vmem>>, vector<16xf32>,
      %parallel_loop3A_119 = arith.addf %parallel_loop3A_114, %parallel_loop3A_118 : vector<16xf32>
      %parallel_loop3A_120 = arith.constant 13 : i32
      %parallel_loop3A_121 = arith.index_cast %parallel_loop3A_120 : i32 to index
      %parallel_loop3A_122 = arith.index_cast %parallel_loop3A_47 : i32 to index
      %parallel_loop3A_123 = tpu.vector_load %arg12[%parallel_loop3A_121, %parallel_loop3A_122] {strides = array<i32>} : memref<16x640xf32, #tpu.memory_space<vmem>>, vector<16xf32>,
      %parallel_loop3A_124 = arith.addf %parallel_loop3A_119, %parallel_loop3A_123 : vector<16xf32>
      %parallel_loop3A_125 = arith.constant 14 : i32
      %parallel_loop3A_126 = arith.index_cast %parallel_loop3A_125 : i32 to index
      %parallel_loop3A_127 = arith.index_cast %parallel_loop3A_47 : i32 to index
      %parallel_loop3A_128 = tpu.vector_load %arg12[%parallel_loop3A_126, %parallel_loop3A_127] {strides = array<i32>} : memref<16x640xf32, #tpu.memory_space<vmem>>, vector<16xf32>,
      %parallel_loop3A_129 = arith.addf %parallel_loop3A_124, %parallel_loop3A_128 : vector<16xf32>
      %parallel_loop3A_130 = arith.constant 15 : i32
      %parallel_loop3A_131 = arith.index_cast %parallel_loop3A_130 : i32 to index
      %parallel_loop3A_132 = arith.index_cast %parallel_loop3A_47 : i32 to index
      %parallel_loop3A_133 = tpu.vector_load %arg12[%parallel_loop3A_131, %parallel_loop3A_132] {strides = array<i32>} : memref<16x640xf32, #tpu.memory_space<vmem>>, vector<16xf32>,
      %parallel_loop3A_134 = arith.addf %parallel_loop3A_129, %parallel_loop3A_133 : vector<16xf32>
      %parallel_loop3A_135 = arith.mulf %parallel_loop3A_52, %parallel_loop3A_134 : vector<16xf32>
      %parallel_loop3A_136 = arith.mulf %parallel_loop3A_52, %parallel_loop3A_52 : vector<16xf32>
      %parallel_loop3A_137 = arith.index_cast %parallel_loop3A_50 : i32 to index
      %parallel_loop3A_138 = tpu.vector_load %arg11[%parallel_loop3A_137] {strides = array<i32>} : memref<10240xf32, #tpu.memory_space<vmem>>, vector<16xf32>,
      %parallel_loop3A_139 = arith.mulf %parallel_loop3A_136, %parallel_loop3A_138 : vector<16xf32>
      %parallel_loop3A_140 = arith.addf %parallel_loop3A_135, %parallel_loop3A_139 : vector<16xf32>
      %parallel_loop3A_141 = arith.index_cast %parallel_loop3A_47 : i32 to index
      %parallel_loop3A_142 = tpu.vector_load %arg13[%parallel_loop3A_141] {strides = array<i32>} : memref<640xf32, #tpu.memory_space<vmem>>, vector<16xf32>,
      tpu.vector_store %arg13[%parallel_loop3A_141], %parallel_loop3A_140 {strides = array<i32>} : memref<640xf32, #tpu.memory_space<vmem>>, vector<16xf32>,
    } {sc.loop_unroll_factor = 8 : i64, sc.parallel_access}
    "tpu.region"() ({
      %run_scoped3A = tpu.sem_alloc : memref<!tpu.dma_semaphore, #tpu.memory_space<semaphore_mem>>
      %dma_start3A_45 = tpu.memref_slice %arg4[%mul3A_2] : memref<10240xf32, #tpu.memory_space<hbm>> -> memref<640xf32, #tpu.memory_space<hbm>>
      %dma_start3A_46 = tpu.memref_slice %arg4[%mul3A_2] : memref<10240xf32, #tpu.memory_space<hbm>> -> memref<640xf32, #tpu.memory_space<hbm>>
      tpu.enqueue_dma source(%arg13 : memref<640xf32, #tpu.memory_space<vmem>>) target(%dma_start3A_46 : memref<640xf32, #tpu.memory_space<hbm>>) target_semaphore(%run_scoped3A : memref<!tpu.dma_semaphore, #tpu.memory_space<semaphore_mem>>)
      %dma_wait3A_47 = tpu.memref_slice %arg4[%mul3A_2] : memref<10240xf32, #tpu.memory_space<hbm>> -> memref<640xf32, #tpu.memory_space<hbm>>
      %dma_wait3A_48 = tpu.memref_slice %arg4[%mul3A_2] : memref<10240xf32, #tpu.memory_space<hbm>> -> memref<640xf32, #tpu.memory_space<hbm>>
      tpu.wait_dma2 semaphore(%run_scoped3A : memref<!tpu.dma_semaphore, #tpu.memory_space<semaphore_mem>>) src(%arg13 : memref<640xf32, #tpu.memory_space<vmem>>) dst(%dma_wait3A_48 : memref<640xf32, #tpu.memory_space<hbm>>)
      tpu.yield
    }) : () -> ()
    return
  }
}

</mosaic_0001>

<sc_bundles>
// kernel: _sc_edge_kernel.3.cloned.1.call-start
scs
__scs_entry_jumppad:
0x0: {  	(pc) =	sbr.rel $0x88, $3  }
0x1: {  	(tag) =	ssettag $0x0;
	lr =	simm.s32 $0x1  }
0x2: {  	[smem:$0x3F9F] =	sst lr;
	_ =	strace $0xD0000000  }
0x3: {  	_ = 	snop  }
0x4: {  	_ = 	snop  }
0x5: {  	_ = 	snop  }
0x6: {  	_ = 	snop  }
0x7: {  	_ = 	snop  }
__scs_overlays_trampoline_lowered:
0x8: {  	[smem:$0x3FAE] =	sst s0  }
0x9: {  	[smem:$0x3FAF] =	sst s1  }
0xa: {  	[smem:$0x3FB0] =	sst s2  }
0xb: {  	[smem:$0x3FB1] =	sst s3  }
0xc: {  	[smem:$0x3FB2] =	sst s4  }
0xd: {  	[smem:$0x3FB3] =	sst s5  }
0xe: {  	[smem:$0x3FB4] =	sst s6  }
0xf: {  	[smem:$0x3FB5] =	sst s7  }
0x10: {  	[smem:$0x3FB6] =	sst s8  }
0x11: {  	[smem:$0x3FB7] =	sst s9;
	s0 =	simm.s32 @!p0 $0x0  }
0x12: {  	s1 =	sld [smem:$0x3F9D];
	s0 =	simm.s32 @p0 $0x1  }
0x13: {  	[smem:$0x3FB8] =	sst s0;
	s0 =	simm.s32 @!p1 $0x0  }
0x14: {  	s2 =	sld [smem:$0x3F9C];
	s0 =	simm.s32 @p1 $0x1  }
0x15: {  	[smem:$0x3FB9] =	sst s0;
	s0 =	simm.s32 @!p2 $0x0  }
0x16: {  	s3 =	sld [smem:$0x3FDB];
	s0 =	simm.s32 @p2 $0x1  }
0x17: {  	s4 =	simm.s32 $0x1BF5;
	[smem:$0x3FBB] =	sst s0  }
0x18: {  	s0 =	sld [smem:$0x3F9E];
	_ =	swait.ge [sflag:s4], $0x0  }
0x19: {  	s7 =	sld [smem:$0x3F9F]  }
0x1a: {  	s8 =	sadd.s32 $0xFFFFE003, lr  }
0x1b: {  	s9 =	sadd.s32 $0xFFFFFEF7, lr;
	s5 =	simm.s32 $0xFFFFFFFF;
	p2 =	slt.u32 s8, $0xFFFFF086  }
0x1c: {  	p1 =	slt.u32 s9, $0xF7A;
	s5 =	simm.s32 @!p2 $0x0  }
0x1d: {  	s5 =	simm.s32 @p1 $0x1;
	p0 =	seq.s32 s7, s2  }
0x1e: {  	s7 =	smul.u32 @!p0 $0xF7A, s2;
	p2 =	seq.s32 @!p0 s5, $0x0  }
0x1f: {  	s9 =	smul.u32 $0xF7A, s1;
	s8 =	simm.s32 @!p0 $0x1BF5;
	p2 =	por !p2, p0  }
0x20: {  	[sflag:s8] =	ssyncset.s32 @!p0 $0xFFFFF086;
	s6 =	sadd.s32 @!p0 s3, s7;
	s7 =	simm.s32 @!p0 $0x108  }
0x21: {  	s3 =	sadd.s32 s3, s9;
	s6 =	sadd.s32 @!p0 $0x88, s6;
	s7 =	simm.s32 @p2 $0x1082  }
0x22: {  	[simem:s7], [sflag:s8] =	dma.local @!p0 [hbm:s6], $0xF7A  }
0x23: {  	s9 =	sor.u32 $0xD0000000, s2;
	s6 =	simm.s32 $0x108;
	_ =	swait.ge @!p0 [sflag:s8], $0x0  }
0x24: {  	s3 =	sadd.s32 $0x88, s3;
	s6 =	simm.s32 @!p1 $0x1082;
	[sflag:s4] =	ssyncset.s32 $0xFFFFF086  }
0x25: {  	[simem:s6], [sflag:s4] =	dma.local [hbm:s3], $0xF7A  }
0x26: {  	[smem:$0x3F9F] =	sst s1;
	(tag) =	ssettag s2;
	_ =	strace s9  }
0x27: {  	s1 =	sld [smem:$0x3FAF]  }
0x28: {  	s2 =	sld [smem:$0x3FB0]  }
0x29: {  	s4 =	sld [smem:$0x3FB2]  }
0x2a: {  	p0 =	seq.s32 s5, $0x0;
	s5 =	sld [smem:$0x3FB3]  }
0x2b: {  	s6 =	sld [smem:$0x3FB4]  }
0x2c: {  	s7 =	sld [smem:$0x3FB5]  }
0x2d: {  	s3 =	simm.s32 $0x108;
	s8 =	sld [smem:$0x3FB6]  }
0x2e: {  	s3 =	simm.s32 @!p0 $0x1082;
	s9 =	sld [smem:$0x3FB7]  }
0x2f: {  	lr =	sadd.s32 s0, s3;
	s0 =	sld [smem:$0x3FAE]  }
0x30: {  	s3 =	sld [smem:$0x3FB1]  }
0x31: {  	[smem:$0x3FBA] =	sst s10  }
0x32: {  	s10 =	sld [smem:$0x3FB8];
	_ =	sdelay $0x3  }
0x33: {  	p0 =	seq.s32 s10, $0x1;
	s10 =	sld [smem:$0x3FBA];
	_ =	sdelay $0x3  }
0x34: {  	[smem:$0x3FBA] =	sst s10  }
0x35: {  	s10 =	sld [smem:$0x3FB9];
	_ =	sdelay $0x3  }
0x36: {  	p1 =	seq.s32 s10, $0x1;
	s10 =	sld [smem:$0x3FBA];
	_ =	sdelay $0x3  }
0x37: {  	[smem:$0x3FBA] =	sst s10  }
0x38: {  	s10 =	sld [smem:$0x3FBB]  }
0x39: {  	_ = 	snop;
	(pc) =	sbr.ind lr, $3  }
0x3a: {  	_ = 	snop  }
0x3b: {  	_ = 	snop  }
0x3c: {  	p2 =	seq.s32 s10, $0x1;
	s10 =	sld [smem:$0x3FBA]  }
0x3d: {  	_ =	shalt  }
0x3e: {  	_ =	shalt  }
0x3f: {  	_ =	shalt  }
0x40: {  	_ =	shalt  }
0x41: {  	_ =	shalt  }
0x42: {  	_ =	shalt  }
0x43: {  	_ =	shalt  }
0x44: {  	_ =	shalt  }
0x45: {  	_ =	shalt  }
0x46: {  	_ =	shalt  }
0x47: {  	_ =	shalt  }
0x48: {  	_ =	shalt  }
0x49: {  	_ =	shalt  }
0x4a: {  	_ =	shalt  }
0x4b: {  	_ =	shalt  }
0x4c: {  	_ =	shalt  }
0x4d: {  	_ =	shalt  }
0x4e: {  	_ =	shalt  }
0x4f: {  	_ =	shalt  }
0x50: {  	_ =	shalt  }
0x51: {  	_ =	shalt  }
0x52: {  	_ =	shalt  }
0x53: {  	_ =	shalt  }
0x54: {  	_ =	shalt  }
0x55: {  	_ =	shalt  }
0x56: {  	_ =	shalt  }
0x57: {  	_ =	shalt  }
0x58: {  	_ =	shalt  }
0x59: {  	_ =	shalt  }
0x5a: {  	_ =	shalt  }
0x5b: {  	_ =	shalt  }
0x5c: {  	_ =	shalt  }
0x5d: {  	_ =	shalt  }
0x5e: {  	_ =	shalt  }
0x5f: {  	_ =	shalt  }
0x60: {  	_ =	shalt  }
0x61: {  	_ =	shalt  }
0x62: {  	_ =	shalt  }
0x63: {  	_ =	shalt  }
0x64: {  	_ =	shalt  }
0x65: {  	_ =	shalt  }
0x66: {  	_ =	shalt  }
0x67: {  	_ =	shalt  }
0x68: {  	_ =	shalt  }
0x69: {  	_ =	shalt  }
0x6a: {  	_ =	shalt  }
0x6b: {  	_ =	shalt  }
0x6c: {  	_ =	shalt  }
0x6d: {  	_ =	shalt  }
0x6e: {  	_ =	shalt  }
0x6f: {  	_ =	shalt  }
0x70: {  	_ =	shalt  }
0x71: {  	_ =	shalt  }
0x72: {  	_ =	shalt  }
0x73: {  	_ =	shalt  }
0x74: {  	_ =	shalt  }
0x75: {  	_ =	shalt  }
0x76: {  	_ =	shalt  }
0x77: {  	_ =	shalt  }
0x78: {  	_ =	shalt  }
0x79: {  	_ =	shalt  }
0x7a: {  	_ =	shalt  }
0x7b: {  	_ =	shalt  }
0x7c: {  	_ =	shalt  }
0x7d: {  	_ =	shalt  }
0x7e: {  	_ =	shalt  }
0x7f: {  	_ =	shalt  }
0x80: {  	_ =	shalt  }
0x81: {  	_ =	shalt  }
0x82: {  	_ =	shalt  }
0x83: {  	_ =	shalt  }
0x84: {  	_ =	shalt  }
0x85: {  	_ =	shalt  }
0x86: {  	_ =	shalt  }
0x87: {  	_ =	shalt  }
.Lfunc_end0:
.L_simem_size_0:
called_computation_lowered:
.L_overlay_start_0:
0x88: {  	s0 =	sld [smem:$0x3FD9]  }
0x89: {  	s1 =	sld [smem:$0x3FFE];
	_ =	sdelay $0x3  }
0x8a: {  	s0 =	sadd.s32 s1, s0  }
0x8b: {  	[smem:$0x3FC6] =	sst s0  }
0x8c: {  	_ = 	snop  }
0x8d: {  	s0 =	sld [smem:$0x3FD0];
	_ =	sdelay $0x1  }
0x8e: {  	s14 =	sld [smem:$0x3FC9]  }
0x8f: {  	s3 =	simm.s32 $0xA;
	s4 =	simm.s32 $0x10;
	s2 =	sld [smem:$0x3FC8]  }
0x90: {  	[smem:s4], [sflag:s3] =	dma.local [hbm:s0], $0x1  }
0x91: {  	_ =	swait.eq [sflag:s3], $0x1  }
0x92: {  	[sflag:s3] =	ssyncset.done $0x0  }
0x93: {  	s15 =	sld [smem:$0x10];
	[sflag:s3] =	ssyncadd.s32 $0xFFFFFFFF  }
0x94: {  	s16 =	sld [smem:$0x11];
	(tm) =	ssettm $0x1  }
0x95: {  	s17 =	sld [smem:$0x3FFB];
	_ =	sdelay $0x3  }
0x96: {  	_ =	strace s17  }
0x97: {  	s4 =	sld [smem:$0x3FFC];
	_ =	sdelay $0x3  }
0x98: {  	_ =	strace s4  }
0x99: {  	s4 =	sld [smem:$0x3FFD];
	_ =	sdelay $0x3  }
0x9a: {  	_ =	strace s4  }
0x9b: {  	_ =	strace $0x8FFFFFFF  }
0x9c: {  	s18 =	sld [smem:$0x3FDB];
	_ =	sdelay $0x1  }
0x9d: {  	s5 =	simm.s32 $_scs_section_size  }
0x9e: {  	s6 =	simm.s32 $_size__tile_overlayer_lowered;
	s7 =	simm.s32 $_tile_overlayer_lowered  }
0x9f: {  	s21 =	simm.s32 $0x1BFF;
	s20 =	sshll.u32 s7, $0x1;
	s4 =	sadd.s32 s5, s18  }
0xa0: {  	s8 =	simm.s32 $0x0;
	s19 =	sshll.u32 s6, $0x1;
	s6 =	sadd.s32 s20, s4  }
0xa1: {  	[timem:s8], [sflag:s21] =	dma.local [hbm:s6], s19  }
0xa2: {  	_ =	swait.ge [sflag:s21], s19  }
0xa3: {  	s5 =	ssub.s32 $0x0, s19;
	[sflag:s21] =	ssyncset.done $0x0  }
0xa4: {  	[sflag:s21] =	ssyncadd.s32 s5;
	_ =	sdelay $0x1  }
0xa5: {  	s22 =	simm.s32 $0x1B8B  }
0xa6: {  	_ =	swait.ge [sflag:s22], $0x1  }
0xa7: {  	[sflag:s22] =	ssyncset.done $0x0  }
0xa8: {  	s23 =	simm.s32 $0x1B8E;
	[sflag:s22] =	ssyncadd.s32 $0xFFFFFFFF  }
0xa9: {  	s24 =	simm.s32 $execute0_lowered;
	[smem:$0x3FD2] =	sst s23  }
0xaa: {  	s5 =	sshll.u32 s24, $0x1;
	_ =	strace $0x80000046;
	[dreg:$0x1] =	wrdreg $0xFFFFFFFF  }
0xab: {  	s25 =	simm.s32 $_size_execute0_lowered;
	s4 =	sadd.s32 s4, s5;
	[dreg:$0x0] =	wrdreg $0x0  }
0xac: {  	s5 =	sshll.u32 s25, $0x1;
	[dreg:$0x2] =	wrdreg s4  }
0xad: {  	[dreg:$0x3] =	wrdreg s5  }
0xae: {  	[dreg:$0x4] =	wrdreg $0xC0  }
0xaf: {  	_ =	task [dreg:s8], $0x5FFFF  }
0xb0: {  	[dreg:$0x1] =	wrdreg $0xFFFFFFFF  }
0xb1: {  	[dreg:$0x0] =	wrdreg $0x60  }
0xb2: {  	[dreg:$0x2] =	wrdreg s14  }
0xb3: {  	[dreg:$0x3] =	wrdreg s2  }
0xb4: {  	[dreg:$0x4] =	wrdreg s15  }
0xb5: {  	[dreg:$0x5] =	wrdreg s16  }
0xb6: {  	[dreg:$0x6] =	wrdreg $0x18E000  }
0xb7: {  	[dreg:$0x7] =	wrdreg $0x1B6000  }
0xb8: {  	[dreg:$0x8] =	wrdreg $0x9  }
0xb9: {  	_ =	task.clear_ibuf [dreg:s8], $0x9FFFF;
	_ =	strace $0x90000046  }
0xba: {  	s26 =	simm.s32 $0x9;
	_ =	strace $0x80000048  }
0xbb: {  	_ =	swait.ge [sflag:s26], $0x1  }
0xbc: {  	[sflag:s26] =	ssyncadd.s32 $0xFFFFFFFF  }
0xbd: {  	_ =	strace $0x90000048  }
0xbe: {  	_ =	sfence  }
0xbf: {  	s28 =	sld [smem:$0x0];
	_ =	sdelay $0x1  }
0xc0: {  	s29 =	srdreg.scid  }
0xc1: {  	s30 =	sshll.u32 s29, $0xD;
	s31 =	sshrl.u32 s29, $0x2  }
0xc2: {  	s1 =	sand.u32 $0x1, s29;
	s2 =	sand.u32 $0x4000, s30;
	s0 =	sadd.s32 s31, s28  }
0xc3: {  	s1 =	sor.u32 s2, s1;
	s0 =	sshll.u32 s0, $0x11  }
0xc4: {  	s0 =	sor.u32 s0, s1  }
0xc5: {  	s0 =	sadd.s32 $0x8F2B, s0  }
0xc6: {  	[sflag:s0] =	ssyncadd.remote.s32 $0x1  }
0xc7: {  	_ =	sfence.sel $0xFFFF  }
0xc8: {  	[dreg:$0x0] =	wrdreg $0xFFFFFFFF;
	(pc) =	sbr.abs _section_cstart, $3  }
0xc9: {  	[dreg:$0x1] =	wrdreg $0xFFFFFFFF  }
0xca: {  	_ =	task.clear_ibuf [dreg:s8], $0x2FFFF;
	_ =	strace $0x9FFFFFFF  }
0xcb: {  	(tm) =	ssettm $0x7FFFFFFF  }
tec
execute0_lowered:
.L_overlay_start_1:
0x0: {  	(tag) =	ssettag $0x1  }
0x1: {  	s3 =	rddreg [dreg:$0x0]  }
0x2: {  	s7 =	rddreg [dreg:$0x1]  }
0x3: {  	s2 =	rddreg [dreg:$0x2]  }
0x4: {  	s6 =	rddreg [dreg:$0x3];
	s0 =	stileid.u32  }
0x5: {  	s4 =	rddreg [dreg:$0x4];
	s8 =	smul.u32 $0x4E20, s0  }
0x6: {  	s5 =	rddreg [dreg:$0x5];
	s9 =	simm.s32 $0x0  }
0x7: {  	[smem:$0x7FF] =	sst s9;
	s8 =	sshrl.u32 s8, $0x3  }
0x8: {  	s1 =	rddreg [dreg:$0x6];
	_ =	strace $0x80000047;
	s3 =	sadd.s32 s3, s8  }
0x9: {  	[tilespmem:s9], [sflag:$0x1] =	stream.linear.gather [hbm4b:s3+s9], $0x4E20, $0x38;
	[tilespmem:$0x1B880] =	vst v63  }
0xa: {  	s10 =	simm.s32 $0x4E80;
	s3 =	sadd.s32 $0x9C40, s3  }
0xb: {  	[tilespmem:s10], [sflag:$0x2] =	stream.linear.gather [hbm4b:s3+s9], $0x4E20, $0x38;
	[tilespmem:$0x1B880] =	vst v63  }
0xc: {  	s31 =	simm.s32 $0x9D00;
	s30 =	sadd.s32 s7, s8;
	s3 =	simm.s32 $0xEC00  }
0xd: {  	v0 =	vimm.f32 $0.0e+00;
	[tilespmem:s31], [sflag:$0x2] =	stream.linear.gather [hbm4b:s30+s9], $0x4E20, $0x38;
	[tilespmem:$0x1B880] =	vst v63  }
0xe: {  	[tilespmem:s3+$0xFFFFFF80] =	vst v0  }
0xf: {  	[tilespmem:s3+$0x70] =	vst v0  }
0x10: {  	[tilespmem:s3+$0x60] =	vst v0  }
0x11: {  	[tilespmem:s3+$0x50] =	vst v0  }
0x12: {  	[tilespmem:s3+$0x40] =	vst v0  }
0x13: {  	[tilespmem:s3+$0x30] =	vst v0  }
0x14: {  	[tilespmem:s3+$0x20] =	vst v0  }
0x15: {  	[tilespmem:s3+$0x10] =	vst v0  }
0x16: {  	[tilespmem:s3+$0x0] =	vst v0  }
0x17: {  	[tilespmem:s3+$0xFFFFFFF0] =	vst v0  }
0x18: {  	[tilespmem:s3+$0xFFFFFFE0] =	vst v0  }
0x19: {  	[tilespmem:s3+$0xFFFFFFD0] =	vst v0  }
0x1a: {  	[tilespmem:s3+$0xFFFFFFC0] =	vst v0  }
0x1b: {  	[tilespmem:s3+$0xFFFFFFB0] =	vst v0  }
0x1c: {  	s7 =	simm.s32 $0x0;
	[tilespmem:s3+$0xFFFFFFA0] =	vst v0  }
.LBB2_1:
0x1d: {  	s7 =	sadd.s32 $0x10, s7;
	[tilespmem:s3+$0xFFFFFF90] =	vst v0;
	s3 =	sadd.s32 $0x100, s3  }
0x1e: {  	[tilespmem:s3+$0xFFFFFF80] =	vst v0;
	p0 =	slt.u32 s7, $0x270  }
0x1f: {  	[tilespmem:s3+$0x70] =	vst v0  }
0x20: {  	[tilespmem:s3+$0x60] =	vst v0  }
0x21: {  	[tilespmem:s3+$0x50] =	vst v0  }
0x22: {  	[tilespmem:s3+$0x40] =	vst v0  }
0x23: {  	[tilespmem:s3+$0x30] =	vst v0  }
0x24: {  	[tilespmem:s3+$0x20] =	vst v0  }
0x25: {  	[tilespmem:s3+$0x10] =	vst v0  }
0x26: {  	[tilespmem:s3+$0x0] =	vst v0  }
0x27: {  	[tilespmem:s3+$0xFFFFFFF0] =	vst v0  }
.Ltmp0:
0x28: {  	[tilespmem:s3+$0xFFFFFFE0] =	vst v0;
	(pc) =	sbr.rel @p0 .LBB2_1-.Ltmp0, $4  }
0x29: {  	[tilespmem:s3+$0xFFFFFFD0] =	vst v0  }
0x2a: {  	[tilespmem:s3+$0xFFFFFFC0] =	vst v0  }
0x2b: {  	[tilespmem:s3+$0xFFFFFFB0] =	vst v0  }
0x2c: {  	[tilespmem:s3+$0xFFFFFFA0] =	vst v0  }
0x2d: {  	[tilespmem:s3+$0xFFFFFF90] =	vst v0;
	s30 =	simm.s32 $0x2  }
0x2e: {  	_ =	swait.ge [sflag:s30], $0x4E20  }
0x2f: {  	[sflag:s30] =	ssyncset.done $0x0  }
0x30: {  	[sflag:s30] =	ssyncadd.s32 $0xFFFFB1E0  }
0x31: {  	_ =	swait.ge [sflag:s30], $0x4E20  }
0x32: {  	[sflag:s30] =	ssyncset.done $0x0  }
0x33: {  	s8 =	simm.s32 $0x4ED0;
	s31 =	simm.s32 $0x0;
	[sflag:s30] =	ssyncadd.s32 $0xFFFFB1E0  }
0x34: {  	s7 =	sand.u32 $0x7FE0, s31;
	v59 =	vld [tilespmem:s8+$0x40]  }
0x35: {  	v1 =	vld [tilespmem:s7+$0x4F00]  }
0x36: {  	s3 =	simm.s32 $0x9D50;
	v2 =	vld [tilespmem:s8+$0xFFFFFFC0]  }
0x37: {  	v3 =	vld [tilespmem:s3+$0x40]  }
0x38: {  	v4 =	vld [tilespmem:s7+$0x9D80]  }
0x39: {  	v5 =	vld [tilespmem:s8+$0xFFFFFFD0]  }
0x3a: {  	v6 =	vld [tilespmem:s8+$0xFFFFFFE0]  }
0x3b: {  	v7 =	vld [tilespmem:s8+$0xFFFFFFF0]  }
0x3c: {  	v60 =	vld [tilespmem:s8+$0x0]  }
0x3d: {  	v61 =	vld [tilespmem:s8+$0x10]  }
0x3e: {  	v62 =	vld [tilespmem:s8+$0x20]  }
0x3f: {  	v63 =	vld [tilespmem:s8+$0xFFFFFFB0]  }
0x40: {  	v8 =	vld [tilespmem:s3+$0xFFFFFFB0]  }
0x41: {  	v9 =	vld [tilespmem:s3+$0xFFFFFFC0]  }
0x42: {  	v10 =	vld [tilespmem:s3+$0xFFFFFFD0]  }
0x43: {  	v11 =	vld [tilespmem:s3+$0xFFFFFFE0]  }
0x44: {  	v12 =	vld [tilespmem:s3+$0xFFFFFFF0]  }
0x45: {  	v13 =	vld [tilespmem:s3+$0x0]  }
0x46: {  	v14 =	vld [tilespmem:s3+$0x10]  }
0x47: {  	s7 =	simm.s32 $0xEB80;
	v15 =	vld [tilespmem:s3+$0x20]  }
0x48: {  	[tilespmem:v59+s7+$0x0] =	vst.idx.add.f32.msk $0xffff, v3  }
0x49: {  	[tilespmem:v1+s7+$0x0] =	vst.idx.add.f32.msk $0xffff, v4  }
0x4a: {  	[tilespmem:v63+s7+$0x0] =	vst.idx.add.f32.msk $0xffff, v8  }
0x4b: {  	[tilespmem:v2+s7+$0x0] =	vst.idx.add.f32.msk $0xffff, v9  }
0x4c: {  	[tilespmem:v5+s7+$0x0] =	vst.idx.add.f32.msk $0xffff, v10  }
0x4d: {  	[tilespmem:v6+s7+$0x0] =	vst.idx.add.f32.msk $0xffff, v11  }
0x4e: {  	[tilespmem:v7+s7+$0x0] =	vst.idx.add.f32.msk $0xffff, v12  }
0x4f: {  	[tilespmem:v60+s7+$0x0] =	vst.idx.add.f32.msk $0xffff, v13  }
0x50: {  	[tilespmem:v61+s7+$0x0] =	vst.idx.add.f32.msk $0xffff, v14  }
0x51: {  	s9 =	simm.s32 $0x4F70;
	s10 =	simm.s32 $0xA0;
	s8 =	simm.s32 $0x0;
	[tilespmem:v62+s7+$0x0] =	vst.idx.add.f32.msk $0xffff, v15  }
.LBB2_3:
0x52: {  	s11 =	sand.u32 $0x7FE0, s10;
	v0 =	vld [tilespmem:s9+$0x40];
	s8 =	sadd.s32 $0xA, s8  }
0x53: {  	v1 =	vld [tilespmem:s11+$0x4F00];
	p0 =	slt.u32 s8, $0x4D8  }
0x54: {  	s3 =	sadd.s32 $0xA0, s3;
	v2 =	vld [tilespmem:s9+$0xFFFFFFC0]  }
0x55: {  	v3 =	vld [tilespmem:s3+$0x40]  }
0x56: {  	v4 =	vld [tilespmem:s11+$0x9D80]  }
0x57: {  	v5 =	vld [tilespmem:s9+$0xFFFFFFD0]  }
0x58: {  	v6 =	vld [tilespmem:s9+$0xFFFFFFE0]  }
0x59: {  	v7 =	vld [tilespmem:s9+$0xFFFFFFF0]  }
0x5a: {  	[tilespmem:v0+s7+$0x0] =	vst.idx.add.f32.msk $0xffff, v3  }
0x5b: {  	[tilespmem:v1+s7+$0x0] =	vst.idx.add.f32.msk $0xffff, v4  }
0x5c: {  	v0 =	vld [tilespmem:s9+$0x0]  }
0x5d: {  	v1 =	vld [tilespmem:s9+$0x10]  }
0x5e: {  	v3 =	vld [tilespmem:s9+$0x20]  }
0x5f: {  	v4 =	vld [tilespmem:s9+$0xFFFFFFB0]  }
0x60: {  	v8 =	vld [tilespmem:s3+$0xFFFFFFB0]  }
0x61: {  	v9 =	vld [tilespmem:s3+$0xFFFFFFC0]  }
0x62: {  	v10 =	vld [tilespmem:s3+$0xFFFFFFD0]  }
0x63: {  	v11 =	vld [tilespmem:s3+$0xFFFFFFE0]  }
0x64: {  	v12 =	vld [tilespmem:s3+$0xFFFFFFF0]  }
0x65: {  	v13 =	vld [tilespmem:s3+$0x0]  }
0x66: {  	v14 =	vld [tilespmem:s3+$0x10]  }
0x67: {  	v15 =	vld [tilespmem:s3+$0x20]  }
0x68: {  	[tilespmem:v4+s7+$0x0] =	vst.idx.add.f32.msk $0xffff, v8  }
0x69: {  	[tilespmem:v2+s7+$0x0] =	vst.idx.add.f32.msk $0xffff, v9  }
0x6a: {  	[tilespmem:v5+s7+$0x0] =	vst.idx.add.f32.msk $0xffff, v10  }
.Ltmp1:
0x6b: {  	[tilespmem:v6+s7+$0x0] =	vst.idx.add.f32.msk $0xffff, v11;
	(pc) =	sbr.rel @p0 .LBB2_3-.Ltmp1, $4  }
0x6c: {  	[tilespmem:v7+s7+$0x0] =	vst.idx.add.f32.msk $0xffff, v12  }
0x6d: {  	[tilespmem:v0+s7+$0x0] =	vst.idx.add.f32.msk $0xffff, v13  }
0x6e: {  	[tilespmem:v1+s7+$0x0] =	vst.idx.add.f32.msk $0xffff, v14  }
0x6f: {  	s10 =	sadd.s32 $0xA0, s10;
	s9 =	sadd.s32 $0xA0, s9;
	[tilespmem:v3+s7+$0x0] =	vst.idx.add.f32.msk $0xffff, v15  }
0x70: {  	s3 =	sshrl.u32 s0, $0x3  }
0x71: {  	s3 =	smul.u32 $0x50000, s3;
	_ =	sdelay $0x1  }
0x72: {  	s7 =	sshll.u32 s0, $0x7;
	s25 =	simm.s32 $0x80;
	s3 =	sshrl.u32 s3, $0x2  }
0x73: {  	s8 =	simm.s32 $0x400;
	s7 =	sand.u32 $0x380, s7;
	s3 =	sadd.s32 s3, s4  }
0x74: {  	s9 =	simm.s32 $0xEB80;
	s26 =	simm.s32 $0x3;
	s3 =	sadd.s32 s7, s3  }
0x75: {  	[spmem:s3] =	stream.strided.scatter [tilespmem:s9], [sflag:$0x3], $0x2800, s8, s25, $0x38;
	[tilespmem:$0x1B880] =	vst v63  }
0x76: {  	s28 =	smul.u32 $0x5000, s0;
	_ =	swait.ge [sflag:s26], $0x2800  }
0x77: {  	s29 =	simm.s32 $0x1400;
	[sflag:s26] =	ssyncset.done $0x0  }
0x78: {  	s30 =	simm.s32 $0x14000;
	s8 =	sshrl.u32 s28, $0x2;
	[sflag:s26] =	ssyncadd.s32 $0xFFFFD800  }
0x79: {  	s10 =	simm.s32 $0x16380;
	s4 =	sadd.s32 s8, s4;
	[bflag:$0x0] =	sbarrier.arrive $0xFFFF  }
0x7a: {  	[tilespmem:s10], [sflag:$0x3] =	stream.strided.gather [spmem:s4], $0x2800, s30, s29, $0x38;
	[tilespmem:$0x1B880] =	vst v63  }
0x7b: {  	_ =	swait.ge [sflag:s26], $0x2800  }
0x7c: {  	[sflag:s26] =	ssyncset.done $0x0  }
0x7d: {  	s31 =	simm.s32 $0x17B70;
	[sflag:s26] =	ssyncadd.s32 $0xFFFFD800  }
0x7e: {  	v0 =	vld [tilespmem:s31+$0xFFFFE880]  }
0x7f: {  	v1 =	vld [tilespmem:s31+$0xFFFFE820]  }
0x80: {  	v2 =	vld [tilespmem:s31+$0xFFFFE900]  }
0x81: {  	v3 =	vld [tilespmem:s31+$0xFFFFE830]  }
0x82: {  	v4 =	vld [tilespmem:s31+$0xFFFFE980]  }
0x83: {  	v5 =	vld [tilespmem:s31+$0xFFFFE840]  }
0x84: {  	v6 =	vld [tilespmem:s31+$0xFFFFEA00]  }
0x85: {  	v7 =	vld [tilespmem:s31+$0xFFFFE850]  }
0x86: {  	v8 =	vld [tilespmem:s31+$0xFFFFEA80]  }
0x87: {  	v9 =	vld [tilespmem:s31+$0xFFFFE860]  }
0x88: {  	v10 =	vld [tilespmem:s31+$0xFFFFEB00]  }
0x89: {  	v11 =	vld [tilespmem:s31+$0xFFFFE870]  }
0x8a: {  	v12 =	vld [tilespmem:s31+$0xFFFFEB80]  }
0x8b: {  	v13 =	vld [tilespmem:s31+$0xFFFFE810]  }
0x8c: {  	v14 =	vld [tilespmem:s31+$0xFFFFEC00]  }
0x8d: {  	v15 =	vld [tilespmem:s31+$0xFFFFE890]  }
0x8e: {  	v16 =	vld [tilespmem:s31+$0xFFFFFC80]  }
0x8f: {  	v17 =	vld [tilespmem:s31+$0xFFFFE8A0]  }
0x90: {  	v18 =	vld [tilespmem:s31+$0xFFFFFD00]  }
0x91: {  	v19 =	vld [tilespmem:s31+$0xFFFFE8B0]  }
0x92: {  	v20 =	vld [tilespmem:s31+$0xFFFFFD80]  }
0x93: {  	v21 =	vld [tilespmem:s31+$0xFFFFE8C0]  }
0x94: {  	v22 =	vld [tilespmem:s31+$0xFFFFFE00]  }
0x95: {  	v23 =	vld [tilespmem:s31+$0xFFFFE8D0]  }
0x96: {  	v24 =	vld [tilespmem:s31+$0xFFFFFE80]  }
0x97: {  	v25 =	vld [tilespmem:s31+$0xFFFFE8E0]  }
0x98: {  	v26 =	vld [tilespmem:s31+$0xFFFFFF00]  }
0x99: {  	v27 =	vld [tilespmem:s31+$0xFFFFE8F0]  }
0x9a: {  	v28 =	vld [tilespmem:s31+$0xFFFFFF80]  }
0x9b: {  	v29 =	vld [tilespmem:s31+$0xFFFFE910]  }
0x9c: {  	v30 =	vld [tilespmem:s31+$0x0]  }
0x9d: {  	v31 =	vld [tilespmem:s31+$0xFFFFE920]  }
0x9e: {  	v32 =	vld [tilespmem:s31+$0xFFFFE930]  }
0x9f: {  	v33 =	vld [tilespmem:s31+$0xFFFFE940]  }
0xa0: {  	v34 =	vld [tilespmem:s31+$0xFFFFE950]  }
0xa1: {  	v35 =	vld [tilespmem:s31+$0xFFFFE960]  }
0xa2: {  	v36 =	vld [tilespmem:s31+$0xFFFFE970]  }
0xa3: {  	v37 =	vld [tilespmem:s31+$0xFFFFE990]  }
0xa4: {  	v38 =	vld [tilespmem:s31+$0xFFFFE9A0]  }
0xa5: {  	v39 =	vld [tilespmem:s31+$0xFFFFE9B0]  }
0xa6: {  	v40 =	vld [tilespmem:s31+$0xFFFFE9C0]  }
0xa7: {  	v41 =	vld [tilespmem:s31+$0xFFFFE9D0]  }
0xa8: {  	v42 =	vld [tilespmem:s31+$0xFFFFE9E0]  }
0xa9: {  	v43 =	vld [tilespmem:s31+$0xFFFFE9F0]  }
0xaa: {  	v44 =	vld [tilespmem:s31+$0xFFFFEA10]  }
0xab: {  	v45 =	vld [tilespmem:s31+$0xFFFFEA20]  }
0xac: {  	v46 =	vld [tilespmem:s31+$0xFFFFEA30]  }
0xad: {  	v47 =	vld [tilespmem:s31+$0xFFFFEA40]  }
0xae: {  	v48 =	vld [tilespmem:s31+$0xFFFFEA50]  }
0xaf: {  	v49 =	vld [tilespmem:s31+$0xFFFFEA60]  }
0xb0: {  	v50 =	vld [tilespmem:s31+$0xFFFFEA70]  }
0xb1: {  	v51 =	vld [tilespmem:s31+$0xFFFFEAA0]  }
0xb2: {  	v52 =	vld [tilespmem:s31+$0xFFFFEAC0]  }
0xb3: {  	v53 =	vld [tilespmem:s31+$0xFFFFEAE0]  }
0xb4: {  	v54 =	vld [tilespmem:s31+$0xFFFFEB10]  }
0xb5: {  	v55 =	vld [tilespmem:s31+$0xFFFFEB30]  }
0xb6: {  	v56 =	vld [tilespmem:s31+$0xFFFFEB50]  }
0xb7: {  	v57 =	vld [tilespmem:s31+$0xFFFFEB70]  }
0xb8: {  	v58 =	vld [tilespmem:s31+$0xFFFFEBA0]  }
0xb9: {  	v59 =	vld [tilespmem:s31+$0xFFFFEBC0]  }
0xba: {  	v60 =	vld [tilespmem:s31+$0xFFFFEBE0]  }
0xbb: {  	v61 =	vld [tilespmem:s31+$0xFFFFFCB0]  }
0xbc: {  	v62 =	vld [tilespmem:s31+$0xFFFFFCC0];
	v0 =	vadd.f32 $1.000000000e+00, v0  }
0xbd: {  	v63 =	vld [tilespmem:s31+$0xFFFFFCD0];
	v13 =	vadd.f32 $1.000000000e+00, v13;
	v1 =	vadd.f32 $1.000000000e+00, v1  }
0xbe: {  	v3 =	vadd.f32 $1.000000000e+00, v3;
	v0 =	vadd.f32 v2, v0;
	v2 =	vld [tilespmem:s31+$0xFFFFEA90]  }
0xbf: {  	v5 =	vadd.f32 $1.000000000e+00, v5;
	v13 =	vadd.f32 v15, v13;
	v15 =	vld [tilespmem:s31+$0xFFFFEBF0]  }
0xc0: {  	v7 =	vadd.f32 $1.000000000e+00, v7;
	v1 =	vadd.f32 v17, v1;
	v17 =	vld [tilespmem:s31+$0xFFFFFC10]  }
0xc1: {  	v9 =	vadd.f32 $1.000000000e+00, v9;
	v3 =	vadd.f32 v19, v3;
	v19 =	vld [tilespmem:s31+$0xFFFFFC30]  }
0xc2: {  	v11 =	vadd.f32 $1.000000000e+00, v11;
	v5 =	vadd.f32 v21, v5;
	v21 =	vld [tilespmem:s31+$0xFFFFFC50]  }
0xc3: {  	v7 =	vadd.f32 v23, v7;
	v23 =	vld [tilespmem:s31+$0xFFFFFC60];
	v9 =	vadd.f32 v25, v9  }
0xc4: {  	v11 =	vadd.f32 v27, v11;
	v25 =	vld [tilespmem:s31+$0xFFFFFC70];
	v0 =	vadd.f32 v4, v0  }
0xc5: {  	v27 =	vld [tilespmem:s31+$0xFFFFFCA0];
	v13 =	vadd.f32 v29, v13;
	v1 =	vadd.f32 v31, v1  }
0xc6: {  	v4 =	vld [tilespmem:s31+$0xFFFFEAB0];
	v3 =	vadd.f32 v32, v3;
	v5 =	vadd.f32 v33, v5  }
0xc7: {  	v7 =	vadd.f32 v34, v7;
	v0 =	vadd.f32 v6, v0;
	v6 =	vld [tilespmem:s31+$0xFFFFEAD0]  }
0xc8: {  	v9 =	vadd.f32 v35, v9;
	v5 =	vadd.f32 v40, v5;
	v40 =	vld [tilespmem:s31+$0xFFFFFCE0]  }
0xc9: {  	v11 =	vadd.f32 v36, v11;
	v7 =	vadd.f32 v41, v7;
	v41 =	vld [tilespmem:s31+$0xFFFFFCF0]  }
0xca: {  	v13 =	vadd.f32 v37, v13;
	v9 =	vadd.f32 v42, v9;
	v42 =	vld [tilespmem:s31+$0xFFFFFD10]  }
0xcb: {  	v11 =	vadd.f32 v43, v11;
	v43 =	vld [tilespmem:s31+$0xFFFFFD20];
	v0 =	vadd.f32 v8, v0  }
0xcc: {  	v1 =	vadd.f32 v38, v1;
	v3 =	vadd.f32 v39, v3;
	v8 =	vld [tilespmem:s31+$0xFFFFEAF0]  }
0xcd: {  	v13 =	vadd.f32 v44, v13;
	v44 =	vld [tilespmem:s31+$0xFFFFFD30];
	v0 =	vadd.f32 v10, v0  }
0xce: {  	v1 =	vadd.f32 v45, v1;
	v45 =	vld [tilespmem:s31+$0xFFFFFD40]  }
0xcf: {  	v3 =	vadd.f32 v46, v3;
	v46 =	vld [tilespmem:s31+$0xFFFFFDD0];
	v0 =	vadd.f32 v12, v0  }
0xd0: {  	v5 =	vadd.f32 v47, v5;
	v47 =	vld [tilespmem:s31+$0xFFFFFDE0]  }
0xd1: {  	v7 =	vadd.f32 v48, v7;
	v48 =	vld [tilespmem:s31+$0xFFFFFDF0];
	v0 =	vadd.f32 v14, v0  }
0xd2: {  	v11 =	vadd.f32 v50, v11;
	v50 =	vld [tilespmem:s31+$0xFFFFFE20]  }
0xd3: {  	v10 =	vld [tilespmem:s31+$0xFFFFEB20];
	v0 =	vadd.f32 v16, v0  }
0xd4: {  	v2 =	vadd.f32 v2, v13;
	v13 =	vld [tilespmem:s31+$0xFFFFFD50];
	v3 =	vadd.f32 v4, v3  }
0xd5: {  	v4 =	vadd.f32 v52, v5;
	v5 =	vld [tilespmem:s31+$0xFFFFFD60];
	v0 =	vadd.f32 v18, v0  }
0xd6: {  	v9 =	vadd.f32 v49, v9;
	v1 =	vadd.f32 v51, v1;
	v51 =	vld [tilespmem:s31+$0xFFFFFE30]  }
0xd7: {  	v6 =	vadd.f32 v6, v7;
	v12 =	vld [tilespmem:s31+$0xFFFFEB40];
	v0 =	vadd.f32 v20, v0  }
0xd8: {  	v7 =	vadd.f32 v53, v9;
	v9 =	vld [tilespmem:s31+$0xFFFFFD70];
	v2 =	vadd.f32 v54, v2  }
0xd9: {  	v3 =	vadd.f32 v55, v3;
	v14 =	vld [tilespmem:s31+$0xFFFFEB60];
	v0 =	vadd.f32 v22, v0  }
0xda: {  	v53 =	vld [tilespmem:s31+$0xFFFFFE40];
	v8 =	vadd.f32 v8, v11;
	v6 =	vadd.f32 v56, v6  }
0xdb: {  	v1 =	vadd.f32 v10, v1;
	v16 =	vld [tilespmem:s31+$0xFFFFEB90];
	v0 =	vadd.f32 v24, v0  }
0xdc: {  	v54 =	vld [tilespmem:s31+$0xFFFFFE50];
	v8 =	vadd.f32 v57, v8;
	v4 =	vadd.f32 v12, v4  }
0xdd: {  	v1 =	vadd.f32 v58, v1;
	v18 =	vld [tilespmem:s31+$0xFFFFEBB0];
	v0 =	vadd.f32 v26, v0  }
0xde: {  	v55 =	vld [tilespmem:s31+$0xFFFFFE60];
	v8 =	vadd.f32 v15, v8;
	v7 =	vadd.f32 v14, v7  }
0xdf: {  	v11 =	vld [tilespmem:s31+$0xFFFFFD90];
	v4 =	vadd.f32 v59, v4;
	v0 =	vadd.f32 v28, v0  }
0xe0: {  	v8 =	vadd.f32 v25, v8;
	v20 =	vld [tilespmem:s31+$0xFFFFEBD0];
	v2 =	vadd.f32 v16, v2  }
0xe1: {  	v56 =	vld [tilespmem:s31+$0xFFFFFE70];
	v7 =	vadd.f32 v60, v7;
	v0 =	vadd.f32 v30, v0  }
0xe2: {  	v8 =	vadd.f32 v41, v8;
	v22 =	vld [tilespmem:s31+$0xFFFFFC20];
	v3 =	vadd.f32 v18, v3  }
0xe3: {  	v10 =	vld [tilespmem:s31+$0xFFFFFDA0];
	v2 =	vadd.f32 v17, v2;
	v49 =	vmul.f32 $5.000000000e-01, v0;
	v0 =	vshrl.u32 v0, $0x1  }
0xe4: {  	v7 =	vadd.f32 v23, v7;
	v8 =	vadd.f32 v9, v8;
	v24 =	vld [tilespmem:s31+$0xFFFFFC40];
	v0 =	vsub.s32 $0x5F3759DF, v0  }
0xe5: {  	v57 =	vld [tilespmem:s31+$0xFFFFFE90];
	v6 =	vadd.f32 v20, v6;
	v3 =	vadd.f32 v19, v3;
	v52 =	vmul.f32 v0, v49  }
0xe6: {  	v12 =	vld [tilespmem:s31+$0xFFFFFDB0];
	v7 =	vadd.f32 v40, v7;
	v8 =	vadd.f32 v48, v8  }
0xe7: {  	v26 =	vld [tilespmem:s31+$0xFFFFFC90];
	v1 =	vadd.f32 v22, v1;
	v6 =	vadd.f32 v21, v6;
	v21 =	vmul.f32 v0, v52  }
0xe8: {  	v15 =	vld [tilespmem:s31+$0xFFFFFE10];
	v3 =	vadd.f32 v61, v3;
	v5 =	vadd.f32 v5, v7  }
0xe9: {  	v58 =	vld [tilespmem:s31+$0xFFFFFEA0];
	v4 =	vadd.f32 v24, v4;
	v21 =	vsub.f32 $1.500000000e+00, v21  }
0xea: {  	v14 =	vld [tilespmem:s31+$0xFFFFFDC0];
	v1 =	vadd.f32 v27, v1;
	v6 =	vadd.f32 v63, v6  }
0xeb: {  	v59 =	vld [tilespmem:s31+$0xFFFFFEB0];
	v3 =	vadd.f32 v44, v3;
	v5 =	vadd.f32 v47, v5;
	v0 =	vmul.f32 v0, v21  }
0xec: {  	v60 =	vld [tilespmem:s31+$0xFFFFFF40];
	v2 =	vadd.f32 v26, v2;
	v4 =	vadd.f32 v62, v4  }
0xed: {  	v9 =	vld [tilespmem:s31+$0xFFFFFED0];
	v1 =	vadd.f32 v43, v1;
	v6 =	vadd.f32 v13, v6;
	v7 =	vmul.f32 v0, v49  }
0xee: {  	v61 =	vld [tilespmem:s31+$0xFFFFFF50];
	v3 =	vadd.f32 v12, v3;
	v5 =	vadd.f32 v55, v5  }
0xef: {  	v63 =	vld [tilespmem:s31+$0xFFFFFF70];
	v2 =	vadd.f32 v42, v2;
	v4 =	vadd.f32 v45, v4;
	v7 =	vmul.f32 v7, v0  }
0xf0: {  	v13 =	vld [tilespmem:s31+$0xFFFFFEC0];
	v1 =	vadd.f32 v10, v1;
	v6 =	vadd.f32 v46, v6  }
0xf1: {  	v12 =	vld [tilespmem:s31+$0xFFFFFF10];
	v3 =	vadd.f32 v51, v3;
	v7 =	vsub.f32 $1.500000000e+00, v7  }
0xf2: {  	v10 =	vld [tilespmem:s31+$0xFFFFFEE0];
	v2 =	vadd.f32 v11, v2;
	v4 =	vadd.f32 v14, v4  }
0xf3: {  	v14 =	vld [tilespmem:s31+$0xFFFFFF20];
	v1 =	vadd.f32 v50, v1;
	v6 =	vadd.f32 v54, v6;
	v0 =	vmul.f32 v7, v0  }
0xf4: {  	v62 =	vld [tilespmem:s31+$0xFFFFFF60];
	v3 =	vadd.f32 v59, v3;
	v2 =	vadd.f32 v15, v2  }
0xf5: {  	v11 =	vld [tilespmem:s31+$0xFFFFFEF0];
	v4 =	vadd.f32 v53, v4;
	v7 =	vadd.f32 v56, v8;
	v8 =	vmul.f32 v0, v49  }
0xf6: {  	v15 =	vld [tilespmem:s31+$0xFFFFFF30];
	v1 =	vadd.f32 v58, v1;
	v6 =	vadd.f32 v9, v6  }
0xf7: {  	v9 =	vld [tilespmem:s31+$0xFFFFFF90];
	v5 =	vadd.f32 v10, v5;
	v2 =	vadd.f32 v57, v2;
	v8 =	vmul.f32 v8, v0  }
0xf8: {  	v4 =	vadd.f32 v13, v4;
	v13 =	vld [tilespmem:s31+$0xFFFFFFA0];
	v14 =	vadd.f32 v14, v1  }
0xf9: {  	v10 =	vld [tilespmem:s31+$0xFFFFFFB0];
	v12 =	vadd.f32 v12, v2;
	v8 =	vsub.f32 $1.500000000e+00, v8  }
0xfa: {  	v2 =	vadd.f32 v60, v4;
	v11 =	vadd.f32 v11, v7;
	v7 =	vld [tilespmem:s31+$0xFFFFFFC0]  }
0xfb: {  	v1 =	vadd.f32 v15, v3;
	v3 =	vadd.f32 v61, v6;
	v6 =	vld [tilespmem:s31+$0xFFFFFFD0];
	v0 =	vmul.f32 v8, v0  }
0xfc: {  	s7 =	simm.s32 $0x18BC0;
	v4 =	vadd.f32 v62, v5;
	v12 =	vadd.f32 v9, v12;
	v8 =	vld [tilespmem:s31+$0xFFFFFFE0]  }
0xfd: {  	s9 =	simm.s32 $0x0;
	s8 =	simm.s32 $0x18BC0;
	s10 =	simm.s32 $0x17F70;
	v9 =	vld [tilespmem:s31+$0xFFFFFFF0];
	v5 =	vadd.f32 v63, v11;
	v11 =	vadd.f32 v13, v14;
	[tilespmem:s7+$0x30] =	vst v0  }
.LBB2_5:
0xfe: {  	v13 =	vld [tilespmem:s10+$0xFFFFE880];
	s9 =	sadd.s32 $0x8, s9;
	v0 =	vmul.f32 $5.000000000e-01, v12;
	v12 =	vshrl.u32 v12, $0x1;
	v10 =	vadd.f32 v10, v1  }
0xff: {  	v14 =	vld [tilespmem:s10+$0xFFFFE820];
	p0 =	slt.u32 s9, $0x20;
	v1 =	vmul.f32 $5.000000000e-01, v11;
	v11 =	vshrl.u32 v11, $0x1;
	v7 =	vadd.f32 v7, v2  }
0x100: {  	v15 =	vld [tilespmem:s10+$0xFFFFE900];
	v2 =	vmul.f32 $5.000000000e-01, v10;
	v10 =	vshrl.u32 v10, $0x1;
	v6 =	vadd.f32 v6, v3  }
0x101: {  	v16 =	vld [tilespmem:s10+$0xFFFFE830];
	v3 =	vmul.f32 $5.000000000e-01, v7;
	v7 =	vshrl.u32 v7, $0x1;
	v8 =	vadd.f32 v8, v4  }
0x102: {  	v17 =	vld [tilespmem:s10+$0xFFFFE980];
	v4 =	vmul.f32 $5.000000000e-01, v6;
	v18 =	vshrl.u32 v6, $0x1;
	v9 =	vadd.f32 v9, v5  }
0x103: {  	v19 =	vld [tilespmem:s10+$0xFFFFE840];
	v13 =	vadd.f32 $1.000000000e+00, v13;
	v5 =	vmul.f32 $5.000000000e-01, v8;
	v8 =	vshrl.u32 v8, $0x1  }
0x104: {  	v14 =	vadd.f32 $1.000000000e+00, v14;
	v20 =	vld [tilespmem:s10+$0xFFFFEA00];
	v6 =	vmul.f32 $5.000000000e-01, v9;
	v9 =	vshrl.u32 v9, $0x1  }
0x105: {  	v12 =	vsub.s32 $0x5F3759DF, v12;
	v11 =	vsub.s32 $0x5F3759DF, v11;
	v21 =	vld [tilespmem:s10+$0xFFFFE850];
	v13 =	vadd.f32 v15, v13  }
0x106: {  	v10 =	vsub.s32 $0x5F3759DF, v10;
	v7 =	vsub.s32 $0x5F3759DF, v7;
	v15 =	vadd.f32 $1.000000000e+00, v16;
	v16 =	vld [tilespmem:s10+$0xFFFFEA80]  }
0x107: {  	v8 =	vsub.s32 $0x5F3759DF, v8;
	v22 =	vld [tilespmem:s10+$0xFFFFE860];
	v13 =	vadd.f32 v17, v13;
	v17 =	vsub.s32 $0x5F3759DF, v18  }
0x108: {  	v23 =	vmul.f32 v12, v0;
	v9 =	vsub.s32 $0x5F3759DF, v9;
	v18 =	vadd.f32 $1.000000000e+00, v19;
	v19 =	vld [tilespmem:s10+$0xFFFFEB00]  }
0x109: {  	v25 =	vmul.f32 v10, v2;
	v24 =	vld [tilespmem:s10+$0xFFFFE870];
	v13 =	vadd.f32 v20, v13;
	v20 =	vmul.f32 v11, v1  }
0x10a: {  	v27 =	vmul.f32 v7, v3;
	v28 =	vmul.f32 v17, v4;
	v21 =	vadd.f32 $1.000000000e+00, v21;
	v26 =	vld [tilespmem:s10+$0xFFFFEB80]  }
0x10b: {  	v30 =	vmul.f32 v9, v6;
	v29 =	vld [tilespmem:s10+$0xFFFFE810];
	v13 =	vadd.f32 v16, v13;
	v16 =	vmul.f32 v8, v5  }
0x10c: {  	v23 =	vmul.f32 v12, v23;
	v20 =	vmul.f32 v11, v20;
	v22 =	vadd.f32 $1.000000000e+00, v22;
	v31 =	vld [tilespmem:s10+$0xFFFFEC00]  }
0x10d: {  	v32 =	vld [tilespmem:s10+$0xFFFFE890];
	v13 =	vadd.f32 v19, v13;
	v19 =	vmul.f32 v10, v25;
	v25 =	vmul.f32 v7, v27  }
0x10e: {  	v28 =	vmul.f32 v17, v28;
	v16 =	vmul.f32 v8, v16;
	v24 =	vadd.f32 $1.000000000e+00, v24;
	v27 =	vld [tilespmem:s10+$0xFFFFFC80]  }
0x10f: {  	v23 =	vsub.f32 $1.500000000e+00, v23;
	v33 =	vld [tilespmem:s10+$0xFFFFE8A0];
	v13 =	vadd.f32 v26, v13;
	v26 =	vmul.f32 v9, v30  }
0x110: {  	v20 =	vsub.f32 $1.500000000e+00, v20;
	v29 =	vadd.f32 $1.000000000e+00, v29;
	v30 =	vld [tilespmem:s10+$0xFFFFFD00]  }
0x111: {  	v12 =	vmul.f32 v12, v23;
	v19 =	vsub.f32 $1.500000000e+00, v19;
	v34 =	vld [tilespmem:s10+$0xFFFFE8B0];
	v13 =	vadd.f32 v31, v13  }
0x112: {  	v11 =	vmul.f32 v11, v20;
	v20 =	vsub.f32 $1.500000000e+00, v25;
	v23 =	vadd.f32 v32, v29;
	v29 =	vld [tilespmem:s10+$0xFFFFFD80]  }
0x113: {  	v10 =	vmul.f32 v10, v19;
	v19 =	vsub.f32 $1.500000000e+00, v28;
	v25 =	vld [tilespmem:s10+$0xFFFFE8C0];
	v13 =	vadd.f32 v27, v13  }
0x114: {  	v16 =	vsub.f32 $1.500000000e+00, v16;
	v7 =	vmul.f32 v7, v20;
	v14 =	vadd.f32 v33, v14;
	v27 =	vld [tilespmem:s10+$0xFFFFFE00]  }
0x115: {  	v17 =	vmul.f32 v17, v19;
	v19 =	vsub.f32 $1.500000000e+00, v26;
	v20 =	vld [tilespmem:s10+$0xFFFFE8D0];
	v13 =	vadd.f32 v30, v13  }
0x116: {  	v28 =	vmul.f32 v12, v0;
	v8 =	vmul.f32 v8, v16;
	v15 =	vadd.f32 v34, v15;
	v26 =	vld [tilespmem:s10+$0xFFFFFE80]  }
0x117: {  	v9 =	vmul.f32 v9, v19;
	v16 =	vld [tilespmem:s10+$0xFFFFE8E0];
	v13 =	vadd.f32 v29, v13;
	v29 =	vmul.f32 v11, v1  }
0x118: {  	v30 =	vmul.f32 v7, v3;
	v18 =	vadd.f32 v25, v18;
	v19 =	vld [tilespmem:s10+$0xFFFFFF00];
	v25 =	vmul.f32 v10, v2  }
0x119: {  	v32 =	vmul.f32 v8, v5;
	v31 =	vld [tilespmem:s10+$0xFFFFE8F0];
	v13 =	vadd.f32 v27, v13;
	v27 =	vmul.f32 v17, v4  }
0x11a: {  	v28 =	vmul.f32 v28, v12;
	v33 =	vmul.f32 v9, v6;
	v20 =	vadd.f32 v20, v21;
	v21 =	vld [tilespmem:s10+$0xFFFFFF80]  }
0x11b: {  	v25 =	vmul.f32 v25, v10;
	v34 =	vld [tilespmem:s10+$0xFFFFE910];
	v13 =	vadd.f32 v26, v13;
	v26 =	vmul.f32 v29, v11  }
0x11c: {  	v29 =	vmul.f32 v30, v7;
	v27 =	vmul.f32 v27, v17;
	v16 =	vadd.f32 v16, v22;
	v22 =	vld [tilespmem:s10+$0x0]  }
0x11d: {  	v30 =	vld [tilespmem:s10+$0xFFFFE920];
	v13 =	vadd.f32 v19, v13;
	v19 =	vmul.f32 v32, v8;
	v32 =	vmul.f32 v33, v9  }
0x11e: {  	v28 =	vsub.f32 $1.500000000e+00, v28;
	v33 =	vld [tilespmem:s10+$0xFFFFE930];
	v24 =	vadd.f32 v31, v24  }
0x11f: {  	v31 =	vld [tilespmem:s10+$0xFFFFE940];
	v13 =	vadd.f32 v21, v13;
	v21 =	vsub.f32 $1.500000000e+00, v26  }
0x120: {  	v12 =	vmul.f32 v28, v12;
	v25 =	vsub.f32 $1.500000000e+00, v25;
	v23 =	vadd.f32 v34, v23;
	v26 =	vld [tilespmem:s10+$0xFFFFE950]  }
0x121: {  	v28 =	vld [tilespmem:s10+$0xFFFFE960];
	v13 =	vadd.f32 v22, v13;
	v11 =	vmul.f32 v21, v11;
	v21 =	vsub.f32 $1.500000000e+00, v29  }
0x122: {  	v10 =	vmul.f32 v25, v10;
	v25 =	vsub.f32 $1.500000000e+00, v27;
	v14 =	vadd.f32 v30, v14;
	v22 =	vld [tilespmem:s10+$0xFFFFE970]  }
0x123: {  	v27 =	vld [tilespmem:s10+$0xFFFFE990];
	v15 =	vadd.f32 v33, v15;
	v29 =	vmul.f32 $5.000000000e-01, v13;
	v13 =	vshrl.u32 v13, $0x1  }
0x124: {  	v19 =	vsub.f32 $1.500000000e+00, v19;
	v30 =	vld [tilespmem:s10+$0xFFFFE9A0];
	v18 =	vadd.f32 v31, v18;
	v13 =	vsub.s32 $0x5F3759DF, v13  }
0x125: {  	v32 =	vsub.f32 $1.500000000e+00, v32;
	v31 =	vld [tilespmem:s10+$0xFFFFE9B0];
	v20 =	vadd.f32 v26, v20;
	v26 =	vmul.f32 v13, v29  }
0x126: {  	v17 =	vmul.f32 v25, v17;
	v7 =	vmul.f32 v21, v7;
	v33 =	vld [tilespmem:s10+$0xFFFFE9C0];
	v16 =	vadd.f32 v28, v16  }
0x127: {  	v8 =	vmul.f32 v19, v8;
	v21 =	vld [tilespmem:s10+$0xFFFFE9D0];
	v22 =	vadd.f32 v22, v24;
	v24 =	vmul.f32 v13, v26  }
0x128: {  	v0 =	vmul.f32 v12, v0;
	v9 =	vmul.f32 v32, v9;
	v19 =	vadd.f32 v27, v23;
	v23 =	vld [tilespmem:s10+$0xFFFFE9E0]  }
0x129: {  	v1 =	vmul.f32 v11, v1;
	v14 =	vadd.f32 v30, v14;
	v25 =	vld [tilespmem:s10+$0xFFFFE9F0];
	v24 =	vsub.f32 $1.500000000e+00, v24  }
0x12a: {  	v2 =	vmul.f32 v10, v2;
	v3 =	vmul.f32 v7, v3;
	v26 =	vld [tilespmem:s10+$0xFFFFEA10];
	v15 =	vadd.f32 v31, v15  }
0x12b: {  	v4 =	vmul.f32 v17, v4;
	v27 =	vld [tilespmem:s10+$0xFFFFEA20];
	v18 =	vadd.f32 v33, v18;
	v13 =	vmul.f32 v13, v24  }
0x12c: {  	v5 =	vmul.f32 v8, v5;
	v6 =	vmul.f32 v9, v6;
	v24 =	vld [tilespmem:s10+$0xFFFFEA30];
	v20 =	vadd.f32 v21, v20  }
0x12d: {  	v0 =	vmul.f32 v0, v12;
	v21 =	vld [tilespmem:s10+$0xFFFFEA40];
	v16 =	vadd.f32 v23, v16;
	v23 =	vmul.f32 v13, v29  }
0x12e: {  	v2 =	vmul.f32 v2, v10;
	v1 =	vmul.f32 v1, v11;
	v28 =	vld [tilespmem:s10+$0xFFFFEA50];
	v22 =	vadd.f32 v25, v22  }
0x12f: {  	v3 =	vmul.f32 v3, v7;
	v19 =	vadd.f32 v26, v19;
	v25 =	vld [tilespmem:s10+$0xFFFFEA60];
	v23 =	vmul.f32 v23, v13  }
0x130: {  	v4 =	vmul.f32 v4, v17;
	v5 =	vmul.f32 v5, v8;
	v14 =	vadd.f32 v27, v14;
	v26 =	vld [tilespmem:s10+$0xFFFFEA70]  }
0x131: {  	v6 =	vmul.f32 v6, v9;
	v27 =	vld [tilespmem:s10+$0xFFFFEA90];
	v15 =	vadd.f32 v24, v15;
	v23 =	vsub.f32 $1.500000000e+00, v23  }
0x132: {  	v0 =	vsub.f32 $1.500000000e+00, v0;
	v24 =	vld [tilespmem:s10+$0xFFFFEAA0];
	v18 =	vadd.f32 v21, v18  }
0x133: {  	v1 =	vsub.f32 $1.500000000e+00, v1;
	v21 =	vld [tilespmem:s10+$0xFFFFEAB0];
	v20 =	vadd.f32 v28, v20;
	v13 =	vmul.f32 v23, v13  }
0x134: {  	v0 =	vmul.f32 v0, v12;
	v2 =	vsub.f32 $1.500000000e+00, v2;
	v23 =	vld [tilespmem:s10+$0xFFFFEAC0];
	v16 =	vadd.f32 v25, v16  }
0x135: {  	v3 =	vsub.f32 $1.500000000e+00, v3;
	v12 =	vld [tilespmem:s10+$0xFFFFEAD0];
	v22 =	vadd.f32 v26, v22;
	v25 =	vmul.f32 v13, v29  }
0x136: {  	v19 =	vadd.f32 v27, v19;
	v26 =	vld [tilespmem:s10+$0xFFFFEAE0];
	[tilespmem:s7+$0xFFFFFFC0] =	vst v0;
	v0 =	vmul.f32 v1, v11;
	v1 =	vsub.f32 $1.500000000e+00, v4  }
0x137: {  	v5 =	vsub.f32 $1.500000000e+00, v5;
	v4 =	vadd.f32 v24, v14;
	v11 =	vld [tilespmem:s10+$0xFFFFEAF0];
	v14 =	vmul.f32 v25, v13  }
0x138: {  	v24 =	vld [tilespmem:s10+$0xFFFFEB10];
	v15 =	vadd.f32 v21, v15;
	[tilespmem:s7+$0xFFFFFFD0] =	vst v0;
	v0 =	vmul.f32 v2, v10;
	v2 =	vsub.f32 $1.500000000e+00, v6  }
0x139: {  	v3 =	vmul.f32 v3, v7;
	v6 =	vld [tilespmem:s10+$0xFFFFEB20];
	v10 =	vadd.f32 v23, v18;
	v14 =	vsub.f32 $1.500000000e+00, v14  }
0x13a: {  	v7 =	vld [tilespmem:s10+$0xFFFFEB30];
	v12 =	vadd.f32 v12, v20;
	[tilespmem:s7+$0xFFFFFFE0] =	vst v0;
	v0 =	vmul.f32 v1, v17;
	v1 =	vmul.f32 v5, v8  }
0x13b: {  	v2 =	vmul.f32 v2, v9;
	v5 =	vld [tilespmem:s10+$0xFFFFEB40];
	v8 =	vadd.f32 v26, v16;
	v13 =	vmul.f32 v14, v13;
	[tilespmem:s7+$0xFFFFFFF0] =	vst v3  }
0x13c: {  	s7 =	sadd.s32 $0x80, s7;
	v3 =	vld [tilespmem:s10+$0xFFFFEB50];
	v9 =	vadd.f32 v11, v22;
	[tilespmem:s8+$0x0] =	vst v0  }
0x13d: {  	v0 =	vadd.f32 v24, v19;
	v11 =	vld [tilespmem:s10+$0xFFFFEB60];
	[tilespmem:s7+$0x30] =	vst v13  }
0x13e: {  	v4 =	vadd.f32 v6, v4;
	v6 =	vld [tilespmem:s10+$0xFFFFEB70];
	[tilespmem:s8+$0x10] =	vst v1  }
0x13f: {  	v1 =	vld [tilespmem:s10+$0xFFFFEB90];
	v7 =	vadd.f32 v7, v15;
	[tilespmem:s8+$0x20] =	vst v2;
	s8 =	smov.u32 s7  }
0x140: {  	v2 =	vld [tilespmem:s10+$0xFFFFEBA0];
	v5 =	vadd.f32 v5, v10  }
0x141: {  	v10 =	vld [tilespmem:s10+$0xFFFFEBB0];
	v3 =	vadd.f32 v3, v12  }
0x142: {  	v12 =	vld [tilespmem:s10+$0xFFFFEBC0];
	v8 =	vadd.f32 v11, v8  }
0x143: {  	v11 =	vld [tilespmem:s10+$0xFFFFEBD0];
	v6 =	vadd.f32 v6, v9  }
0x144: {  	v0 =	vadd.f32 v1, v0;
	v1 =	vld [tilespmem:s10+$0xFFFFEBE0]  }
0x145: {  	v2 =	vadd.f32 v2, v4;
	v4 =	vld [tilespmem:s10+$0xFFFFEBF0]  }
0x146: {  	v9 =	vld [tilespmem:s10+$0xFFFFFC10];
	v7 =	vadd.f32 v10, v7  }
0x147: {  	v10 =	vld [tilespmem:s10+$0xFFFFFC20];
	v5 =	vadd.f32 v12, v5  }
0x148: {  	v12 =	vld [tilespmem:s10+$0xFFFFFC30];
	v3 =	vadd.f32 v11, v3  }
0x149: {  	v11 =	vld [tilespmem:s10+$0xFFFFFC40];
	v1 =	vadd.f32 v1, v8  }
0x14a: {  	v8 =	vld [tilespmem:s10+$0xFFFFFC50];
	v4 =	vadd.f32 v4, v6  }
0x14b: {  	v0 =	vadd.f32 v9, v0;
	v6 =	vld [tilespmem:s10+$0xFFFFFC60]  }
0x14c: {  	v2 =	vadd.f32 v10, v2;
	v9 =	vld [tilespmem:s10+$0xFFFFFC70]  }
0x14d: {  	v10 =	vld [tilespmem:s10+$0xFFFFFC90];
	v7 =	vadd.f32 v12, v7  }
0x14e: {  	v12 =	vld [tilespmem:s10+$0xFFFFFCA0];
	v5 =	vadd.f32 v11, v5  }
0x14f: {  	v11 =	vld [tilespmem:s10+$0xFFFFFCB0];
	v3 =	vadd.f32 v8, v3  }
0x150: {  	v8 =	vld [tilespmem:s10+$0xFFFFFCC0];
	v1 =	vadd.f32 v6, v1  }
0x151: {  	v6 =	vld [tilespmem:s10+$0xFFFFFCD0];
	v4 =	vadd.f32 v9, v4  }
0x152: {  	v0 =	vadd.f32 v10, v0;
	v9 =	vld [tilespmem:s10+$0xFFFFFCE0]  }
0x153: {  	v2 =	vadd.f32 v12, v2;
	v10 =	vld [tilespmem:s10+$0xFFFFFCF0]  }
0x154: {  	v12 =	vld [tilespmem:s10+$0xFFFFFD10];
	v7 =	vadd.f32 v11, v7  }
0x155: {  	v11 =	vld [tilespmem:s10+$0xFFFFFD20];
	v5 =	vadd.f32 v8, v5  }
0x156: {  	v8 =	vld [tilespmem:s10+$0xFFFFFD30];
	v3 =	vadd.f32 v6, v3  }
0x157: {  	v6 =	vld [tilespmem:s10+$0xFFFFFD40];
	v1 =	vadd.f32 v9, v1  }
0x158: {  	v9 =	vld [tilespmem:s10+$0xFFFFFD50];
	v4 =	vadd.f32 v10, v4  }
0x159: {  	v0 =	vadd.f32 v12, v0;
	v10 =	vld [tilespmem:s10+$0xFFFFFD60]  }
0x15a: {  	v2 =	vadd.f32 v11, v2;
	v11 =	vld [tilespmem:s10+$0xFFFFFD70]  }
0x15b: {  	v12 =	vld [tilespmem:s10+$0xFFFFFD90];
	v7 =	vadd.f32 v8, v7  }
0x15c: {  	v8 =	vld [tilespmem:s10+$0xFFFFFDA0];
	v5 =	vadd.f32 v6, v5  }
0x15d: {  	v6 =	vld [tilespmem:s10+$0xFFFFFDB0];
	v3 =	vadd.f32 v9, v3  }
0x15e: {  	v9 =	vld [tilespmem:s10+$0xFFFFFDC0];
	v1 =	vadd.f32 v10, v1  }
0x15f: {  	v10 =	vld [tilespmem:s10+$0xFFFFFDD0];
	v4 =	vadd.f32 v11, v4  }
0x160: {  	v0 =	vadd.f32 v12, v0;
	v11 =	vld [tilespmem:s10+$0xFFFFFDE0]  }
0x161: {  	v2 =	vadd.f32 v8, v2;
	v8 =	vld [tilespmem:s10+$0xFFFFFDF0]  }
0x162: {  	v12 =	vld [tilespmem:s10+$0xFFFFFE10];
	v6 =	vadd.f32 v6, v7  }
0x163: {  	v7 =	vld [tilespmem:s10+$0xFFFFFE20];
	v5 =	vadd.f32 v9, v5  }
0x164: {  	v9 =	vld [tilespmem:s10+$0xFFFFFE30];
	v3 =	vadd.f32 v10, v3  }
0x165: {  	v10 =	vld [tilespmem:s10+$0xFFFFFE40];
	v1 =	vadd.f32 v11, v1  }
0x166: {  	v11 =	vld [tilespmem:s10+$0xFFFFFE50];
	v4 =	vadd.f32 v8, v4  }
0x167: {  	v0 =	vadd.f32 v12, v0;
	v8 =	vld [tilespmem:s10+$0xFFFFFE60]  }
0x168: {  	v2 =	vadd.f32 v7, v2;
	v7 =	vld [tilespmem:s10+$0xFFFFFE70]  }
0x169: {  	v12 =	vld [tilespmem:s10+$0xFFFFFE90];
	v6 =	vadd.f32 v9, v6  }
0x16a: {  	v9 =	vld [tilespmem:s10+$0xFFFFFEA0];
	v5 =	vadd.f32 v10, v5  }
0x16b: {  	v10 =	vld [tilespmem:s10+$0xFFFFFEB0];
	v3 =	vadd.f32 v11, v3  }
0x16c: {  	v11 =	vld [tilespmem:s10+$0xFFFFFEC0];
	v1 =	vadd.f32 v8, v1  }
0x16d: {  	v8 =	vld [tilespmem:s10+$0xFFFFFED0];
	v4 =	vadd.f32 v7, v4  }
0x16e: {  	v0 =	vadd.f32 v12, v0;
	v7 =	vld [tilespmem:s10+$0xFFFFFEE0]  }
0x16f: {  	v2 =	vadd.f32 v9, v2;
	v9 =	vld [tilespmem:s10+$0xFFFFFEF0]  }
0x170: {  	v12 =	vld [tilespmem:s10+$0xFFFFFF10];
	v6 =	vadd.f32 v10, v6  }
0x171: {  	v10 =	vld [tilespmem:s10+$0xFFFFFF20];
	v5 =	vadd.f32 v11, v5  }
0x172: {  	v11 =	vld [tilespmem:s10+$0xFFFFFF30];
	v3 =	vadd.f32 v8, v3  }
0x173: {  	v8 =	vld [tilespmem:s10+$0xFFFFFF40];
	v13 =	vadd.f32 v7, v1  }
0x174: {  	v7 =	vld [tilespmem:s10+$0xFFFFFF50];
	v9 =	vadd.f32 v9, v4  }
0x175: {  	v0 =	vadd.f32 v12, v0;
	v4 =	vld [tilespmem:s10+$0xFFFFFF60]  }
0x176: {  	v14 =	vadd.f32 v10, v2;
	v12 =	vld [tilespmem:s10+$0xFFFFFF70]  }
0x177: {  	v15 =	vld [tilespmem:s10+$0xFFFFFF90];
	v1 =	vadd.f32 v11, v6  }
0x178: {  	v11 =	vld [tilespmem:s10+$0xFFFFFFA0];
	v2 =	vadd.f32 v8, v5  }
.Ltmp2:
0x179: {  	v10 =	vld [tilespmem:s10+$0xFFFFFFB0];
	v3 =	vadd.f32 v7, v3;
	(pc) =	sbr.rel @p0 .LBB2_5-.Ltmp2, $4  }
0x17a: {  	v7 =	vld [tilespmem:s10+$0xFFFFFFC0];
	v4 =	vadd.f32 v4, v13  }
0x17b: {  	v6 =	vld [tilespmem:s10+$0xFFFFFFD0];
	v5 =	vadd.f32 v12, v9  }
0x17c: {  	v12 =	vadd.f32 v15, v0;
	v8 =	vld [tilespmem:s10+$0xFFFFFFE0]  }
0x17d: {  	v11 =	vadd.f32 v11, v14;
	v9 =	vld [tilespmem:s10+$0xFFFFFFF0];
	s10 =	sadd.s32 $0x400, s10  }
0x17e: {  	v0 =	vadd.f32 v10, v1;
	v1 =	vmul.f32 $5.000000000e-01, v12;
	v38 =	vshrl.u32 v12, $0x1  }
0x17f: {  	v39 =	vmul.f32 $5.000000000e-01, v11;
	v40 =	vshrl.u32 v11, $0x1;
	v2 =	vadd.f32 v7, v2  }
0x180: {  	v10 =	vsub.s32 $0x5F3759DF, v38;
	v41 =	vmul.f32 $5.000000000e-01, v0;
	v0 =	vshrl.u32 v0, $0x1  }
0x181: {  	v3 =	vadd.f32 v6, v3;
	v11 =	vsub.s32 $0x5F3759DF, v40;
	v14 =	vmul.f32 v10, v1  }
0x182: {  	v4 =	vadd.f32 v8, v4;
	v42 =	vmul.f32 $5.000000000e-01, v2;
	v2 =	vshrl.u32 v2, $0x1  }
0x183: {  	v0 =	vsub.s32 $0x5F3759DF, v0;
	v15 =	vmul.f32 v11, v39;
	v5 =	vadd.f32 v9, v5  }
0x184: {  	v43 =	vmul.f32 $5.000000000e-01, v3;
	v3 =	vshrl.u32 v3, $0x1;
	v16 =	vmul.f32 v0, v41  }
0x185: {  	v2 =	vsub.s32 $0x5F3759DF, v2;
	v14 =	vmul.f32 v10, v14;
	v44 =	vmul.f32 $5.000000000e-01, v4  }
0x186: {  	v4 =	vshrl.u32 v4, $0x1;
	v3 =	vsub.s32 $0x5F3759DF, v3;
	v17 =	vmul.f32 v2, v42  }
0x187: {  	v15 =	vmul.f32 v11, v15;
	v13 =	vmul.f32 $5.000000000e-01, v5;
	v5 =	vshrl.u32 v5, $0x1  }
0x188: {  	v4 =	vsub.s32 $0x5F3759DF, v4;
	v18 =	vmul.f32 v3, v43;
	v16 =	vmul.f32 v0, v16  }
0x189: {  	v14 =	vsub.f32 $1.500000000e+00, v14;
	v5 =	vsub.s32 $0x5F3759DF, v5;
	v19 =	vmul.f32 v4, v44  }
0x18a: {  	v17 =	vmul.f32 v2, v17;
	v15 =	vsub.f32 $1.500000000e+00, v15;
	v20 =	vmul.f32 v5, v13  }
0x18b: {  	v18 =	vmul.f32 v3, v18;
	v16 =	vsub.f32 $1.500000000e+00, v16;
	v10 =	vmul.f32 v10, v14  }
0x18c: {  	v19 =	vmul.f32 v4, v19;
	v45 =	vsub.f32 $1.500000000e+00, v17;
	v11 =	vmul.f32 v11, v15  }
0x18d: {  	v20 =	vmul.f32 v5, v20;
	v46 =	vsub.f32 $1.500000000e+00, v18;
	v0 =	vmul.f32 v0, v16  }
0x18e: {  	v49 =	vmul.f32 v10, v1;
	v2 =	vmul.f32 v2, v45  }
0x18f: {  	v47 =	vsub.f32 $1.500000000e+00, v19;
	v50 =	vmul.f32 v11, v39;
	v3 =	vmul.f32 v3, v46  }
0x190: {  	v48 =	vsub.f32 $1.500000000e+00, v20;
	v51 =	vmul.f32 v0, v41;
	v16 =	vmul.f32 v49, v10  }
0x191: {  	v4 =	vmul.f32 v4, v47;
	v52 =	vmul.f32 v2, v42  }
0x192: {  	v15 =	vmul.f32 v50, v11;
	v5 =	vmul.f32 v5, v48  }
0x193: {  	v53 =	vmul.f32 v3, v43;
	v14 =	vmul.f32 v51, v0  }
0x194: {  	v16 =	vsub.f32 $1.500000000e+00, v16;
	v54 =	vmul.f32 v4, v44;
	v17 =	vmul.f32 v52, v2  }
0x195: {  	v15 =	vsub.f32 $1.500000000e+00, v15;
	v55 =	vmul.f32 v5, v13;
	v18 =	vmul.f32 v53, v3  }
0x196: {  	v10 =	vmul.f32 v16, v10;
	v14 =	vsub.f32 $1.500000000e+00, v14;
	v19 =	vmul.f32 v54, v4  }
0x197: {  	v56 =	vsub.f32 $1.500000000e+00, v17;
	v11 =	vmul.f32 v15, v11;
	v20 =	vmul.f32 v55, v5  }
0x198: {  	v57 =	vsub.f32 $1.500000000e+00, v18;
	v0 =	vmul.f32 v14, v0;
	v1 =	vmul.f32 v10, v1  }
0x199: {  	v58 =	vsub.f32 $1.500000000e+00, v19;
	v2 =	vmul.f32 v56, v2;
	v12 =	vmul.f32 v11, v39  }
0x19a: {  	v3 =	vmul.f32 v57, v3;
	v7 =	vmul.f32 v0, v41  }
0x19b: {  	v59 =	vsub.f32 $1.500000000e+00, v20;
	v1 =	vmul.f32 v1, v10;
	v4 =	vmul.f32 v58, v4  }
0x19c: {  	v6 =	vmul.f32 v2, v42;
	v12 =	vmul.f32 v12, v11  }
0x19d: {  	v5 =	vmul.f32 v59, v5;
	v8 =	vmul.f32 v3, v43  }
0x19e: {  	v7 =	vmul.f32 v7, v0;
	v1 =	vsub.f32 $1.500000000e+00, v1;
	v9 =	vmul.f32 v4, v44  }
0x19f: {  	v6 =	vmul.f32 v6, v2;
	v12 =	vsub.f32 $1.500000000e+00, v12;
	v13 =	vmul.f32 v5, v13  }
0x1a0: {  	v8 =	vmul.f32 v8, v3;
	v1 =	vmul.f32 v1, v10;
	v7 =	vsub.f32 $1.500000000e+00, v7  }
0x1a1: {  	v9 =	vmul.f32 v9, v4;
	v6 =	vsub.f32 $1.500000000e+00, v6;
	v60 =	vmul.f32 v12, v11  }
0x1a2: {  	v61 =	vmul.f32 v13, v5;
	[tilespmem:s7+$0xFFFFFFC0] =	vst v1;
	v1 =	vsub.f32 $1.500000000e+00, v8;
	v0 =	vmul.f32 v7, v0  }
0x1a3: {  	v62 =	vsub.f32 $1.500000000e+00, v9;
	[tilespmem:s7+$0xFFFFFFD0] =	vst v60;
	v2 =	vmul.f32 v6, v2  }
0x1a4: {  	v63 =	vsub.f32 $1.500000000e+00, v61;
	[tilespmem:s7+$0xFFFFFFE0] =	vst v0;
	v0 =	vmul.f32 v1, v3  }
0x1a5: {  	v1 =	vmul.f32 v62, v4;
	[tilespmem:s7+$0xFFFFFFF0] =	vst v2  }
0x1a6: {  	s7 =	smul.u32 $0x280, s0;
	v2 =	vmul.f32 v63, v5;
	[tilespmem:s8+$0x0] =	vst v0  }
0x1a7: {  	[tilespmem:s8+$0x10] =	vst v1  }
0x1a8: {  	s9 =	simm.s32 $0x18B80;
	s30 =	simm.s32 $0x3;
	[tilespmem:s8+$0x20] =	vst v2;
	s8 =	sadd.s32 s7, s5  }
0x1a9: {  	[spmem:s8] =	stream.linear.scatter [tilespmem:s9], [sflag:$0x3], $0x280, $0x38;
	[tilespmem:$0x1B880] =	vst v63  }
0x1aa: {  	_ =	swait.ge [sflag:s30], $0x280  }
0x1ab: {  	[sflag:s30] =	ssyncset.done $0x0  }
0x1ac: {  	[sflag:s30] =	ssyncadd.s32 $0xFFFFFD80  }
0x1ad: {  	s31 =	simm.s32 $0x11380;
	s9 =	simm.s32 $0xEC00;
	[bflag:$0x0] =	sbarrier.arrive $0xFFFF  }
0x1ae: {  	v0 =	vimm.f32 $0.0e+00;
	[tilespmem:s31], [sflag:$0x2] =	stream.linear.gather [spmem:s5], $0x2800, $0x38;
	[tilespmem:$0x1B880] =	vst v63  }
0x1af: {  	[tilespmem:s9+$0xFFFFFF80] =	vst v0  }
0x1b0: {  	[tilespmem:s9+$0x70] =	vst v0  }
0x1b1: {  	[tilespmem:s9+$0x60] =	vst v0  }
0x1b2: {  	[tilespmem:s9+$0x50] =	vst v0  }
0x1b3: {  	[tilespmem:s9+$0x40] =	vst v0  }
0x1b4: {  	[tilespmem:s9+$0x30] =	vst v0  }
0x1b5: {  	[tilespmem:s9+$0x20] =	vst v0  }
0x1b6: {  	[tilespmem:s9+$0x10] =	vst v0  }
0x1b7: {  	[tilespmem:s9+$0x0] =	vst v0  }
0x1b8: {  	[tilespmem:s9+$0xFFFFFFF0] =	vst v0  }
0x1b9: {  	[tilespmem:s9+$0xFFFFFFE0] =	vst v0  }
0x1ba: {  	[tilespmem:s9+$0xFFFFFFD0] =	vst v0  }
0x1bb: {  	[tilespmem:s9+$0xFFFFFFC0] =	vst v0  }
0x1bc: {  	[tilespmem:s9+$0xFFFFFFB0] =	vst v0  }
0x1bd: {  	s10 =	simm.s32 $0x0;
	[tilespmem:s9+$0xFFFFFFA0] =	vst v0  }
.LBB2_7:
0x1be: {  	s10 =	sadd.s32 $0x10, s10;
	[tilespmem:s9+$0xFFFFFF90] =	vst v0;
	s9 =	sadd.s32 $0x100, s9  }
0x1bf: {  	[tilespmem:s9+$0xFFFFFF80] =	vst v0;
	p0 =	slt.u32 s10, $0x270  }
0x1c0: {  	[tilespmem:s9+$0x70] =	vst v0  }
0x1c1: {  	[tilespmem:s9+$0x60] =	vst v0  }
0x1c2: {  	[tilespmem:s9+$0x50] =	vst v0  }
0x1c3: {  	[tilespmem:s9+$0x40] =	vst v0  }
0x1c4: {  	[tilespmem:s9+$0x30] =	vst v0  }
0x1c5: {  	[tilespmem:s9+$0x20] =	vst v0  }
0x1c6: {  	[tilespmem:s9+$0x10] =	vst v0  }
0x1c7: {  	[tilespmem:s9+$0x0] =	vst v0  }
0x1c8: {  	[tilespmem:s9+$0xFFFFFFF0] =	vst v0  }
.Ltmp3:
0x1c9: {  	[tilespmem:s9+$0xFFFFFFE0] =	vst v0;
	(pc) =	sbr.rel @p0 .LBB2_7-.Ltmp3, $4  }
0x1ca: {  	[tilespmem:s9+$0xFFFFFFD0] =	vst v0  }
0x1cb: {  	[tilespmem:s9+$0xFFFFFFC0] =	vst v0  }
0x1cc: {  	[tilespmem:s9+$0xFFFFFFB0] =	vst v0  }
0x1cd: {  	[tilespmem:s9+$0xFFFFFFA0] =	vst v0  }
0x1ce: {  	[tilespmem:s9+$0xFFFFFF90] =	vst v0;
	s29 =	simm.s32 $0x1  }
0x1cf: {  	_ =	swait.ge [sflag:s29], $0x4E20  }
0x1d0: {  	[sflag:s29] =	ssyncset.done $0x0  }
0x1d1: {  	s30 =	simm.s32 $0x2;
	[sflag:s29] =	ssyncadd.s32 $0xFFFFB1E0  }
0x1d2: {  	_ =	swait.ge [sflag:s30], $0x2800  }
0x1d3: {  	s10 =	simm.s32 $0x0;
	[sflag:s30] =	ssyncset.done $0x0  }
0x1d4: {  	s13 =	sand.u32 $0x7FE0, s10;
	[sflag:s30] =	ssyncadd.s32 $0xFFFFD800  }
0x1d5: {  	s9 =	simm.s32 $0x9D50;
	v0 =	vld [tilespmem:s13+$0x4F00]  }
0x1d6: {  	s10 =	simm.s32 $0x4ED0;
	v2 =	vld [tilespmem:s9+$0xFFFFFFB0]  }
0x1d7: {  	v1 =	vld [tilespmem:s10+$0x10]  }
0x1d8: {  	v3 =	vld [tilespmem:s13+$0x80]  }
0x1d9: {  	v4 =	vld [tilespmem:s13+$0x9D80]  }
0x1da: {  	v5 =	vld [tilespmem:s9+$0xFFFFFFE0]  }
0x1db: {  	v6 =	vld [tilespmem:s9+$0xFFFFFFC0]  }
0x1dc: {  	v7 =	vld [tilespmem:s9+$0xFFFFFFD0]  }
0x1dd: {  	v8 =	vld [tilespmem:s9+$0xFFFFFFF0]  }
0x1de: {  	v10 =	vld [tilespmem:s9+$0x10]  }
0x1df: {  	v11 =	vld [tilespmem:s9+$0x20]  }
0x1e0: {  	s11 =	simm.s32 $0x11380;
	v14 =	vld [tilespmem:s10+$0x20]  }
0x1e1: {  	v0 =	vld.idx.msk [tilespmem:v0+s11+$0x0], $0xffff  }
0x1e2: {  	v12 =	vld [tilespmem:s9+$0x40]  }
0x1e3: {  	v13 =	vld [tilespmem:s10+$0xFFFFFFB0]  }
0x1e4: {  	v15 =	vld [tilespmem:s10+$0xFFFFFFE0]  }
0x1e5: {  	v16 =	vld [tilespmem:s10+$0xFFFFFFD0]  }
0x1e6: {  	v17 =	vld [tilespmem:s10+$0xFFFFFFC0];
	v0 =	vmul.f32 v0, v4  }
0x1e7: {  	v4 =	vld [tilespmem:s10+$0x40]  }
0x1e8: {  	s12 =	simm.s32 $0xEB80;
	v14 =	vld.idx.msk [tilespmem:v14+s11+$0x0], $0xffff;
	[tilespmem:s13+$0x9D80] =	vst v0  }
0x1e9: {  	[tilespmem:v3+s12+$0x0] =	vst.idx.add.f32.msk $0xffff, v0  }
0x1ea: {  	v0 =	vld [tilespmem:s10+$0x0]  }
0x1eb: {  	v3 =	vld [tilespmem:s10+$0xFFFFFFF0]  }
0x1ec: {  	v1 =	vld.idx.msk [tilespmem:v1+s11+$0x0], $0xffff  }
0x1ed: {  	v15 =	vld.idx.msk [tilespmem:v15+s11+$0x0], $0xffff;
	v11 =	vmul.f32 v14, v11  }
0x1ee: {  	v16 =	vld.idx.msk [tilespmem:v16+s11+$0x0], $0xffff  }
0x1ef: {  	s31 =	simm.s32 $0x50;
	[tilespmem:s9+$0x20] =	vst v11;
	v4 =	vld.idx.msk [tilespmem:v4+s11+$0x0], $0xffff  }
0x1f0: {  	v57 =	vld [tilespmem:s31+$0x20]  }
0x1f1: {  	v9 =	vld [tilespmem:s9+$0x0]  }
0x1f2: {  	v18 =	vld.idx.msk [tilespmem:v0+s11+$0x0], $0xffff  }
0x1f3: {  	v10 =	vmul.f32 v1, v10;
	v3 =	vld.idx.msk [tilespmem:v3+s11+$0x0], $0xffff  }
0x1f4: {  	v5 =	vmul.f32 v15, v5;
	v0 =	vmul.f32 v4, v12;
	v4 =	vld.idx.msk [tilespmem:v17+s11+$0x0], $0xffff  }
0x1f5: {  	v56 =	vld.idx.msk [tilespmem:v13+s11+$0x0], $0xffff;
	v7 =	vmul.f32 v16, v7;
	[tilespmem:s9+$0x10] =	vst v10  }
0x1f6: {  	[tilespmem:s9+$0xFFFFFFE0] =	vst v5;
	v58 =	vld [tilespmem:s31+$0x10]  }
0x1f7: {  	[tilespmem:s9+$0xFFFFFFD0] =	vst v7;
	v61 =	vld [tilespmem:s31+$0xFFFFFFE0];
	v9 =	vmul.f32 v18, v9  }
0x1f8: {  	[tilespmem:v57+s12+$0x0] =	vst.idx.add.f32.msk $0xffff, v11;
	v8 =	vmul.f32 v3, v8  }
0x1f9: {  	v62 =	vld [tilespmem:s31+$0xFFFFFFD0];
	[tilespmem:s9+$0x0] =	vst v9;
	v4 =	vmul.f32 v4, v6  }
0x1fa: {  	v2 =	vmul.f32 v56, v2;
	[tilespmem:s9+$0xFFFFFFF0] =	vst v8;
	v59 =	vld [tilespmem:s31+$0x0]  }
0x1fb: {  	v60 =	vld [tilespmem:s31+$0xFFFFFFF0];
	[tilespmem:s9+$0xFFFFFFC0] =	vst v4  }
0x1fc: {  	[tilespmem:s9+$0xFFFFFFB0] =	vst v2;
	v63 =	vld [tilespmem:s31+$0xFFFFFFC0]  }
0x1fd: {  	[tilespmem:s9+$0x40] =	vst v0;
	v3 =	vld [tilespmem:s31+$0xFFFFFFB0]  }
0x1fe: {  	v1 =	vld [tilespmem:s31+$0x40]  }
0x1ff: {  	[tilespmem:v58+s12+$0x0] =	vst.idx.add.f32.msk $0xffff, v10  }
0x200: {  	[tilespmem:v61+s12+$0x0] =	vst.idx.add.f32.msk $0xffff, v5  }
0x201: {  	[tilespmem:v62+s12+$0x0] =	vst.idx.add.f32.msk $0xffff, v7  }
0x202: {  	[tilespmem:v59+s12+$0x0] =	vst.idx.add.f32.msk $0xffff, v9  }
0x203: {  	[tilespmem:v60+s12+$0x0] =	vst.idx.add.f32.msk $0xffff, v8  }
0x204: {  	s14 =	simm.s32 $0xF0;
	s15 =	simm.s32 $0xA0;
	s13 =	simm.s32 $0x0;
	[tilespmem:v63+s12+$0x0] =	vst.idx.add.f32.msk $0xffff, v4  }
.LBB2_9:
0x205: {  	s13 =	sadd.s32 $0xA, s13;
	[tilespmem:v3+s12+$0x0] =	vst.idx.add.f32.msk $0xffff, v2;
	s9 =	sadd.s32 $0xA0, s9;
	s10 =	sadd.s32 $0xA0, s10  }
0x206: {  	s16 =	sand.u32 $0x7FE0, s15;
	p0 =	slt.u32 s13, $0x4D8;
	[tilespmem:v1+s12+$0x0] =	vst.idx.add.f32.msk $0xffff, v0  }
0x207: {  	v0 =	vld [tilespmem:s16+$0x4F00]  }
0x208: {  	v2 =	vld [tilespmem:s9+$0xFFFFFFB0]  }
0x209: {  	v1 =	vld [tilespmem:s10+$0x10]  }
0x20a: {  	v3 =	vld [tilespmem:s16+$0x80]  }
0x20b: {  	v4 =	vld [tilespmem:s16+$0x9D80]  }
0x20c: {  	v5 =	vld [tilespmem:s9+$0xFFFFFFE0]  }
0x20d: {  	v6 =	vld [tilespmem:s9+$0xFFFFFFC0]  }
0x20e: {  	v7 =	vld [tilespmem:s9+$0xFFFFFFD0]  }
0x20f: {  	v0 =	vld.idx.msk [tilespmem:v0+s11+$0x0], $0xffff  }
0x210: {  	v8 =	vld [tilespmem:s9+$0xFFFFFFF0]  }
0x211: {  	v9 =	vld [tilespmem:s9+$0x0]  }
0x212: {  	v10 =	vld [tilespmem:s9+$0x10]  }
0x213: {  	v11 =	vld [tilespmem:s9+$0x20]  }
0x214: {  	v12 =	vld [tilespmem:s9+$0x40]  }
0x215: {  	v0 =	vmul.f32 v0, v4;
	v13 =	vld [tilespmem:s10+$0xFFFFFFB0]  }
0x216: {  	v4 =	vld [tilespmem:s10+$0x40]  }
0x217: {  	v14 =	vld [tilespmem:s10+$0x20];
	[tilespmem:s16+$0x9D80] =	vst v0  }
0x218: {  	[tilespmem:v3+s12+$0x0] =	vst.idx.add.f32.msk $0xffff, v0  }
0x219: {  	v0 =	vld [tilespmem:s10+$0x0]  }
0x21a: {  	v3 =	vld [tilespmem:s10+$0xFFFFFFF0]  }
0x21b: {  	v15 =	vld [tilespmem:s10+$0xFFFFFFE0]  }
0x21c: {  	v16 =	vld [tilespmem:s10+$0xFFFFFFD0]  }
0x21d: {  	v17 =	vld [tilespmem:s10+$0xFFFFFFC0]  }
0x21e: {  	v4 =	vld.idx.msk [tilespmem:v4+s11+$0x0], $0xffff  }
0x21f: {  	v14 =	vld.idx.msk [tilespmem:v14+s11+$0x0], $0xffff  }
0x220: {  	v1 =	vld.idx.msk [tilespmem:v1+s11+$0x0], $0xffff  }
0x221: {  	v18 =	vld.idx.msk [tilespmem:v0+s11+$0x0], $0xffff  }
0x222: {  	v3 =	vld.idx.msk [tilespmem:v3+s11+$0x0], $0xffff  }
0x223: {  	v15 =	vld.idx.msk [tilespmem:v15+s11+$0x0], $0xffff  }
0x224: {  	v0 =	vmul.f32 v4, v12;
	v16 =	vld.idx.msk [tilespmem:v16+s11+$0x0], $0xffff  }
0x225: {  	v11 =	vmul.f32 v14, v11;
	v4 =	vld.idx.msk [tilespmem:v17+s11+$0x0], $0xffff  }
0x226: {  	v10 =	vmul.f32 v1, v10;
	v12 =	vld.idx.msk [tilespmem:v13+s11+$0x0], $0xffff;
	[tilespmem:s9+$0x40] =	vst v0  }
0x227: {  	v9 =	vmul.f32 v18, v9;
	[tilespmem:s9+$0x20] =	vst v11;
	v1 =	vld [tilespmem:s14+$0x40]  }
0x228: {  	v8 =	vmul.f32 v3, v8;
	[tilespmem:s9+$0x10] =	vst v10;
	v13 =	vld [tilespmem:s14+$0x20]  }
0x229: {  	v5 =	vmul.f32 v15, v5;
	[tilespmem:s9+$0x0] =	vst v9;
	v14 =	vld [tilespmem:s14+$0x10]  }
0x22a: {  	v7 =	vmul.f32 v16, v7;
	[tilespmem:s9+$0xFFFFFFF0] =	vst v8;
	v15 =	vld [tilespmem:s14+$0x0]  }
0x22b: {  	v4 =	vmul.f32 v4, v6;
	[tilespmem:s9+$0xFFFFFFE0] =	vst v5;
	v6 =	vld [tilespmem:s14+$0xFFFFFFF0]  }
0x22c: {  	v2 =	vmul.f32 v12, v2;
	[tilespmem:s9+$0xFFFFFFD0] =	vst v7;
	v12 =	vld [tilespmem:s14+$0xFFFFFFE0]  }
0x22d: {  	[tilespmem:s9+$0xFFFFFFC0] =	vst v4;
	v16 =	vld [tilespmem:s14+$0xFFFFFFD0]  }
0x22e: {  	[tilespmem:s9+$0xFFFFFFB0] =	vst v2;
	v17 =	vld [tilespmem:s14+$0xFFFFFFC0]  }
0x22f: {  	v3 =	vld [tilespmem:s14+$0xFFFFFFB0]  }
0x230: {  	[tilespmem:v13+s12+$0x0] =	vst.idx.add.f32.msk $0xffff, v11  }
0x231: {  	[tilespmem:v14+s12+$0x0] =	vst.idx.add.f32.msk $0xffff, v10  }
.Ltmp4:
0x232: {  	[tilespmem:v15+s12+$0x0] =	vst.idx.add.f32.msk $0xffff, v9;
	(pc) =	sbr.rel @p0 .LBB2_9-.Ltmp4, $4  }
0x233: {  	[tilespmem:v6+s12+$0x0] =	vst.idx.add.f32.msk $0xffff, v8  }
0x234: {  	[tilespmem:v12+s12+$0x0] =	vst.idx.add.f32.msk $0xffff, v5  }
0x235: {  	[tilespmem:v16+s12+$0x0] =	vst.idx.add.f32.msk $0xffff, v7  }
0x236: {  	s15 =	sadd.s32 $0xA0, s15;
	s14 =	sadd.s32 $0xA0, s14;
	[tilespmem:v17+s12+$0x0] =	vst.idx.add.f32.msk $0xffff, v4  }
0x237: {  	_ =	sdelay $0x3  }
0x238: {  	[tilespmem:v3+s12+$0x0] =	vst.idx.add.f32.msk $0xffff, v2;
	s9 =	simm.s32 $0x80  }
0x239: {  	[tilespmem:v1+s12+$0x0] =	vst.idx.add.f32.msk $0xffff, v0;
	s10 =	simm.s32 $0x400;
	s11 =	simm.s32 $0xEB80;
	s25 =	simm.s32 $0x3  }
0x23a: {  	[spmem:s3] =	stream.strided.scatter [tilespmem:s11], [sflag:$0x3], $0x2800, s10, s9, $0x38;
	[tilespmem:$0x1B880] =	vst v63  }
0x23b: {  	_ =	swait.ge [sflag:s25], $0x2800  }
0x23c: {  	[sflag:s25] =	ssyncset.done $0x0  }
0x23d: {  	s26 =	simm.s32 $0x1400;
	[sflag:s25] =	ssyncadd.s32 $0xFFFFD800  }
0x23e: {  	s28 =	simm.s32 $0x14000;
	s29 =	simm.s32 $0x16380;
	[bflag:$0x0] =	sbarrier.arrive $0xFFFF  }
0x23f: {  	[tilespmem:s29], [sflag:$0x3] =	stream.strided.gather [spmem:s4], $0x2800, s28, s26, $0x38;
	[tilespmem:$0x1B880] =	vst v63  }
0x240: {  	_ =	swait.ge [sflag:s25], $0x2800  }
0x241: {  	[sflag:s25] =	ssyncset.done $0x0  }
0x242: {  	s30 =	simm.s32 $0x17B70;
	[sflag:s25] =	ssyncadd.s32 $0xFFFFD800  }
0x243: {  	v0 =	vld [tilespmem:s30+$0xFFFFE880]  }
0x244: {  	v1 =	vld [tilespmem:s30+$0xFFFFE810]  }
0x245: {  	v2 =	vld [tilespmem:s30+$0xFFFFE900]  }
0x246: {  	v3 =	vld [tilespmem:s30+$0xFFFFE820]  }
0x247: {  	v4 =	vld [tilespmem:s30+$0xFFFFE980]  }
0x248: {  	v5 =	vld [tilespmem:s30+$0xFFFFE830]  }
0x249: {  	v6 =	vld [tilespmem:s30+$0xFFFFEA00]  }
0x24a: {  	v7 =	vld [tilespmem:s30+$0xFFFFE840]  }
0x24b: {  	v8 =	vld [tilespmem:s30+$0xFFFFEA80]  }
0x24c: {  	v9 =	vld [tilespmem:s30+$0xFFFFE850]  }
0x24d: {  	v10 =	vld [tilespmem:s30+$0xFFFFEB00]  }
0x24e: {  	v11 =	vld [tilespmem:s30+$0xFFFFE860]  }
0x24f: {  	v12 =	vld [tilespmem:s30+$0xFFFFEB80]  }
0x250: {  	v13 =	vld [tilespmem:s30+$0xFFFFE870]  }
0x251: {  	v14 =	vld [tilespmem:s30+$0xFFFFEC00]  }
0x252: {  	v15 =	vld [tilespmem:s30+$0xFFFFE890]  }
0x253: {  	v16 =	vld [tilespmem:s30+$0xFFFFFC80]  }
0x254: {  	v17 =	vld [tilespmem:s30+$0xFFFFE8A0]  }
0x255: {  	v18 =	vld [tilespmem:s30+$0xFFFFFD00]  }
0x256: {  	v19 =	vld [tilespmem:s30+$0xFFFFE8B0]  }
0x257: {  	v20 =	vld [tilespmem:s30+$0xFFFFFD80]  }
0x258: {  	v21 =	vld [tilespmem:s30+$0xFFFFE8C0]  }
0x259: {  	v22 =	vld [tilespmem:s30+$0xFFFFFE00]  }
0x25a: {  	v23 =	vld [tilespmem:s30+$0xFFFFE8D0]  }
0x25b: {  	v24 =	vld [tilespmem:s30+$0xFFFFFE80]  }
0x25c: {  	v25 =	vld [tilespmem:s30+$0xFFFFE8E0]  }
0x25d: {  	v26 =	vld [tilespmem:s30+$0xFFFFFF00]  }
0x25e: {  	v27 =	vld [tilespmem:s30+$0xFFFFE8F0]  }
0x25f: {  	s31 =	smul.u32 $0xA00, s0;
	v28 =	vld [tilespmem:s30+$0xFFFFFF80]  }
0x260: {  	v29 =	vld [tilespmem:s30+$0xFFFFE910]  }
0x261: {  	s9 =	sshrl.u32 s31, $0x2;
	v30 =	vld [tilespmem:s30+$0x0]  }
0x262: {  	s10 =	sadd.s32 $0x113C0, s9;
	v31 =	vld [tilespmem:s30+$0xFFFFE920]  }
0x263: {  	v32 =	vld [tilespmem:s10+$0x30]  }
0x264: {  	v33 =	vld [tilespmem:s30+$0xFFFFE930]  }
0x265: {  	v34 =	vld [tilespmem:s30+$0xFFFFE940]  }
0x266: {  	v35 =	vld [tilespmem:s30+$0xFFFFE950]  }
0x267: {  	v36 =	vld [tilespmem:s30+$0xFFFFE960]  }
0x268: {  	v37 =	vld [tilespmem:s30+$0xFFFFE970]  }
0x269: {  	v38 =	vld [tilespmem:s30+$0xFFFFE990]  }
0x26a: {  	v39 =	vld [tilespmem:s30+$0xFFFFE9A0]  }
0x26b: {  	v40 =	vld [tilespmem:s30+$0xFFFFE9B0]  }
0x26c: {  	v41 =	vld [tilespmem:s30+$0xFFFFE9C0]  }
0x26d: {  	v42 =	vld [tilespmem:s30+$0xFFFFE9D0]  }
0x26e: {  	v43 =	vld [tilespmem:s30+$0xFFFFE9E0]  }
0x26f: {  	v44 =	vld [tilespmem:s30+$0xFFFFE9F0]  }
0x270: {  	v45 =	vld [tilespmem:s30+$0xFFFFEA10]  }
0x271: {  	v46 =	vld [tilespmem:s30+$0xFFFFEA20]  }
0x272: {  	v47 =	vld [tilespmem:s30+$0xFFFFEA30]  }
0x273: {  	v48 =	vld [tilespmem:s30+$0xFFFFEA40];
	v0 =	vadd.f32 $0.0e+00, v0  }
0x274: {  	v49 =	vld [tilespmem:s30+$0xFFFFEA50]  }
0x275: {  	v0 =	vadd.f32 v2, v0;
	v2 =	vld [tilespmem:s30+$0xFFFFEAC0]  }
0x276: {  	v50 =	vld [tilespmem:s30+$0xFFFFEA60]  }
0x277: {  	v51 =	vld [tilespmem:s30+$0xFFFFEA70]  }
0x278: {  	v52 =	vld [tilespmem:s30+$0xFFFFEA90]  }
0x279: {  	v53 =	vld [tilespmem:s30+$0xFFFFEAA0]  }
0x27a: {  	v54 =	vld [tilespmem:s30+$0xFFFFEAB0];
	v13 =	vadd.f32 $0.0e+00, v13;
	[tilespmem:$0x1FFE0] =	vst v2  }
0x27b: {  	v2 =	vld [tilespmem:s30+$0xFFFFEAE0]  }
0x27c: {  	v13 =	vadd.f32 v27, v13;
	_ =	sdelay $0x1  }
0x27d: {  	v13 =	vadd.f32 v37, v13  }
0x27e: {  	v55 =	vld [tilespmem:s30+$0xFFFFEAD0]  }
0x27f: {  	v0 =	vadd.f32 v4, v0;
	v13 =	vadd.f32 v44, v13;
	v44 =	vld [tilespmem:$0x1FFE0];
	[tilespmem:$0x1FFF0] =	vst v2  }
0x280: {  	v56 =	vld [tilespmem:s30+$0xFFFFEAF0]  }
0x281: {  	v0 =	vadd.f32 v6, v0;
	v6 =	vld [tilespmem:s30+$0xFFFFEB10]  }
0x282: {  	v57 =	vld [tilespmem:s30+$0xFFFFEB20]  }
0x283: {  	v0 =	vadd.f32 v8, v0;
	v8 =	vld [tilespmem:s30+$0xFFFFEB30]  }
0x284: {  	v58 =	vld [tilespmem:s30+$0xFFFFEB40]  }
0x285: {  	v0 =	vadd.f32 v10, v0;
	v10 =	vld [tilespmem:s30+$0xFFFFEB50]  }
0x286: {  	v59 =	vld [tilespmem:s30+$0xFFFFEB60]  }
0x287: {  	v0 =	vadd.f32 v12, v0;
	v12 =	vld [tilespmem:s30+$0xFFFFEB70]  }
0x288: {  	v60 =	vld [tilespmem:s30+$0xFFFFEB90]  }
0x289: {  	v0 =	vadd.f32 v14, v0;
	v14 =	vld [tilespmem:s30+$0xFFFFEBA0]  }
0x28a: {  	v61 =	vld [tilespmem:s30+$0xFFFFEBB0]  }
0x28b: {  	v62 =	vld [tilespmem:s30+$0xFFFFEBD0]  }
0x28c: {  	v1 =	vadd.f32 $0.0e+00, v1;
	v63 =	vld [tilespmem:s30+$0xFFFFEBF0]  }
0x28d: {  	v4 =	vld [tilespmem:s30+$0xFFFFFC20]  }
0x28e: {  	v3 =	vadd.f32 $0.0e+00, v3;
	v1 =	vadd.f32 v15, v1;
	v15 =	vld [tilespmem:s30+$0xFFFFFC40]  }
0x28f: {  	v5 =	vadd.f32 $0.0e+00, v5;
	v2 =	vld [tilespmem:s30+$0xFFFFFC60]  }
0x290: {  	v7 =	vadd.f32 $0.0e+00, v7;
	v3 =	vadd.f32 v17, v3;
	v17 =	vld [tilespmem:s30+$0xFFFFFC70]  }
0x291: {  	v9 =	vadd.f32 $0.0e+00, v9;
	v5 =	vadd.f32 v19, v5;
	v19 =	vld [tilespmem:s30+$0xFFFFFC90]  }
0x292: {  	v11 =	vadd.f32 $0.0e+00, v11;
	v7 =	vadd.f32 v21, v7;
	v21 =	vld [tilespmem:s30+$0xFFFFFCA0]  }
0x293: {  	v9 =	vadd.f32 v23, v9;
	v23 =	vld [tilespmem:s30+$0xFFFFFCC0]  }
0x294: {  	v11 =	vadd.f32 v25, v11;
	v25 =	vld [tilespmem:s30+$0xFFFFFCD0]  }
0x295: {  	v1 =	vadd.f32 v29, v1;
	v29 =	vld [tilespmem:s30+$0xFFFFFCF0]  }
0x296: {  	v27 =	vld [tilespmem:s30+$0xFFFFFD10]  }
0x297: {  	v3 =	vadd.f32 v31, v3;
	v31 =	vld [tilespmem:s30+$0xFFFFFD30]  }
0x298: {  	v5 =	vadd.f32 v33, v5;
	v33 =	vld [tilespmem:s30+$0xFFFFFD50]  }
0x299: {  	v7 =	vadd.f32 v34, v7;
	v34 =	vld [tilespmem:s30+$0xFFFFFD60]  }
0x29a: {  	v9 =	vadd.f32 v35, v9;
	v35 =	vld [tilespmem:s30+$0xFFFFFD70]  }
0x29b: {  	v11 =	vadd.f32 v36, v11;
	v36 =	vld [tilespmem:s30+$0xFFFFFD90]  }
0x29c: {  	v37 =	vld [tilespmem:s30+$0xFFFFFDA0]  }
0x29d: {  	v1 =	vadd.f32 v38, v1;
	v3 =	vadd.f32 v39, v3;
	v38 =	vld [tilespmem:s30+$0xFFFFFDB0]  }
0x29e: {  	v5 =	vadd.f32 v40, v5;
	v7 =	vadd.f32 v41, v7;
	v39 =	vld [tilespmem:s30+$0xFFFFFDC0]  }
0x29f: {  	v9 =	vadd.f32 v42, v9;
	v1 =	vadd.f32 v45, v1;
	v45 =	vld [tilespmem:s30+$0xFFFFFDD0]  }
0x2a0: {  	v11 =	vadd.f32 v43, v11;
	v3 =	vadd.f32 v46, v3;
	v46 =	vld [tilespmem:$0x1FFF0]  }
0x2a1: {  	v5 =	vadd.f32 v47, v5;
	v7 =	vadd.f32 v48, v7;
	v47 =	vld [tilespmem:s30+$0xFFFFFDE0]  }
0x2a2: {  	v9 =	vadd.f32 v49, v9;
	v11 =	vadd.f32 v50, v11;
	v48 =	vld [tilespmem:s30+$0xFFFFFE50]  }
0x2a3: {  	v13 =	vadd.f32 v51, v13;
	v1 =	vadd.f32 v52, v1;
	v49 =	vld [tilespmem:s30+$0xFFFFFE60]  }
0x2a4: {  	v3 =	vadd.f32 v53, v3;
	v50 =	vld [tilespmem:s30+$0xFFFFFEB0];
	v0 =	vadd.f32 v16, v0  }
0x2a5: {  	v5 =	vadd.f32 v54, v5;
	v7 =	vadd.f32 v44, v7;
	v51 =	vld [tilespmem:s30+$0xFFFFFEC0]  }
0x2a6: {  	v9 =	vadd.f32 v55, v9;
	v52 =	vld [tilespmem:s30+$0xFFFFFED0];
	v0 =	vadd.f32 v18, v0  }
0x2a7: {  	v53 =	vld [tilespmem:s30+$0xFFFFFEE0];
	v11 =	vadd.f32 v46, v11;
	v13 =	vadd.f32 v56, v13  }
0x2a8: {  	v16 =	vld [tilespmem:s30+$0xFFFFEBC0];
	v1 =	vadd.f32 v6, v1;
	v3 =	vadd.f32 v57, v3  }
0x2a9: {  	v54 =	vld [tilespmem:s30+$0xFFFFFEF0];
	v5 =	vadd.f32 v8, v5;
	v7 =	vadd.f32 v58, v7  }
0x2aa: {  	v18 =	vld [tilespmem:s30+$0xFFFFEBE0];
	v9 =	vadd.f32 v10, v9;
	v0 =	vadd.f32 v20, v0  }
0x2ab: {  	v55 =	vld [tilespmem:s30+$0xFFFFFF10];
	v10 =	vadd.f32 v59, v11;
	v12 =	vadd.f32 v12, v13  }
0x2ac: {  	v20 =	vld [tilespmem:s30+$0xFFFFFC10];
	v1 =	vadd.f32 v60, v1;
	v3 =	vadd.f32 v14, v3  }
0x2ad: {  	v6 =	vld [tilespmem:s30+$0xFFFFFDF0];
	v5 =	vadd.f32 v61, v5;
	v7 =	vadd.f32 v16, v7  }
0x2ae: {  	v8 =	vld [tilespmem:s30+$0xFFFFFE10];
	v9 =	vadd.f32 v62, v9;
	v0 =	vadd.f32 v22, v0  }
0x2af: {  	v56 =	vld [tilespmem:s30+$0xFFFFFF20];
	v10 =	vadd.f32 v18, v10;
	v12 =	vadd.f32 v63, v12  }
0x2b0: {  	v22 =	vld [tilespmem:s30+$0xFFFFFC30];
	v3 =	vadd.f32 v4, v3;
	v7 =	vadd.f32 v15, v7  }
0x2b1: {  	v0 =	vadd.f32 v24, v0;
	v24 =	vld [tilespmem:s30+$0xFFFFFC50];
	v1 =	vadd.f32 v20, v1  }
0x2b2: {  	v57 =	vld [tilespmem:s30+$0xFFFFFF30];
	v2 =	vadd.f32 v2, v10;
	v12 =	vadd.f32 v17, v12  }
0x2b3: {  	v3 =	vadd.f32 v21, v3;
	v0 =	vadd.f32 v26, v0;
	v26 =	vld [tilespmem:s30+$0xFFFFFCB0]  }
0x2b4: {  	v58 =	vld [tilespmem:s30+$0xFFFFFF40];
	v7 =	vadd.f32 v23, v7;
	v1 =	vadd.f32 v19, v1  }
0x2b5: {  	v12 =	vadd.f32 v29, v12;
	v0 =	vadd.f32 v28, v0;
	v28 =	vld [tilespmem:s30+$0xFFFFFCE0]  }
0x2b6: {  	v11 =	vld [tilespmem:s30+$0xFFFFFE20];
	v5 =	vadd.f32 v22, v5;
	v9 =	vadd.f32 v24, v9  }
0x2b7: {  	v4 =	vld [tilespmem:s30+$0xFFFFFE70];
	v1 =	vadd.f32 v27, v1;
	v12 =	vadd.f32 v35, v12  }
0x2b8: {  	v0 =	vadd.f32 v30, v0;
	v30 =	vld [tilespmem:s30+$0xFFFFFD20];
	v5 =	vadd.f32 v26, v5  }
0x2b9: {  	v13 =	vld [tilespmem:s30+$0xFFFFFE30];
	v9 =	vadd.f32 v25, v9;
	v1 =	vadd.f32 v36, v1  }
0x2ba: {  	v15 =	vld [tilespmem:s30+$0xFFFFFE90];
	v6 =	vadd.f32 v6, v12;
	v0 =	vmul.f32 v0, v32;
	v2 =	vadd.f32 v28, v2  }
0x2bb: {  	v14 =	vld [tilespmem:s30+$0xFFFFFE40];
	v32 =	vmul.f32 v32, v32;
	v5 =	vadd.f32 v31, v5;
	v9 =	vadd.f32 v33, v9  }
0x2bc: {  	v59 =	vld [tilespmem:s30+$0xFFFFFF50];
	v1 =	vadd.f32 v8, v1;
	v4 =	vadd.f32 v4, v6  }
0x2bd: {  	v8 =	vld [tilespmem:s30+$0xFFFFFF70];
	v0 =	vadd.f32 v0, v32;
	v3 =	vadd.f32 v30, v3  }
0x2be: {  	v32 =	vld [tilespmem:s30+$0xFFFFFD40];
	v2 =	vadd.f32 v34, v2;
	v5 =	vadd.f32 v38, v5  }
0x2bf: {  	v60 =	vld [tilespmem:s30+$0xFFFFFFF0];
	v9 =	vadd.f32 v45, v9;
	v1 =	vadd.f32 v15, v1  }
0x2c0: {  	v61 =	vld [tilespmem:s10+$0xFFFFFFD0];
	v4 =	vadd.f32 v54, v4;
	v3 =	vadd.f32 v37, v3  }
0x2c1: {  	v10 =	vld [tilespmem:s30+$0xFFFFFEA0];
	v2 =	vadd.f32 v47, v2;
	v5 =	vadd.f32 v13, v5  }
0x2c2: {  	v63 =	vld [tilespmem:s10+$0xFFFFFFE0];
	v9 =	vadd.f32 v48, v9;
	v1 =	vadd.f32 v55, v1  }
0x2c3: {  	v12 =	vld [tilespmem:s30+$0xFFFFFF60];
	v4 =	vadd.f32 v8, v4;
	v7 =	vadd.f32 v32, v7  }
0x2c4: {  	v6 =	vld [tilespmem:s30+$0xFFFFFFB0];
	v3 =	vadd.f32 v11, v3;
	v2 =	vadd.f32 v49, v2  }
0x2c5: {  	v13 =	vld [tilespmem:s30+$0xFFFFFFA0];
	v5 =	vadd.f32 v50, v5;
	v7 =	vadd.f32 v39, v7  }
0x2c6: {  	v15 =	vld [tilespmem:s30+$0xFFFFFFE0];
	v9 =	vadd.f32 v52, v9;
	v3 =	vadd.f32 v10, v3  }
0x2c7: {  	v11 =	vld [tilespmem:s30+$0xFFFFFF90];
	v4 =	vadd.f32 v60, v4;
	v7 =	vadd.f32 v14, v7  }
0x2c8: {  	v10 =	vld [tilespmem:s30+$0xFFFFFFC0];
	v2 =	vadd.f32 v53, v2;
	v3 =	vadd.f32 v56, v3  }
0x2c9: {  	v5 =	vadd.f32 v57, v5;
	v14 =	vld [tilespmem:s30+$0xFFFFFFD0];
	v7 =	vadd.f32 v51, v7  }
0x2ca: {  	v8 =	vld [tilespmem:s10+$0xFFFFFFF0];
	v12 =	vadd.f32 v12, v2;
	v3 =	vadd.f32 v13, v3  }
0x2cb: {  	v13 =	vadd.f32 v6, v5;
	v6 =	vld [tilespmem:s10+$0x0];
	v7 =	vadd.f32 v58, v7  }
0x2cc: {  	v62 =	vadd.f32 v59, v9;
	v2 =	vld [tilespmem:s10+$0x10];
	v1 =	vadd.f32 v11, v1;
	v11 =	vmul.f32 v61, v61  }
0x2cd: {  	s11 =	simm.s32 $0x18BC0;
	v5 =	vadd.f32 v15, v12;
	v9 =	vadd.f32 v10, v7;
	v10 =	vmul.f32 v3, v61;
	v3 =	vld [tilespmem:s10+$0x20]  }
0x2ce: {  	s12 =	simm.s32 $0x0;
	s13 =	simm.s32 $0x17F70;
	[tilespmem:s11+$0x30] =	vst v0;
	v0 =	vld [tilespmem:s10+$0xFFFFFFC0];
	v12 =	vmul.f32 v13, v63;
	v13 =	vmul.f32 v63, v63;
	v7 =	vadd.f32 v14, v62  }
.LBB2_11:
0x2cf: {  	v14 =	vld [tilespmem:s13+$0xFFFFE880];
	s12 =	sadd.s32 $0x8, s12;
	v10 =	vadd.f32 v10, v11;
	v9 =	vmul.f32 v9, v8;
	v8 =	vmul.f32 v8, v8  }
0x2d0: {  	v11 =	vld [tilespmem:s13+$0xFFFFE810];
	p0 =	slt.u32 s12, $0x20;
	v12 =	vadd.f32 v12, v13;
	v7 =	vmul.f32 v7, v6;
	v6 =	vmul.f32 v6, v6  }
0x2d1: {  	v13 =	vld [tilespmem:s13+$0xFFFFE900];
	[tilespmem:s11+$0xFFFFFFD0] =	vst v10;
	v8 =	vadd.f32 v9, v8;
	v5 =	vmul.f32 v5, v2;
	v2 =	vmul.f32 v2, v2  }
0x2d2: {  	v9 =	vld [tilespmem:s13+$0xFFFFE820];
	[tilespmem:s11+$0xFFFFFFE0] =	vst v12;
	v6 =	vadd.f32 v7, v6;
	v4 =	vmul.f32 v4, v3;
	v3 =	vmul.f32 v3, v3  }
0x2d3: {  	v7 =	vld [tilespmem:s13+$0xFFFFE980];
	v1 =	vmul.f32 v1, v0;
	v0 =	vmul.f32 v0, v0;
	[tilespmem:s11+$0xFFFFFFF0] =	vst v8;
	v2 =	vadd.f32 v5, v2  }
0x2d4: {  	v5 =	vld [tilespmem:s13+$0xFFFFE830];
	v8 =	vadd.f32 $0.0e+00, v14;
	[tilespmem:s11+$0x0] =	vst v6;
	v3 =	vadd.f32 v4, v3  }
0x2d5: {  	v4 =	vadd.f32 $0.0e+00, v11;
	v6 =	vld [tilespmem:s13+$0xFFFFEA00];
	v0 =	vadd.f32 v1, v0;
	[tilespmem:s11+$0x10] =	vst v2  }
0x2d6: {  	v1 =	vld [tilespmem:s13+$0xFFFFE840];
	v2 =	vadd.f32 v13, v8;
	[tilespmem:s11+$0x20] =	vst v3  }
0x2d7: {  	v3 =	vadd.f32 $0.0e+00, v9;
	v8 =	vld [tilespmem:s13+$0xFFFFEA80];
	[tilespmem:s11+$0xFFFFFFC0] =	vst v0  }
0x2d8: {  	v0 =	vld [tilespmem:s13+$0xFFFFE850];
	v2 =	vadd.f32 v7, v2  }
0x2d9: {  	v5 =	vadd.f32 $0.0e+00, v5;
	v7 =	vld [tilespmem:s13+$0xFFFFEB00]  }
0x2da: {  	v9 =	vld [tilespmem:s13+$0xFFFFE860];
	v2 =	vadd.f32 v6, v2  }
0x2db: {  	v1 =	vadd.f32 $0.0e+00, v1;
	v6 =	vld [tilespmem:s13+$0xFFFFEB80]  }
0x2dc: {  	v10 =	vld [tilespmem:s13+$0xFFFFE870];
	v2 =	vadd.f32 v8, v2  }
0x2dd: {  	v0 =	vadd.f32 $0.0e+00, v0;
	v8 =	vld [tilespmem:s13+$0xFFFFEC00]  }
0x2de: {  	v11 =	vld [tilespmem:s13+$0xFFFFE890];
	v2 =	vadd.f32 v7, v2  }
0x2df: {  	v7 =	vadd.f32 $0.0e+00, v9;
	v9 =	vld [tilespmem:s13+$0xFFFFFC80]  }
0x2e0: {  	v12 =	vld [tilespmem:s13+$0xFFFFE8A0];
	v2 =	vadd.f32 v6, v2  }
0x2e1: {  	v6 =	vadd.f32 $0.0e+00, v10;
	v10 =	vld [tilespmem:s13+$0xFFFFFD00]  }
0x2e2: {  	v13 =	vld [tilespmem:s13+$0xFFFFE8B0];
	v2 =	vadd.f32 v8, v2  }
0x2e3: {  	v4 =	vadd.f32 v11, v4;
	v8 =	vld [tilespmem:s13+$0xFFFFFD80]  }
0x2e4: {  	v11 =	vld [tilespmem:s13+$0xFFFFE8C0];
	v2 =	vadd.f32 v9, v2  }
0x2e5: {  	v3 =	vadd.f32 v12, v3;
	v9 =	vld [tilespmem:s13+$0xFFFFFE00]  }
0x2e6: {  	v12 =	vld [tilespmem:s13+$0xFFFFE8D0];
	v2 =	vadd.f32 v10, v2  }
0x2e7: {  	v5 =	vadd.f32 v13, v5;
	v10 =	vld [tilespmem:s13+$0xFFFFFE80]  }
0x2e8: {  	v13 =	vld [tilespmem:s13+$0xFFFFE8E0];
	v2 =	vadd.f32 v8, v2  }
0x2e9: {  	v1 =	vadd.f32 v11, v1;
	v8 =	vld [tilespmem:s13+$0xFFFFFF00]  }
0x2ea: {  	v11 =	vld [tilespmem:s13+$0xFFFFE8F0];
	v2 =	vadd.f32 v9, v2  }
0x2eb: {  	v0 =	vadd.f32 v12, v0;
	v9 =	vld [tilespmem:s13+$0xFFFFFF80]  }
0x2ec: {  	v12 =	vld [tilespmem:s13+$0xFFFFE910];
	v2 =	vadd.f32 v10, v2  }
0x2ed: {  	v7 =	vadd.f32 v13, v7;
	v10 =	vld [tilespmem:s13+$0x0]  }
0x2ee: {  	s10 =	sadd.s32 $0x80, s10;
	v13 =	vld [tilespmem:s13+$0xFFFFE920];
	v2 =	vadd.f32 v8, v2  }
0x2ef: {  	v6 =	vadd.f32 v11, v6;
	v8 =	vld [tilespmem:s10+$0x30]  }
0x2f0: {  	v11 =	vld [tilespmem:s13+$0xFFFFE930];
	v2 =	vadd.f32 v9, v2  }
0x2f1: {  	v4 =	vadd.f32 v12, v4;
	v9 =	vld [tilespmem:s13+$0xFFFFE940]  }
0x2f2: {  	v12 =	vld [tilespmem:s13+$0xFFFFE950];
	v2 =	vadd.f32 v10, v2  }
0x2f3: {  	v3 =	vadd.f32 v13, v3;
	v10 =	vld [tilespmem:s13+$0xFFFFE960]  }
0x2f4: {  	v13 =	vld [tilespmem:s13+$0xFFFFE970];
	v2 =	vmul.f32 v2, v8;
	v8 =	vmul.f32 v8, v8  }
0x2f5: {  	v14 =	vld [tilespmem:s13+$0xFFFFE990];
	v5 =	vadd.f32 v11, v5  }
0x2f6: {  	v11 =	vld [tilespmem:s13+$0xFFFFE9A0];
	v1 =	vadd.f32 v9, v1;
	v2 =	vadd.f32 v2, v8  }
0x2f7: {  	s11 =	sadd.s32 $0x80, s11;
	v8 =	vld [tilespmem:s13+$0xFFFFE9B0];
	v0 =	vadd.f32 v12, v0  }
0x2f8: {  	v9 =	vld [tilespmem:s13+$0xFFFFE9C0];
	v7 =	vadd.f32 v10, v7;
	[tilespmem:s11+$0x30] =	vst v2  }
0x2f9: {  	v2 =	vld [tilespmem:s13+$0xFFFFE9D0];
	v6 =	vadd.f32 v13, v6  }
0x2fa: {  	v4 =	vadd.f32 v14, v4;
	v10 =	vld [tilespmem:s13+$0xFFFFE9E0]  }
0x2fb: {  	v3 =	vadd.f32 v11, v3;
	v11 =	vld [tilespmem:s13+$0xFFFFE9F0]  }
0x2fc: {  	v12 =	vld [tilespmem:s13+$0xFFFFEA10];
	v5 =	vadd.f32 v8, v5  }
0x2fd: {  	v8 =	vld [tilespmem:s13+$0xFFFFEA20];
	v1 =	vadd.f32 v9, v1  }
0x2fe: {  	v9 =	vld [tilespmem:s13+$0xFFFFEA30];
	v0 =	vadd.f32 v2, v0  }
0x2ff: {  	v2 =	vld [tilespmem:s13+$0xFFFFEA40];
	v7 =	vadd.f32 v10, v7  }
0x300: {  	v10 =	vld [tilespmem:s13+$0xFFFFEA50];
	v6 =	vadd.f32 v11, v6  }
0x301: {  	v4 =	vadd.f32 v12, v4;
	v11 =	vld [tilespmem:s13+$0xFFFFEA60]  }
0x302: {  	v3 =	vadd.f32 v8, v3;
	v8 =	vld [tilespmem:s13+$0xFFFFEA70]  }
0x303: {  	v12 =	vld [tilespmem:s13+$0xFFFFEA90];
	v5 =	vadd.f32 v9, v5  }
0x304: {  	v9 =	vld [tilespmem:s13+$0xFFFFEAA0];
	v1 =	vadd.f32 v2, v1  }
0x305: {  	v2 =	vld [tilespmem:s13+$0xFFFFEAB0];
	v0 =	vadd.f32 v10, v0  }
0x306: {  	v10 =	vld [tilespmem:s13+$0xFFFFEAC0];
	v7 =	vadd.f32 v11, v7  }
0x307: {  	v11 =	vld [tilespmem:s13+$0xFFFFEAD0];
	v6 =	vadd.f32 v8, v6  }
0x308: {  	v4 =	vadd.f32 v12, v4;
	v8 =	vld [tilespmem:s13+$0xFFFFEAE0]  }
0x309: {  	v3 =	vadd.f32 v9, v3;
	v9 =	vld [tilespmem:s13+$0xFFFFEAF0]  }
0x30a: {  	v12 =	vld [tilespmem:s13+$0xFFFFEB10];
	v2 =	vadd.f32 v2, v5  }
0x30b: {  	v5 =	vld [tilespmem:s13+$0xFFFFEB20];
	v1 =	vadd.f32 v10, v1  }
0x30c: {  	v10 =	vld [tilespmem:s13+$0xFFFFEB30];
	v0 =	vadd.f32 v11, v0  }
0x30d: {  	v11 =	vld [tilespmem:s13+$0xFFFFEB40];
	v7 =	vadd.f32 v8, v7  }
0x30e: {  	v8 =	vld [tilespmem:s13+$0xFFFFEB50];
	v6 =	vadd.f32 v9, v6  }
0x30f: {  	v4 =	vadd.f32 v12, v4;
	v9 =	vld [tilespmem:s13+$0xFFFFEB60]  }
0x310: {  	v3 =	vadd.f32 v5, v3;
	v5 =	vld [tilespmem:s13+$0xFFFFEB70]  }
0x311: {  	v12 =	vld [tilespmem:s13+$0xFFFFEB90];
	v2 =	vadd.f32 v10, v2  }
0x312: {  	v10 =	vld [tilespmem:s13+$0xFFFFEBA0];
	v1 =	vadd.f32 v11, v1  }
0x313: {  	v11 =	vld [tilespmem:s13+$0xFFFFEBB0];
	v0 =	vadd.f32 v8, v0  }
0x314: {  	v8 =	vld [tilespmem:s13+$0xFFFFEBC0];
	v7 =	vadd.f32 v9, v7  }
0x315: {  	v9 =	vld [tilespmem:s13+$0xFFFFEBD0];
	v5 =	vadd.f32 v5, v6  }
0x316: {  	v4 =	vadd.f32 v12, v4;
	v6 =	vld [tilespmem:s13+$0xFFFFEBE0]  }
0x317: {  	v3 =	vadd.f32 v10, v3;
	v10 =	vld [tilespmem:s13+$0xFFFFEBF0]  }
0x318: {  	v12 =	vld [tilespmem:s13+$0xFFFFFC10];
	v2 =	vadd.f32 v11, v2  }
0x319: {  	v11 =	vld [tilespmem:s13+$0xFFFFFC20];
	v1 =	vadd.f32 v8, v1  }
0x31a: {  	v8 =	vld [tilespmem:s13+$0xFFFFFC30];
	v0 =	vadd.f32 v9, v0  }
0x31b: {  	v9 =	vld [tilespmem:s13+$0xFFFFFC40];
	v6 =	vadd.f32 v6, v7  }
0x31c: {  	v7 =	vld [tilespmem:s13+$0xFFFFFC50];
	v5 =	vadd.f32 v10, v5  }
0x31d: {  	v4 =	vadd.f32 v12, v4;
	v10 =	vld [tilespmem:s13+$0xFFFFFC60]  }
0x31e: {  	v3 =	vadd.f32 v11, v3;
	v11 =	vld [tilespmem:s13+$0xFFFFFC70]  }
0x31f: {  	v12 =	vld [tilespmem:s13+$0xFFFFFC90];
	v2 =	vadd.f32 v8, v2  }
0x320: {  	v8 =	vld [tilespmem:s13+$0xFFFFFCA0];
	v1 =	vadd.f32 v9, v1  }
0x321: {  	v9 =	vld [tilespmem:s13+$0xFFFFFCB0];
	v0 =	vadd.f32 v7, v0  }
0x322: {  	v7 =	vld [tilespmem:s13+$0xFFFFFCC0];
	v6 =	vadd.f32 v10, v6  }
0x323: {  	v10 =	vld [tilespmem:s13+$0xFFFFFCD0];
	v5 =	vadd.f32 v11, v5  }
0x324: {  	v4 =	vadd.f32 v12, v4;
	v11 =	vld [tilespmem:s13+$0xFFFFFCE0]  }
0x325: {  	v3 =	vadd.f32 v8, v3;
	v8 =	vld [tilespmem:s13+$0xFFFFFCF0]  }
0x326: {  	v12 =	vld [tilespmem:s13+$0xFFFFFD10];
	v2 =	vadd.f32 v9, v2  }
0x327: {  	v9 =	vld [tilespmem:s13+$0xFFFFFD20];
	v1 =	vadd.f32 v7, v1  }
0x328: {  	v7 =	vld [tilespmem:s13+$0xFFFFFD30];
	v0 =	vadd.f32 v10, v0  }
0x329: {  	v10 =	vld [tilespmem:s13+$0xFFFFFD40];
	v6 =	vadd.f32 v11, v6  }
0x32a: {  	v11 =	vld [tilespmem:s13+$0xFFFFFD50];
	v5 =	vadd.f32 v8, v5  }
0x32b: {  	v4 =	vadd.f32 v12, v4;
	v8 =	vld [tilespmem:s13+$0xFFFFFD60]  }
0x32c: {  	v3 =	vadd.f32 v9, v3;
	v9 =	vld [tilespmem:s13+$0xFFFFFD70]  }
0x32d: {  	v12 =	vld [tilespmem:s13+$0xFFFFFD90];
	v2 =	vadd.f32 v7, v2  }
0x32e: {  	v7 =	vld [tilespmem:s13+$0xFFFFFDA0];
	v1 =	vadd.f32 v10, v1  }
0x32f: {  	v10 =	vld [tilespmem:s13+$0xFFFFFDB0];
	v0 =	vadd.f32 v11, v0  }
0x330: {  	v11 =	vld [tilespmem:s13+$0xFFFFFDC0];
	v6 =	vadd.f32 v8, v6  }
0x331: {  	v8 =	vld [tilespmem:s13+$0xFFFFFDD0];
	v5 =	vadd.f32 v9, v5  }
0x332: {  	v4 =	vadd.f32 v12, v4;
	v9 =	vld [tilespmem:s13+$0xFFFFFDE0]  }
0x333: {  	v3 =	vadd.f32 v7, v3;
	v7 =	vld [tilespmem:s13+$0xFFFFFDF0]  }
0x334: {  	v12 =	vld [tilespmem:s13+$0xFFFFFE10];
	v2 =	vadd.f32 v10, v2  }
0x335: {  	v10 =	vld [tilespmem:s13+$0xFFFFFE20];
	v1 =	vadd.f32 v11, v1  }
0x336: {  	v11 =	vld [tilespmem:s13+$0xFFFFFE30];
	v0 =	vadd.f32 v8, v0  }
0x337: {  	v8 =	vld [tilespmem:s13+$0xFFFFFE40];
	v6 =	vadd.f32 v9, v6  }
0x338: {  	v9 =	vld [tilespmem:s13+$0xFFFFFE50];
	v5 =	vadd.f32 v7, v5  }
0x339: {  	v4 =	vadd.f32 v12, v4;
	v7 =	vld [tilespmem:s13+$0xFFFFFE60]  }
0x33a: {  	v3 =	vadd.f32 v10, v3;
	v10 =	vld [tilespmem:s13+$0xFFFFFE70]  }
0x33b: {  	v12 =	vld [tilespmem:s13+$0xFFFFFE90];
	v2 =	vadd.f32 v11, v2  }
0x33c: {  	v11 =	vld [tilespmem:s13+$0xFFFFFEA0];
	v1 =	vadd.f32 v8, v1  }
0x33d: {  	v8 =	vld [tilespmem:s13+$0xFFFFFEB0];
	v0 =	vadd.f32 v9, v0  }
0x33e: {  	v9 =	vld [tilespmem:s13+$0xFFFFFEC0];
	v6 =	vadd.f32 v7, v6  }
0x33f: {  	v7 =	vld [tilespmem:s13+$0xFFFFFED0];
	v5 =	vadd.f32 v10, v5  }
0x340: {  	v4 =	vadd.f32 v12, v4;
	v10 =	vld [tilespmem:s13+$0xFFFFFEE0]  }
0x341: {  	v3 =	vadd.f32 v11, v3;
	v11 =	vld [tilespmem:s13+$0xFFFFFEF0]  }
0x342: {  	v12 =	vld [tilespmem:s13+$0xFFFFFF10];
	v2 =	vadd.f32 v8, v2  }
0x343: {  	v8 =	vld [tilespmem:s13+$0xFFFFFF20];
	v1 =	vadd.f32 v9, v1  }
0x344: {  	v9 =	vld [tilespmem:s13+$0xFFFFFF30];
	v0 =	vadd.f32 v7, v0  }
0x345: {  	v7 =	vld [tilespmem:s13+$0xFFFFFF40];
	v6 =	vadd.f32 v10, v6  }
0x346: {  	v10 =	vld [tilespmem:s13+$0xFFFFFF50];
	v5 =	vadd.f32 v11, v5  }
0x347: {  	v4 =	vadd.f32 v12, v4;
	v11 =	vld [tilespmem:s13+$0xFFFFFF60]  }
0x348: {  	v3 =	vadd.f32 v8, v3;
	v8 =	vld [tilespmem:s13+$0xFFFFFF70]  }
0x349: {  	v12 =	vld [tilespmem:s13+$0xFFFFFF90];
	v2 =	vadd.f32 v9, v2  }
0x34a: {  	v9 =	vld [tilespmem:s13+$0xFFFFFFA0];
	v7 =	vadd.f32 v7, v1  }
0x34b: {  	v13 =	vld [tilespmem:s13+$0xFFFFFFB0];
	v0 =	vadd.f32 v10, v0  }
0x34c: {  	v10 =	vld [tilespmem:s13+$0xFFFFFFC0];
	v11 =	vadd.f32 v11, v6  }
0x34d: {  	v6 =	vld [tilespmem:s13+$0xFFFFFFD0];
	v14 =	vadd.f32 v8, v5  }
0x34e: {  	v1 =	vadd.f32 v12, v4;
	v4 =	vld [tilespmem:s13+$0xFFFFFFE0]  }
0x34f: {  	v3 =	vadd.f32 v9, v3;
	v12 =	vld [tilespmem:s13+$0xFFFFFFF0]  }
0x350: {  	v15 =	vld [tilespmem:s10+$0xFFFFFFD0];
	v13 =	vadd.f32 v13, v2  }
0x351: {  	v16 =	vld [tilespmem:s10+$0xFFFFFFE0];
	v9 =	vadd.f32 v10, v7  }
.Ltmp5:
0x352: {  	v8 =	vld [tilespmem:s10+$0xFFFFFFF0];
	v7 =	vadd.f32 v6, v0;
	(pc) =	sbr.rel @p0 .LBB2_11-.Ltmp5, $4  }
0x353: {  	v6 =	vld [tilespmem:s10+$0x0];
	v5 =	vadd.f32 v4, v11  }
0x354: {  	v2 =	vld [tilespmem:s10+$0x10];
	v4 =	vadd.f32 v12, v14  }
0x355: {  	v10 =	vmul.f32 v3, v15;
	v11 =	vmul.f32 v15, v15;
	v3 =	vld [tilespmem:s10+$0x20]  }
0x356: {  	s13 =	sadd.s32 $0x400, s13;
	v0 =	vld [tilespmem:s10+$0xFFFFFFC0];
	v12 =	vmul.f32 v13, v16;
	v13 =	vmul.f32 v16, v16  }
0x357: {  	v10 =	vadd.f32 v10, v11;
	v9 =	vmul.f32 v9, v8;
	v61 =	vmul.f32 v8, v8  }
0x358: {  	v62 =	vadd.f32 v12, v13;
	v7 =	vmul.f32 v7, v6;
	v63 =	vmul.f32 v6, v6  }
0x359: {  	[tilespmem:s11+$0xFFFFFFD0] =	vst v10;
	v8 =	vadd.f32 v9, v61;
	v5 =	vmul.f32 v5, v2;
	v2 =	vmul.f32 v2, v2  }
0x35a: {  	[tilespmem:s11+$0xFFFFFFE0] =	vst v62;
	v6 =	vadd.f32 v7, v63;
	v4 =	vmul.f32 v4, v3;
	v3 =	vmul.f32 v3, v3  }
0x35b: {  	v1 =	vmul.f32 v1, v0;
	v0 =	vmul.f32 v0, v0;
	[tilespmem:s11+$0xFFFFFFF0] =	vst v8;
	v2 =	vadd.f32 v5, v2  }
0x35c: {  	[tilespmem:s11+$0x0] =	vst v6;
	v3 =	vadd.f32 v4, v3  }
0x35d: {  	v0 =	vadd.f32 v1, v0;
	[tilespmem:s11+$0x10] =	vst v2  }
0x35e: {  	[tilespmem:s11+$0x20] =	vst v3  }
0x35f: {  	s10 =	simm.s32 $0x18B80;
	s29 =	simm.s32 $0x3;
	[tilespmem:s11+$0xFFFFFFC0] =	vst v0  }
0x360: {  	[spmem:s8] =	stream.linear.scatter [tilespmem:s10], [sflag:$0x3], $0x280, $0x38;
	[tilespmem:$0x1B880] =	vst v63  }
0x361: {  	_ =	swait.ge [sflag:s29], $0x280  }
0x362: {  	s7 =	sshrl.u32 s7, $0x3;
	[sflag:s29] =	ssyncset.done $0x0  }
0x363: {  	s30 =	simm.s32 $0x0;
	s6 =	sadd.s32 s6, s7;
	[sflag:s29] =	ssyncadd.s32 $0xFFFFFD80  }
0x364: {  	[hbm4b:s6+s30] =	stream.linear.scatter [tilespmem:s10], [sflag:$0x3], $0x280, $0x38;
	[tilespmem:$0x1B880] =	vst v63  }
0x365: {  	_ =	swait.ge [sflag:s29], $0x280  }
0x366: {  	[sflag:s29] =	ssyncset.done $0x0  }
0x367: {  	[sflag:s29] =	ssyncadd.s32 $0xFFFFFD80  }
0x368: {  	s31 =	simm.s32 $0x13B80;
	[bflag:$0x0] =	sbarrier.arrive $0xFFFF  }
0x369: {  	[tilespmem:s31], [sflag:$0x2] =	stream.linear.gather [spmem:s5], $0x2800, $0x38;
	[tilespmem:$0x1B880] =	vst v63  }
0x36a: {  	v0 =	vimm.f32 $0.0e+00;
	s5 =	simm.s32 $0xEC00  }
0x36b: {  	[tilespmem:s5+$0xFFFFFF80] =	vst v0  }
0x36c: {  	[tilespmem:s5+$0x70] =	vst v0  }
0x36d: {  	[tilespmem:s5+$0x60] =	vst v0  }
0x36e: {  	[tilespmem:s5+$0x50] =	vst v0  }
0x36f: {  	[tilespmem:s5+$0x40] =	vst v0  }
0x370: {  	[tilespmem:s5+$0x30] =	vst v0  }
0x371: {  	[tilespmem:s5+$0x20] =	vst v0  }
0x372: {  	[tilespmem:s5+$0x10] =	vst v0  }
0x373: {  	[tilespmem:s5+$0x0] =	vst v0  }
0x374: {  	[tilespmem:s5+$0xFFFFFFF0] =	vst v0  }
0x375: {  	[tilespmem:s5+$0xFFFFFFE0] =	vst v0  }
0x376: {  	[tilespmem:s5+$0xFFFFFFD0] =	vst v0  }
0x377: {  	[tilespmem:s5+$0xFFFFFFC0] =	vst v0  }
0x378: {  	[tilespmem:s5+$0xFFFFFFB0] =	vst v0  }
0x379: {  	s6 =	simm.s32 $0x0;
	[tilespmem:s5+$0xFFFFFFA0] =	vst v0  }
.LBB2_13:
0x37a: {  	s6 =	sadd.s32 $0x10, s6;
	[tilespmem:s5+$0xFFFFFF90] =	vst v0;
	s5 =	sadd.s32 $0x100, s5  }
0x37b: {  	[tilespmem:s5+$0xFFFFFF80] =	vst v0;
	p0 =	slt.u32 s6, $0x270  }
0x37c: {  	[tilespmem:s5+$0x70] =	vst v0  }
0x37d: {  	[tilespmem:s5+$0x60] =	vst v0  }
0x37e: {  	[tilespmem:s5+$0x50] =	vst v0  }
0x37f: {  	[tilespmem:s5+$0x40] =	vst v0  }
0x380: {  	[tilespmem:s5+$0x30] =	vst v0  }
0x381: {  	[tilespmem:s5+$0x20] =	vst v0  }
0x382: {  	[tilespmem:s5+$0x10] =	vst v0  }
0x383: {  	[tilespmem:s5+$0x0] =	vst v0  }
0x384: {  	[tilespmem:s5+$0xFFFFFFF0] =	vst v0  }
.Ltmp6:
0x385: {  	[tilespmem:s5+$0xFFFFFFE0] =	vst v0;
	(pc) =	sbr.rel @p0 .LBB2_13-.Ltmp6, $4  }
0x386: {  	[tilespmem:s5+$0xFFFFFFD0] =	vst v0  }
0x387: {  	[tilespmem:s5+$0xFFFFFFC0] =	vst v0  }
0x388: {  	[tilespmem:s5+$0xFFFFFFB0] =	vst v0  }
0x389: {  	[tilespmem:s5+$0xFFFFFFA0] =	vst v0  }
0x38a: {  	[tilespmem:s5+$0xFFFFFF90] =	vst v0;
	s31 =	simm.s32 $0x2  }
0x38b: {  	_ =	swait.ge [sflag:s31], $0x2800  }
0x38c: {  	[sflag:s31] =	ssyncset.done $0x0  }
0x38d: {  	s11 =	simm.s32 $0x4ED0;
	[sflag:s31] =	ssyncadd.s32 $0xFFFFD800  }
0x38e: {  	s5 =	simm.s32 $0x0;
	v40 =	vld [tilespmem:s11+$0x40]  }
0x38f: {  	s12 =	sand.u32 $0x7FE0, s5;
	v1 =	vld [tilespmem:s11+$0xFFFFFFC0]  }
0x390: {  	v2 =	vld [tilespmem:s12+$0x4F00]  }
0x391: {  	v3 =	vld [tilespmem:s11+$0xFFFFFFD0]  }
0x392: {  	v4 =	vld [tilespmem:s11+$0xFFFFFFE0]  }
0x393: {  	s6 =	simm.s32 $0x9D50;
	v5 =	vld [tilespmem:s11+$0xFFFFFFF0]  }
0x394: {  	s8 =	simm.s32 $0x50;
	v6 =	vld [tilespmem:s6+$0x40]  }
0x395: {  	v7 =	vld [tilespmem:s8+$0x40]  }
0x396: {  	v8 =	vld [tilespmem:s12+$0x80]  }
0x397: {  	v9 =	vld [tilespmem:s12+$0x9D80]  }
0x398: {  	v10 =	vld [tilespmem:s11+$0x0]  }
0x399: {  	v11 =	vld [tilespmem:s11+$0x10]  }
0x39a: {  	v12 =	vld [tilespmem:s11+$0x20]  }
0x39b: {  	v13 =	vld [tilespmem:s11+$0xFFFFFFB0]  }
0x39c: {  	v48 =	vld [tilespmem:s6+$0xFFFFFFB0]  }
0x39d: {  	v49 =	vld [tilespmem:s6+$0xFFFFFFC0]  }
0x39e: {  	v50 =	vld [tilespmem:s6+$0xFFFFFFD0]  }
0x39f: {  	v51 =	vld [tilespmem:s6+$0xFFFFFFE0]  }
0x3a0: {  	v52 =	vld [tilespmem:s8+$0xFFFFFFB0]  }
0x3a1: {  	v53 =	vld [tilespmem:s6+$0xFFFFFFF0]  }
0x3a2: {  	v14 =	vld [tilespmem:s6+$0x0]  }
0x3a3: {  	v15 =	vld [tilespmem:s6+$0x10]  }
0x3a4: {  	v16 =	vld [tilespmem:s8+$0xFFFFFFC0]  }
0x3a5: {  	v17 =	vld [tilespmem:s8+$0xFFFFFFD0]  }
0x3a6: {  	v54 =	vld [tilespmem:s8+$0xFFFFFFE0]  }
0x3a7: {  	v18 =	vld [tilespmem:s8+$0xFFFFFFF0]  }
0x3a8: {  	v55 =	vld [tilespmem:s8+$0x0]  }
0x3a9: {  	v56 =	vld [tilespmem:s8+$0x10]  }
0x3aa: {  	v57 =	vld [tilespmem:s8+$0x20]  }
0x3ab: {  	s10 =	simm.s32 $0x13B80;
	v58 =	vld [tilespmem:s6+$0x20]  }
0x3ac: {  	v0 =	vld.idx.msk [tilespmem:v40+s10+$0x0], $0xffff  }
0x3ad: {  	v2 =	vld.idx.msk [tilespmem:v2+s10+$0x0], $0xffff  }
0x3ae: {  	v1 =	vld.idx.msk [tilespmem:v1+s10+$0x0], $0xffff  }
0x3af: {  	v41 =	vld.idx.msk [tilespmem:v3+s10+$0x0], $0xffff  }
0x3b0: {  	v42 =	vld.idx.msk [tilespmem:v4+s10+$0x0], $0xffff  }
0x3b1: {  	v45 =	vld.idx.msk [tilespmem:v13+s10+$0x0], $0xffff  }
0x3b2: {  	v43 =	vld.idx.msk [tilespmem:v5+s10+$0x0], $0xffff  }
0x3b3: {  	v44 =	vld.idx.msk [tilespmem:v10+s10+$0x0], $0xffff  }
0x3b4: {  	v46 =	vld.idx.msk [tilespmem:v11+s10+$0x0], $0xffff;
	v0 =	vmul.f32 v6, v0  }
0x3b5: {  	s11 =	simm.s32 $0xEB80;
	v47 =	vld.idx.msk [tilespmem:v12+s10+$0x0], $0xffff;
	v2 =	vmul.f32 v9, v2  }
0x3b6: {  	v5 =	vmul.f32 v48, v45;
	[tilespmem:v7+s11+$0x0] =	vst.idx.add.f32.msk $0xffff, v0  }
0x3b7: {  	v1 =	vmul.f32 v49, v1;
	[tilespmem:v8+s11+$0x0] =	vst.idx.add.f32.msk $0xffff, v2  }
0x3b8: {  	v59 =	vmul.f32 v51, v42;
	[tilespmem:v52+s11+$0x0] =	vst.idx.add.f32.msk $0xffff, v5  }
0x3b9: {  	v60 =	vmul.f32 v53, v43;
	[tilespmem:v16+s11+$0x0] =	vst.idx.add.f32.msk $0xffff, v1  }
0x3ba: {  	v61 =	vmul.f32 v14, v44;
	[tilespmem:v54+s11+$0x0] =	vst.idx.add.f32.msk $0xffff, v59  }
0x3bb: {  	v62 =	vmul.f32 v15, v46;
	[tilespmem:v18+s11+$0x0] =	vst.idx.add.f32.msk $0xffff, v60  }
0x3bc: {  	v63 =	vmul.f32 v58, v47;
	[tilespmem:v55+s11+$0x0] =	vst.idx.add.f32.msk $0xffff, v61  }
0x3bd: {  	v0 =	vmul.f32 v50, v41;
	[tilespmem:v56+s11+$0x0] =	vst.idx.add.f32.msk $0xffff, v62  }
0x3be: {  	[tilespmem:v57+s11+$0x0] =	vst.idx.add.f32.msk $0xffff, v63  }
0x3bf: {  	s13 =	simm.s32 $0x4F70;
	s12 =	simm.s32 $0x0;
	[tilespmem:v17+s11+$0x0] =	vst.idx.add.f32.msk $0xffff, v0  }
.LBB2_15:
0x3c0: {  	v0 =	vld [tilespmem:s13+$0x40];
	s5 =	sadd.s32 $0xA0, s5  }
0x3c1: {  	s12 =	sadd.s32 $0xA, s12;
	v1 =	vld [tilespmem:s13+$0xFFFFFFC0];
	s14 =	sand.u32 $0x7FE0, s5  }
0x3c2: {  	p0 =	slt.u32 s12, $0x4D8;
	v2 =	vld [tilespmem:s14+$0x4F00]  }
0x3c3: {  	v3 =	vld [tilespmem:s13+$0xFFFFFFD0]  }
0x3c4: {  	v4 =	vld [tilespmem:s13+$0xFFFFFFE0]  }
0x3c5: {  	s6 =	sadd.s32 $0xA0, s6;
	v5 =	vld [tilespmem:s13+$0xFFFFFFF0]  }
0x3c6: {  	s8 =	sadd.s32 $0xA0, s8;
	v6 =	vld [tilespmem:s6+$0x40]  }
0x3c7: {  	v7 =	vld [tilespmem:s8+$0x40]  }
0x3c8: {  	v0 =	vld.idx.msk [tilespmem:v0+s10+$0x0], $0xffff  }
0x3c9: {  	v8 =	vld [tilespmem:s14+$0x80]  }
0x3ca: {  	v2 =	vld.idx.msk [tilespmem:v2+s10+$0x0], $0xffff  }
0x3cb: {  	v9 =	vld [tilespmem:s14+$0x9D80]  }
0x3cc: {  	v10 =	vld [tilespmem:s13+$0x0]  }
0x3cd: {  	v11 =	vld [tilespmem:s13+$0x10]  }
0x3ce: {  	v12 =	vld [tilespmem:s13+$0x20]  }
0x3cf: {  	v0 =	vmul.f32 v6, v0;
	v13 =	vld [tilespmem:s13+$0xFFFFFFB0]  }
0x3d0: {  	v1 =	vld.idx.msk [tilespmem:v1+s10+$0x0], $0xffff;
	v2 =	vmul.f32 v9, v2  }
0x3d1: {  	[tilespmem:v7+s11+$0x0] =	vst.idx.add.f32.msk $0xffff, v0  }
0x3d2: {  	[tilespmem:v8+s11+$0x0] =	vst.idx.add.f32.msk $0xffff, v2  }
0x3d3: {  	v0 =	vld.idx.msk [tilespmem:v3+s10+$0x0], $0xffff  }
0x3d4: {  	v2 =	vld.idx.msk [tilespmem:v4+s10+$0x0], $0xffff  }
0x3d5: {  	v3 =	vld.idx.msk [tilespmem:v5+s10+$0x0], $0xffff  }
0x3d6: {  	v4 =	vld.idx.msk [tilespmem:v10+s10+$0x0], $0xffff  }
0x3d7: {  	v5 =	vld.idx.msk [tilespmem:v13+s10+$0x0], $0xffff  }
0x3d8: {  	v6 =	vld.idx.msk [tilespmem:v11+s10+$0x0], $0xffff  }
0x3d9: {  	v7 =	vld.idx.msk [tilespmem:v12+s10+$0x0], $0xffff  }
0x3da: {  	v8 =	vld [tilespmem:s6+$0xFFFFFFB0]  }
0x3db: {  	v9 =	vld [tilespmem:s6+$0xFFFFFFC0]  }
0x3dc: {  	v10 =	vld [tilespmem:s6+$0xFFFFFFD0]  }
0x3dd: {  	v11 =	vld [tilespmem:s6+$0xFFFFFFE0]  }
0x3de: {  	v12 =	vld [tilespmem:s6+$0xFFFFFFF0]  }
0x3df: {  	v5 =	vmul.f32 v8, v5;
	v8 =	vld [tilespmem:s6+$0x0]  }
0x3e0: {  	v1 =	vmul.f32 v9, v1;
	v9 =	vld [tilespmem:s6+$0x10]  }
0x3e1: {  	v0 =	vmul.f32 v10, v0;
	v10 =	vld [tilespmem:s6+$0x20]  }
0x3e2: {  	v13 =	vld [tilespmem:s8+$0xFFFFFFB0];
	v2 =	vmul.f32 v11, v2  }
0x3e3: {  	v11 =	vld [tilespmem:s8+$0xFFFFFFC0];
	v3 =	vmul.f32 v12, v3  }
0x3e4: {  	v12 =	vld [tilespmem:s8+$0xFFFFFFD0];
	v4 =	vmul.f32 v8, v4  }
0x3e5: {  	v8 =	vld [tilespmem:s8+$0xFFFFFFE0];
	v6 =	vmul.f32 v9, v6  }
0x3e6: {  	v9 =	vld [tilespmem:s8+$0xFFFFFFF0];
	v7 =	vmul.f32 v10, v7  }
0x3e7: {  	v10 =	vld [tilespmem:s8+$0x0]  }
0x3e8: {  	v14 =	vld [tilespmem:s8+$0x10]  }
0x3e9: {  	v15 =	vld [tilespmem:s8+$0x20]  }
0x3ea: {  	[tilespmem:v13+s11+$0x0] =	vst.idx.add.f32.msk $0xffff, v5  }
0x3eb: {  	[tilespmem:v11+s11+$0x0] =	vst.idx.add.f32.msk $0xffff, v1  }
0x3ec: {  	[tilespmem:v12+s11+$0x0] =	vst.idx.add.f32.msk $0xffff, v0  }
.Ltmp7:
0x3ed: {  	[tilespmem:v8+s11+$0x0] =	vst.idx.add.f32.msk $0xffff, v2;
	(pc) =	sbr.rel @p0 .LBB2_15-.Ltmp7, $4  }
0x3ee: {  	[tilespmem:v9+s11+$0x0] =	vst.idx.add.f32.msk $0xffff, v3  }
0x3ef: {  	[tilespmem:v10+s11+$0x0] =	vst.idx.add.f32.msk $0xffff, v4  }
0x3f0: {  	[tilespmem:v14+s11+$0x0] =	vst.idx.add.f32.msk $0xffff, v6  }
0x3f1: {  	s13 =	sadd.s32 $0xA0, s13;
	[tilespmem:v15+s11+$0x0] =	vst.idx.add.f32.msk $0xffff, v7  }
0x3f2: {  	s5 =	simm.s32 $0x80  }
0x3f3: {  	s6 =	simm.s32 $0x400;
	s8 =	simm.s32 $0xEB80;
	s26 =	simm.s32 $0x3  }
0x3f4: {  	[spmem:s3] =	stream.strided.scatter [tilespmem:s8], [sflag:$0x3], $0x2800, s6, s5, $0x38;
	[tilespmem:$0x1B880] =	vst v63  }
0x3f5: {  	_ =	swait.ge [sflag:s26], $0x2800  }
0x3f6: {  	[sflag:s26] =	ssyncset.done $0x0  }
0x3f7: {  	s28 =	simm.s32 $0x1400;
	[sflag:s26] =	ssyncadd.s32 $0xFFFFD800  }
0x3f8: {  	s29 =	simm.s32 $0x14000;
	s30 =	simm.s32 $0x16380;
	[bflag:$0x0] =	sbarrier.arrive $0xFFFF  }
0x3f9: {  	[tilespmem:s30], [sflag:$0x3] =	stream.strided.gather [spmem:s4], $0x2800, s29, s28, $0x38;
	[tilespmem:$0x1B880] =	vst v63  }
0x3fa: {  	_ =	swait.ge [sflag:s26], $0x2800  }
0x3fb: {  	[sflag:s26] =	ssyncset.done $0x0  }
0x3fc: {  	s31 =	simm.s32 $0x17B70;
	[sflag:s26] =	ssyncadd.s32 $0xFFFFD800  }
0x3fd: {  	v2 =	vld [tilespmem:s31+$0xFFFFE880]  }
0x3fe: {  	v3 =	vld [tilespmem:s31+$0xFFFFE810]  }
0x3ff: {  	v4 =	vld [tilespmem:s31+$0xFFFFE900]  }
0x400: {  	v5 =	vld [tilespmem:s31+$0xFFFFE820]  }
0x401: {  	v6 =	vld [tilespmem:s31+$0xFFFFE980]  }
0x402: {  	v7 =	vld [tilespmem:s31+$0xFFFFE830]  }
0x403: {  	v8 =	vld [tilespmem:s31+$0xFFFFEA00]  }
0x404: {  	v9 =	vld [tilespmem:s31+$0xFFFFE840]  }
0x405: {  	v10 =	vld [tilespmem:s31+$0xFFFFEA80]  }
0x406: {  	v11 =	vld [tilespmem:s31+$0xFFFFE850]  }
0x407: {  	v12 =	vld [tilespmem:s31+$0xFFFFEB00]  }
0x408: {  	v13 =	vld [tilespmem:s31+$0xFFFFE860]  }
0x409: {  	v14 =	vld [tilespmem:s31+$0xFFFFEB80]  }
0x40a: {  	v15 =	vld [tilespmem:s31+$0xFFFFE870]  }
0x40b: {  	v16 =	vld [tilespmem:s31+$0xFFFFEC00]  }
0x40c: {  	v17 =	vld [tilespmem:s31+$0xFFFFE890]  }
0x40d: {  	v18 =	vld [tilespmem:s31+$0xFFFFFC80]  }
0x40e: {  	v19 =	vld [tilespmem:s31+$0xFFFFE8A0]  }
0x40f: {  	v20 =	vld [tilespmem:s31+$0xFFFFFD00]  }
0x410: {  	v21 =	vld [tilespmem:s31+$0xFFFFE8B0]  }
0x411: {  	v22 =	vld [tilespmem:s31+$0xFFFFFD80]  }
0x412: {  	v23 =	vld [tilespmem:s31+$0xFFFFE8C0]  }
0x413: {  	v24 =	vld [tilespmem:s31+$0xFFFFFE00]  }
0x414: {  	s3 =	sadd.s32 $0x113C0, s9;
	v25 =	vld [tilespmem:s31+$0xFFFFE8D0]  }
0x415: {  	v0 =	vld [tilespmem:s3+$0x30]  }
0x416: {  	v26 =	vld [tilespmem:s31+$0xFFFFFE80]  }
0x417: {  	v27 =	vld [tilespmem:s31+$0xFFFFE8E0]  }
0x418: {  	v28 =	vld [tilespmem:s31+$0xFFFFFF00]  }
0x419: {  	v29 =	vld [tilespmem:s31+$0xFFFFE8F0]  }
0x41a: {  	s4 =	sadd.s32 $0x13BC0, s9;
	v30 =	vld [tilespmem:s31+$0xFFFFFF80];
	[tilespmem:$0x1FFC0] =	vst v0  }
0x41b: {  	v0 =	vld [tilespmem:s4+$0x30];
	_ =	sdelay $0x3  }
0x41c: {  	v31 =	vld [tilespmem:s31+$0x0]  }
0x41d: {  	v32 =	vld [tilespmem:s31+$0xFFFFE910];
	[tilespmem:$0x1FFD0] =	vst v0  }
0x41e: {  	v33 =	vld [tilespmem:s31+$0xFFFFE920]  }
0x41f: {  	v34 =	vld [tilespmem:s31+$0xFFFFE930]  }
0x420: {  	v35 =	vld [tilespmem:s31+$0xFFFFE940]  }
0x421: {  	v36 =	vld [tilespmem:s31+$0xFFFFE950]  }
0x422: {  	v37 =	vld [tilespmem:s31+$0xFFFFE960]  }
0x423: {  	v38 =	vld [tilespmem:s31+$0xFFFFE970]  }
0x424: {  	v39 =	vld [tilespmem:s31+$0xFFFFE990]  }
0x425: {  	v40 =	vld [tilespmem:s31+$0xFFFFE9A0]  }
0x426: {  	v41 =	vld [tilespmem:s31+$0xFFFFE9B0]  }
0x427: {  	v42 =	vld [tilespmem:s31+$0xFFFFE9C0]  }
0x428: {  	v43 =	vld [tilespmem:s31+$0xFFFFE9D0]  }
0x429: {  	v44 =	vld [tilespmem:s31+$0xFFFFE9E0]  }
0x42a: {  	v45 =	vld [tilespmem:s31+$0xFFFFE9F0]  }
0x42b: {  	v46 =	vld [tilespmem:s31+$0xFFFFEA10]  }
0x42c: {  	v47 =	vld [tilespmem:s31+$0xFFFFEA20]  }
0x42d: {  	v48 =	vld [tilespmem:s31+$0xFFFFEA30]  }
0x42e: {  	v49 =	vld [tilespmem:s31+$0xFFFFEA40]  }
0x42f: {  	v50 =	vld [tilespmem:s31+$0xFFFFEA50]  }
0x430: {  	v51 =	vld [tilespmem:s31+$0xFFFFEA60]  }
0x431: {  	v52 =	vld [tilespmem:s31+$0xFFFFEA70]  }
0x432: {  	v53 =	vld [tilespmem:s31+$0xFFFFEA90]  }
0x433: {  	v54 =	vld [tilespmem:s31+$0xFFFFEAA0]  }
0x434: {  	v55 =	vld [tilespmem:s31+$0xFFFFEAB0]  }
0x435: {  	v56 =	vld [tilespmem:s31+$0xFFFFEAC0]  }
0x436: {  	v57 =	vld [tilespmem:s31+$0xFFFFEAD0]  }
0x437: {  	v58 =	vld [tilespmem:s31+$0xFFFFEAE0]  }
0x438: {  	v2 =	vadd.f32 $0.0e+00, v2;
	v59 =	vld [tilespmem:s31+$0xFFFFEAF0]  }
0x439: {  	v60 =	vld [tilespmem:s31+$0xFFFFEB10]  }
0x43a: {  	v2 =	vadd.f32 v4, v2;
	v4 =	vld [tilespmem:s31+$0xFFFFEB20]  }
0x43b: {  	v61 =	vld [tilespmem:s31+$0xFFFFEB30]  }
0x43c: {  	v0 =	vld [tilespmem:s31+$0xFFFFEBA0]  }
0x43d: {  	v2 =	vadd.f32 v6, v2;
	v6 =	vld [tilespmem:s31+$0xFFFFEB40]  }
0x43e: {  	v62 =	vld [tilespmem:s31+$0xFFFFEB50]  }
0x43f: {  	v2 =	vadd.f32 v8, v2;
	v8 =	vld [tilespmem:s31+$0xFFFFEB60]  }
0x440: {  	v5 =	vadd.f32 $0.0e+00, v5;
	v63 =	vld [tilespmem:s31+$0xFFFFEB70]  }
0x441: {  	v9 =	vadd.f32 $0.0e+00, v9;
	v2 =	vadd.f32 v10, v2;
	v10 =	vld [tilespmem:s31+$0xFFFFEB90];
	[tilespmem:$0x1FF70] =	vst v0  }
0x442: {  	v11 =	vadd.f32 $0.0e+00, v11;
	v13 =	vadd.f32 $0.0e+00, v13;
	v0 =	vld [tilespmem:s31+$0xFFFFEBE0]  }
0x443: {  	v15 =	vadd.f32 $0.0e+00, v15;
	v5 =	vadd.f32 v19, v5  }
0x444: {  	v9 =	vadd.f32 v23, v9;
	v2 =	vadd.f32 v12, v2  }
0x445: {  	v11 =	vadd.f32 v25, v11;
	v13 =	vadd.f32 v27, v13;
	v12 =	vld [tilespmem:s31+$0xFFFFEBB0]  }
0x446: {  	v15 =	vadd.f32 v29, v15;
	v2 =	vadd.f32 v14, v2;
	v1 =	vld [tilespmem:s31+$0xFFFFEBC0]  }
0x447: {  	v5 =	vadd.f32 v33, v5;
	v9 =	vadd.f32 v35, v9;
	v14 =	vld [tilespmem:s31+$0xFFFFEBD0];
	[tilespmem:$0x1FF80] =	vst v0  }
0x448: {  	v11 =	vadd.f32 v36, v11;
	v13 =	vadd.f32 v37, v13;
	v0 =	vld [tilespmem:s31+$0xFFFFFC10]  }
0x449: {  	v15 =	vadd.f32 v38, v15;
	v2 =	vadd.f32 v16, v2  }
0x44a: {  	v9 =	vadd.f32 v42, v9;
	v11 =	vadd.f32 v43, v11  }
0x44b: {  	v5 =	vadd.f32 v40, v5;
	v13 =	vadd.f32 v44, v13  }
0x44c: {  	v9 =	vadd.f32 v49, v9;
	v11 =	vadd.f32 v50, v11  }
0x44d: {  	v15 =	vadd.f32 v45, v15;
	v2 =	vadd.f32 v18, v2;
	v16 =	vld [tilespmem:s31+$0xFFFFEBF0];
	[tilespmem:$0x1FF90] =	vst v0  }
0x44e: {  	v9 =	vadd.f32 v56, v9;
	v11 =	vadd.f32 v57, v11;
	v0 =	vld [tilespmem:s31+$0xFFFFFC30]  }
0x44f: {  	v5 =	vadd.f32 v47, v5;
	v13 =	vadd.f32 v51, v13  }
0x450: {  	v6 =	vadd.f32 v6, v9;
	v11 =	vadd.f32 v62, v11  }
0x451: {  	v15 =	vadd.f32 v52, v15;
	v50 =	vld [tilespmem:$0x1FF70];
	v5 =	vadd.f32 v54, v5  }
0x452: {  	v1 =	vadd.f32 v1, v6;
	v6 =	vadd.f32 v14, v11;
	v14 =	vld [tilespmem:$0x1FF80]  }
0x453: {  	v13 =	vadd.f32 v58, v13;
	v15 =	vadd.f32 v59, v15;
	v18 =	vld [tilespmem:s31+$0xFFFFFC20];
	[tilespmem:$0x1FFA0] =	vst v0  }
0x454: {  	v4 =	vadd.f32 v4, v5;
	v0 =	vld [tilespmem:s31+$0xFFFFFC50]  }
0x455: {  	v8 =	vadd.f32 v8, v13;
	v15 =	vadd.f32 v63, v15  }
0x456: {  	v4 =	vadd.f32 v50, v4  }
0x457: {  	v8 =	vadd.f32 v14, v8;
	v14 =	vadd.f32 v16, v15;
	v16 =	vld [tilespmem:$0x1FF90]  }
0x458: {  	v2 =	vadd.f32 v20, v2;
	v20 =	vld [tilespmem:s31+$0xFFFFFC40]  }
0x459: {  	v4 =	vadd.f32 v18, v4;
	v18 =	vld [tilespmem:$0x1FFA0];
	[tilespmem:$0x1FFB0] =	vst v0  }
0x45a: {  	v3 =	vadd.f32 $0.0e+00, v3;
	v2 =	vadd.f32 v22, v2;
	v22 =	vld [tilespmem:s31+$0xFFFFFC60]  }
0x45b: {  	v0 =	vld [tilespmem:s31+$0xFFFFFC70]  }
0x45c: {  	v3 =	vadd.f32 v17, v3;
	v2 =	vadd.f32 v24, v2;
	v17 =	vld [tilespmem:s31+$0xFFFFFC90]  }
0x45d: {  	v24 =	vld [tilespmem:s31+$0xFFFFFCA0]  }
0x45e: {  	v7 =	vadd.f32 $0.0e+00, v7;
	v2 =	vadd.f32 v26, v2;
	v26 =	vld [tilespmem:s31+$0xFFFFFCB0]  }
0x45f: {  	v19 =	vld [tilespmem:s31+$0xFFFFFCC0]  }
0x460: {  	v7 =	vadd.f32 v21, v7;
	v21 =	vld [tilespmem:s31+$0xFFFFFCD0]  }
0x461: {  	v23 =	vld [tilespmem:s31+$0xFFFFFCE0]  }
0x462: {  	v2 =	vadd.f32 v28, v2;
	v28 =	vld [tilespmem:s31+$0xFFFFFCF0]  }
0x463: {  	v25 =	vld [tilespmem:s31+$0xFFFFFD10]  }
0x464: {  	v27 =	vld [tilespmem:s31+$0xFFFFFD20]  }
0x465: {  	v2 =	vadd.f32 v30, v2;
	v29 =	vld [tilespmem:s31+$0xFFFFFD30]  }
0x466: {  	v30 =	vld [tilespmem:s31+$0xFFFFFD40]  }
0x467: {  	v2 =	vadd.f32 v31, v2;
	v31 =	vld [tilespmem:s31+$0xFFFFFD50]  }
0x468: {  	v3 =	vadd.f32 v32, v3;
	v32 =	vld [tilespmem:s31+$0xFFFFFD60]  }
0x469: {  	v33 =	vld [tilespmem:s31+$0xFFFFFD70]  }
0x46a: {  	v7 =	vadd.f32 v34, v7;
	v34 =	vld [tilespmem:s31+$0xFFFFFD90]  }
0x46b: {  	v35 =	vld [tilespmem:s31+$0xFFFFFDA0]  }
0x46c: {  	v36 =	vld [tilespmem:s31+$0xFFFFFDB0]  }
0x46d: {  	v3 =	vadd.f32 v39, v3;
	v37 =	vld [tilespmem:s31+$0xFFFFFDC0]  }
0x46e: {  	v45 =	vld [tilespmem:s31+$0xFFFFFDD0]  }
0x46f: {  	v7 =	vadd.f32 v41, v7;
	v3 =	vadd.f32 v46, v3;
	v46 =	vld [tilespmem:s31+$0xFFFFFDE0]  }
0x470: {  	v47 =	vld [tilespmem:s31+$0xFFFFFDF0]  }
0x471: {  	v7 =	vadd.f32 v48, v7;
	v48 =	vld [tilespmem:s31+$0xFFFFFE10]  }
0x472: {  	v3 =	vadd.f32 v53, v3;
	v49 =	vld [tilespmem:s31+$0xFFFFFE20]  }
0x473: {  	v7 =	vadd.f32 v55, v7;
	v5 =	vld [tilespmem:s31+$0xFFFFFE30]  }
0x474: {  	v3 =	vadd.f32 v60, v3;
	v9 =	vld [tilespmem:s31+$0xFFFFFE40]  }
0x475: {  	v7 =	vadd.f32 v61, v7;
	v13 =	vld [tilespmem:s31+$0xFFFFFE50]  }
0x476: {  	v3 =	vadd.f32 v10, v3;
	v10 =	vld [tilespmem:s31+$0xFFFFFE60]  }
0x477: {  	v7 =	vadd.f32 v12, v7;
	v12 =	vld [tilespmem:s31+$0xFFFFFE70]  }
0x478: {  	v11 =	vld [tilespmem:s31+$0xFFFFFE90]  }
0x479: {  	v1 =	vadd.f32 v20, v1;
	v20 =	vld [tilespmem:$0x1FFB0]  }
0x47a: {  	v15 =	vld [tilespmem:s31+$0xFFFFFEA0]  }
0x47b: {  	v3 =	vadd.f32 v16, v3;
	v16 =	vld [tilespmem:s31+$0xFFFFFEB0]  }
0x47c: {  	v7 =	vadd.f32 v18, v7;
	v18 =	vld [tilespmem:s31+$0xFFFFFEC0]  }
0x47d: {  	v51 =	vld [tilespmem:s31+$0xFFFFFF20]  }
0x47e: {  	v52 =	vld [tilespmem:s31+$0xFFFFFF30];
	v6 =	vadd.f32 v20, v6  }
0x47f: {  	v53 =	vld [tilespmem:s31+$0xFFFFFF40];
	v8 =	vadd.f32 v22, v8;
	v0 =	vadd.f32 v0, v14  }
0x480: {  	v54 =	vld [tilespmem:s31+$0xFFFFFF50];
	v3 =	vadd.f32 v17, v3;
	v4 =	vadd.f32 v24, v4  }
0x481: {  	v55 =	vld [tilespmem:s31+$0xFFFFFF60];
	v7 =	vadd.f32 v26, v7;
	v1 =	vadd.f32 v19, v1  }
0x482: {  	v56 =	vld [tilespmem:s31+$0xFFFFFF70];
	v6 =	vadd.f32 v21, v6;
	v8 =	vadd.f32 v23, v8  }
0x483: {  	v57 =	vld [tilespmem:s31+$0xFFFFFF90];
	v0 =	vadd.f32 v28, v0;
	v3 =	vadd.f32 v25, v3  }
0x484: {  	v58 =	vld [tilespmem:s3+$0xFFFFFFD0];
	v4 =	vadd.f32 v27, v4;
	v7 =	vadd.f32 v29, v7  }
0x485: {  	v59 =	vld [tilespmem:s31+$0xFFFFFFA0];
	v1 =	vadd.f32 v30, v1;
	v6 =	vadd.f32 v31, v6  }
0x486: {  	v61 =	vld [tilespmem:s31+$0xFFFFFFF0];
	v8 =	vadd.f32 v32, v8;
	v7 =	vadd.f32 v36, v7  }
0x487: {  	v20 =	vld [tilespmem:s31+$0xFFFFFED0];
	v0 =	vadd.f32 v33, v0;
	v3 =	vadd.f32 v34, v3  }
0x488: {  	v14 =	vld [tilespmem:s31+$0xFFFFFEE0];
	v4 =	vadd.f32 v35, v4;
	v5 =	vadd.f32 v5, v7  }
0x489: {  	v19 =	vld [tilespmem:s31+$0xFFFFFF10];
	v1 =	vadd.f32 v37, v1;
	v6 =	vadd.f32 v45, v6  }
0x48a: {  	v8 =	vadd.f32 v46, v8;
	v5 =	vadd.f32 v16, v5;
	v16 =	vld [tilespmem:$0x1FFC0]  }
0x48b: {  	v17 =	vld [tilespmem:s31+$0xFFFFFEF0];
	v0 =	vadd.f32 v47, v0;
	v3 =	vadd.f32 v48, v3  }
0x48c: {  	v4 =	vadd.f32 v49, v4;
	v1 =	vadd.f32 v9, v1;
	v7 =	vld [tilespmem:s3+$0xFFFFFFE0]  }
0x48d: {  	v9 =	vld [tilespmem:s31+$0xFFFFFFB0];
	v8 =	vadd.f32 v10, v8;
	v3 =	vadd.f32 v11, v3  }
0x48e: {  	v0 =	vadd.f32 v12, v0;
	v10 =	vld [tilespmem:s3+$0xFFFFFFF0];
	v1 =	vadd.f32 v18, v1  }
0x48f: {  	v11 =	vld [tilespmem:s31+$0xFFFFFFC0];
	v8 =	vadd.f32 v14, v8;
	v14 =	vadd.f32 v19, v3;
	v3 =	vmul.f32 v16, v16  }
0x490: {  	v16 =	vmul.f32 v2, v16;
	v2 =	vadd.f32 v52, v5;
	v5 =	vadd.f32 v53, v1;
	v1 =	vld [tilespmem:$0x1FFD0]  }
0x491: {  	v6 =	vadd.f32 v13, v6;
	v4 =	vadd.f32 v15, v4;
	v12 =	vld [tilespmem:s3+$0x0]  }
0x492: {  	v13 =	vld [tilespmem:s31+$0xFFFFFFD0];
	v0 =	vadd.f32 v17, v0  }
0x493: {  	v6 =	vadd.f32 v20, v6;
	v4 =	vadd.f32 v51, v4;
	v17 =	vld [tilespmem:s31+$0xFFFFFFE0]  }
0x494: {  	v60 =	vmul.f32 v58, v58;
	v15 =	vld [tilespmem:s3+$0x10];
	v20 =	vadd.f32 v56, v0;
	v5 =	vadd.f32 v11, v5  }
0x495: {  	v19 =	vld [tilespmem:s3+$0x20];
	v18 =	vmul.f32 v1, v3;
	v3 =	vadd.f32 v54, v6;
	v1 =	vadd.f32 v59, v4  }
0x496: {  	v5 =	vmul.f32 v5, v10;
	v6 =	vadd.f32 v55, v8;
	v4 =	vadd.f32 v9, v2;
	v9 =	vld [tilespmem:s3+$0xFFFFFFC0]  }
0x497: {  	v62 =	vld [tilespmem:s4+$0xFFFFFFC0];
	v2 =	vmul.f32 v10, v10;
	v0 =	vmul.f32 v1, v58;
	v8 =	vadd.f32 v13, v3  }
0x498: {  	v63 =	vld [tilespmem:s4+$0xFFFFFFD0];
	v1 =	vmul.f32 v7, v7;
	v3 =	vmul.f32 v4, v7;
	v7 =	vadd.f32 v17, v6  }
0x499: {  	v4 =	vmul.f32 v12, v12;
	v13 =	vadd.f32 v57, v14;
	v6 =	vmul.f32 v8, v12;
	v12 =	vld [tilespmem:s4+$0xFFFFFFE0]  }
0x49a: {  	v11 =	vld [tilespmem:s4+$0xFFFFFFF0];
	v8 =	vmul.f32 v15, v15;
	v7 =	vmul.f32 v7, v15;
	v15 =	vadd.f32 v61, v20  }
0x49b: {  	v10 =	vmul.f32 v19, v19;
	v17 =	vadd.f32 v18, v16;
	v14 =	vld [tilespmem:s4+$0x0];
	v18 =	vmul.f32 v9, v9  }
0x49c: {  	s5 =	simm.s32 $0x18BC0;
	v16 =	vmul.f32 v13, v9;
	v13 =	vld [tilespmem:s4+$0x10];
	v9 =	vmul.f32 v15, v19  }
0x49d: {  	s6 =	simm.s32 $0x0;
	s8 =	simm.s32 $0x17F70;
	[tilespmem:s5+$0x30] =	vst v17;
	v15 =	vld [tilespmem:s4+$0x20];
	v17 =	vmul.f32 v62, v18;
	v18 =	vmul.f32 v63, v60  }
.LBB2_17:
0x49e: {  	v19 =	vld [tilespmem:s8+$0xFFFFE880];
	s6 =	sadd.s32 $0x8, s6;
	v1 =	vmul.f32 v12, v1  }
0x49f: {  	v12 =	vld [tilespmem:s8+$0xFFFFE810];
	p0 =	slt.u32 s6, $0x20;
	v16 =	vadd.f32 v17, v16;
	v0 =	vadd.f32 v18, v0;
	v2 =	vmul.f32 v11, v2  }
0x4a0: {  	v11 =	vld [tilespmem:s8+$0xFFFFE900];
	v1 =	vadd.f32 v1, v3;
	v3 =	vmul.f32 v14, v4  }
0x4a1: {  	v4 =	vld [tilespmem:s8+$0xFFFFE820];
	[tilespmem:s5+$0xFFFFFFC0] =	vst v16;
	v2 =	vadd.f32 v2, v5;
	v5 =	vmul.f32 v13, v8  }
0x4a2: {  	v8 =	vld [tilespmem:s8+$0xFFFFE980];
	[tilespmem:s5+$0xFFFFFFD0] =	vst v0;
	v0 =	vadd.f32 v3, v6;
	v3 =	vmul.f32 v15, v10  }
0x4a3: {  	v6 =	vld [tilespmem:s8+$0xFFFFE830];
	v10 =	vadd.f32 $0.0e+00, v19;
	[tilespmem:s5+$0xFFFFFFE0] =	vst v1;
	v1 =	vadd.f32 v5, v7  }
0x4a4: {  	v5 =	vadd.f32 $0.0e+00, v12;
	v7 =	vld [tilespmem:s8+$0xFFFFEA00];
	[tilespmem:s5+$0xFFFFFFF0] =	vst v2;
	v2 =	vadd.f32 v3, v9  }
0x4a5: {  	v3 =	vld [tilespmem:s8+$0xFFFFE840];
	v9 =	vadd.f32 v11, v10;
	[tilespmem:s5+$0x0] =	vst v0  }
0x4a6: {  	v0 =	vadd.f32 $0.0e+00, v4;
	v4 =	vld [tilespmem:s8+$0xFFFFEA80];
	[tilespmem:s5+$0x10] =	vst v1  }
0x4a7: {  	v1 =	vld [tilespmem:s8+$0xFFFFE850];
	v8 =	vadd.f32 v8, v9;
	[tilespmem:s5+$0x20] =	vst v2  }
0x4a8: {  	v2 =	vadd.f32 $0.0e+00, v6;
	v6 =	vld [tilespmem:s8+$0xFFFFEB00]  }
0x4a9: {  	v9 =	vld [tilespmem:s8+$0xFFFFE860];
	v7 =	vadd.f32 v7, v8  }
0x4aa: {  	v3 =	vadd.f32 $0.0e+00, v3;
	v8 =	vld [tilespmem:s8+$0xFFFFEB80]  }
0x4ab: {  	v10 =	vld [tilespmem:s8+$0xFFFFE870];
	v4 =	vadd.f32 v4, v7  }
0x4ac: {  	v1 =	vadd.f32 $0.0e+00, v1;
	v7 =	vld [tilespmem:s8+$0xFFFFEC00]  }
0x4ad: {  	v11 =	vld [tilespmem:s8+$0xFFFFE890];
	v4 =	vadd.f32 v6, v4  }
0x4ae: {  	v6 =	vadd.f32 $0.0e+00, v9;
	v9 =	vld [tilespmem:s8+$0xFFFFFC80]  }
0x4af: {  	v12 =	vld [tilespmem:s8+$0xFFFFE8A0];
	v4 =	vadd.f32 v8, v4  }
0x4b0: {  	v8 =	vadd.f32 $0.0e+00, v10;
	v10 =	vld [tilespmem:s8+$0xFFFFFD00]  }
0x4b1: {  	v13 =	vld [tilespmem:s8+$0xFFFFE8B0];
	v4 =	vadd.f32 v7, v4  }
0x4b2: {  	v5 =	vadd.f32 v11, v5;
	v7 =	vld [tilespmem:s8+$0xFFFFFD80]  }
0x4b3: {  	v11 =	vld [tilespmem:s8+$0xFFFFE8C0];
	v4 =	vadd.f32 v9, v4  }
0x4b4: {  	v0 =	vadd.f32 v12, v0;
	v9 =	vld [tilespmem:s8+$0xFFFFFE00]  }
0x4b5: {  	v12 =	vld [tilespmem:s8+$0xFFFFE8D0];
	v4 =	vadd.f32 v10, v4  }
0x4b6: {  	v2 =	vadd.f32 v13, v2;
	v10 =	vld [tilespmem:s8+$0xFFFFFE80]  }
0x4b7: {  	v13 =	vld [tilespmem:s8+$0xFFFFE8E0];
	v4 =	vadd.f32 v7, v4  }
0x4b8: {  	v3 =	vadd.f32 v11, v3;
	v7 =	vld [tilespmem:s8+$0xFFFFFF00]  }
0x4b9: {  	v11 =	vld [tilespmem:s8+$0xFFFFE8F0];
	v4 =	vadd.f32 v9, v4  }
0x4ba: {  	s3 =	sadd.s32 $0x80, s3;
	v1 =	vadd.f32 v12, v1;
	v9 =	vld [tilespmem:s8+$0xFFFFFF80]  }
0x4bb: {  	v12 =	vld [tilespmem:s3+$0x30];
	v4 =	vadd.f32 v10, v4  }
0x4bc: {  	v6 =	vadd.f32 v13, v6;
	v10 =	vld [tilespmem:s8+$0x0]  }
0x4bd: {  	s4 =	sadd.s32 $0x80, s4;
	v13 =	vld [tilespmem:s8+$0xFFFFE910];
	v4 =	vadd.f32 v7, v4  }
0x4be: {  	v7 =	vadd.f32 v11, v8;
	v8 =	vld [tilespmem:s4+$0x30]  }
0x4bf: {  	v11 =	vld [tilespmem:s8+$0xFFFFE920];
	v4 =	vadd.f32 v9, v4  }
0x4c0: {  	v9 =	vld [tilespmem:s8+$0xFFFFE930]  }
0x4c1: {  	v14 =	vld [tilespmem:s8+$0xFFFFE940];
	v4 =	vadd.f32 v10, v4;
	v10 =	vmul.f32 v12, v12  }
0x4c2: {  	v5 =	vadd.f32 v13, v5;
	v13 =	vld [tilespmem:s8+$0xFFFFE950]  }
0x4c3: {  	v15 =	vld [tilespmem:s8+$0xFFFFE960];
	v4 =	vmul.f32 v4, v12;
	v8 =	vmul.f32 v8, v10  }
0x4c4: {  	v0 =	vadd.f32 v11, v0;
	v10 =	vld [tilespmem:s8+$0xFFFFE970]  }
0x4c5: {  	v11 =	vld [tilespmem:s8+$0xFFFFE990];
	v2 =	vadd.f32 v9, v2;
	v4 =	vadd.f32 v8, v4  }
0x4c6: {  	s5 =	sadd.s32 $0x80, s5;
	v8 =	vld [tilespmem:s8+$0xFFFFE9A0];
	v3 =	vadd.f32 v14, v3  }
0x4c7: {  	v9 =	vld [tilespmem:s8+$0xFFFFE9B0];
	v1 =	vadd.f32 v13, v1;
	[tilespmem:s5+$0x30] =	vst v4  }
0x4c8: {  	v4 =	vld [tilespmem:s8+$0xFFFFE9C0];
	v6 =	vadd.f32 v15, v6  }
0x4c9: {  	v12 =	vld [tilespmem:s8+$0xFFFFE9D0];
	v7 =	vadd.f32 v10, v7  }
0x4ca: {  	v5 =	vadd.f32 v11, v5;
	v10 =	vld [tilespmem:s8+$0xFFFFE9E0]  }
0x4cb: {  	v0 =	vadd.f32 v8, v0;
	v8 =	vld [tilespmem:s8+$0xFFFFE9F0]  }
0x4cc: {  	v11 =	vld [tilespmem:s8+$0xFFFFEA10];
	v2 =	vadd.f32 v9, v2  }
0x4cd: {  	v9 =	vld [tilespmem:s8+$0xFFFFEA20];
	v3 =	vadd.f32 v4, v3  }
0x4ce: {  	v4 =	vld [tilespmem:s8+$0xFFFFEA30];
	v1 =	vadd.f32 v12, v1  }
0x4cf: {  	v12 =	vld [tilespmem:s8+$0xFFFFEA40];
	v6 =	vadd.f32 v10, v6  }
0x4d0: {  	v10 =	vld [tilespmem:s8+$0xFFFFEA50];
	v7 =	vadd.f32 v8, v7  }
0x4d1: {  	v5 =	vadd.f32 v11, v5;
	v8 =	vld [tilespmem:s8+$0xFFFFEA60]  }
0x4d2: {  	v0 =	vadd.f32 v9, v0;
	v9 =	vld [tilespmem:s8+$0xFFFFEA70]  }
0x4d3: {  	v11 =	vld [tilespmem:s8+$0xFFFFEA90];
	v2 =	vadd.f32 v4, v2  }
0x4d4: {  	v4 =	vld [tilespmem:s8+$0xFFFFEAA0];
	v3 =	vadd.f32 v12, v3  }
0x4d5: {  	v12 =	vld [tilespmem:s8+$0xFFFFEAB0];
	v1 =	vadd.f32 v10, v1  }
0x4d6: {  	v10 =	vld [tilespmem:s8+$0xFFFFEAC0];
	v6 =	vadd.f32 v8, v6  }
0x4d7: {  	v8 =	vld [tilespmem:s8+$0xFFFFEAD0];
	v7 =	vadd.f32 v9, v7  }
0x4d8: {  	v5 =	vadd.f32 v11, v5;
	v9 =	vld [tilespmem:s8+$0xFFFFEAE0]  }
0x4d9: {  	v0 =	vadd.f32 v4, v0;
	v4 =	vld [tilespmem:s8+$0xFFFFEAF0]  }
0x4da: {  	v11 =	vld [tilespmem:s8+$0xFFFFEB10];
	v2 =	vadd.f32 v12, v2  }
0x4db: {  	v12 =	vld [tilespmem:s8+$0xFFFFEB20];
	v3 =	vadd.f32 v10, v3  }
0x4dc: {  	v10 =	vld [tilespmem:s8+$0xFFFFEB30];
	v1 =	vadd.f32 v8, v1  }
0x4dd: {  	v8 =	vld [tilespmem:s8+$0xFFFFEB40];
	v6 =	vadd.f32 v9, v6  }
0x4de: {  	v9 =	vld [tilespmem:s8+$0xFFFFEB50];
	v4 =	vadd.f32 v4, v7  }
0x4df: {  	v5 =	vadd.f32 v11, v5;
	v7 =	vld [tilespmem:s8+$0xFFFFEB60]  }
0x4e0: {  	v0 =	vadd.f32 v12, v0;
	v11 =	vld [tilespmem:s8+$0xFFFFEB70]  }
0x4e1: {  	v12 =	vld [tilespmem:s8+$0xFFFFEB90];
	v2 =	vadd.f32 v10, v2  }
0x4e2: {  	v10 =	vld [tilespmem:s8+$0xFFFFEBA0];
	v3 =	vadd.f32 v8, v3  }
0x4e3: {  	v8 =	vld [tilespmem:s8+$0xFFFFEBB0];
	v1 =	vadd.f32 v9, v1  }
0x4e4: {  	v9 =	vld [tilespmem:s8+$0xFFFFEBC0];
	v6 =	vadd.f32 v7, v6  }
0x4e5: {  	v7 =	vld [tilespmem:s8+$0xFFFFEBD0];
	v4 =	vadd.f32 v11, v4  }
0x4e6: {  	v5 =	vadd.f32 v12, v5;
	v11 =	vld [tilespmem:s8+$0xFFFFEBE0]  }
0x4e7: {  	v0 =	vadd.f32 v10, v0;
	v10 =	vld [tilespmem:s8+$0xFFFFEBF0]  }
0x4e8: {  	v12 =	vld [tilespmem:s8+$0xFFFFFC10];
	v2 =	vadd.f32 v8, v2  }
0x4e9: {  	v8 =	vld [tilespmem:s8+$0xFFFFFC20];
	v3 =	vadd.f32 v9, v3  }
0x4ea: {  	v9 =	vld [tilespmem:s8+$0xFFFFFC30];
	v1 =	vadd.f32 v7, v1  }
0x4eb: {  	v7 =	vld [tilespmem:s8+$0xFFFFFC40];
	v6 =	vadd.f32 v11, v6  }
0x4ec: {  	v11 =	vld [tilespmem:s8+$0xFFFFFC50];
	v4 =	vadd.f32 v10, v4  }
0x4ed: {  	v5 =	vadd.f32 v12, v5;
	v10 =	vld [tilespmem:s8+$0xFFFFFC60]  }
0x4ee: {  	v0 =	vadd.f32 v8, v0;
	v8 =	vld [tilespmem:s8+$0xFFFFFC70]  }
0x4ef: {  	v12 =	vld [tilespmem:s8+$0xFFFFFC90];
	v2 =	vadd.f32 v9, v2  }
0x4f0: {  	v9 =	vld [tilespmem:s8+$0xFFFFFCA0];
	v3 =	vadd.f32 v7, v3  }
0x4f1: {  	v7 =	vld [tilespmem:s8+$0xFFFFFCB0];
	v1 =	vadd.f32 v11, v1  }
0x4f2: {  	v11 =	vld [tilespmem:s8+$0xFFFFFCC0];
	v6 =	vadd.f32 v10, v6  }
0x4f3: {  	v10 =	vld [tilespmem:s8+$0xFFFFFCD0];
	v4 =	vadd.f32 v8, v4  }
0x4f4: {  	v5 =	vadd.f32 v12, v5;
	v8 =	vld [tilespmem:s8+$0xFFFFFCE0]  }
0x4f5: {  	v0 =	vadd.f32 v9, v0;
	v9 =	vld [tilespmem:s8+$0xFFFFFCF0]  }
0x4f6: {  	v12 =	vld [tilespmem:s8+$0xFFFFFD10];
	v2 =	vadd.f32 v7, v2  }
0x4f7: {  	v7 =	vld [tilespmem:s8+$0xFFFFFD20];
	v3 =	vadd.f32 v11, v3  }
0x4f8: {  	v11 =	vld [tilespmem:s8+$0xFFFFFD30];
	v1 =	vadd.f32 v10, v1  }
0x4f9: {  	v10 =	vld [tilespmem:s8+$0xFFFFFD40];
	v6 =	vadd.f32 v8, v6  }
0x4fa: {  	v8 =	vld [tilespmem:s8+$0xFFFFFD50];
	v4 =	vadd.f32 v9, v4  }
0x4fb: {  	v5 =	vadd.f32 v12, v5;
	v9 =	vld [tilespmem:s8+$0xFFFFFD60]  }
0x4fc: {  	v0 =	vadd.f32 v7, v0;
	v7 =	vld [tilespmem:s8+$0xFFFFFD70]  }
0x4fd: {  	v12 =	vld [tilespmem:s8+$0xFFFFFD90];
	v2 =	vadd.f32 v11, v2  }
0x4fe: {  	v11 =	vld [tilespmem:s8+$0xFFFFFDA0];
	v3 =	vadd.f32 v10, v3  }
0x4ff: {  	v10 =	vld [tilespmem:s8+$0xFFFFFDB0];
	v1 =	vadd.f32 v8, v1  }
0x500: {  	v8 =	vld [tilespmem:s8+$0xFFFFFDC0];
	v6 =	vadd.f32 v9, v6  }
0x501: {  	v9 =	vld [tilespmem:s8+$0xFFFFFDD0];
	v4 =	vadd.f32 v7, v4  }
0x502: {  	v5 =	vadd.f32 v12, v5;
	v7 =	vld [tilespmem:s8+$0xFFFFFDE0]  }
0x503: {  	v0 =	vadd.f32 v11, v0;
	v11 =	vld [tilespmem:s8+$0xFFFFFDF0]  }
0x504: {  	v12 =	vld [tilespmem:s8+$0xFFFFFE10];
	v2 =	vadd.f32 v10, v2  }
0x505: {  	v10 =	vld [tilespmem:s8+$0xFFFFFE20];
	v3 =	vadd.f32 v8, v3  }
0x506: {  	v8 =	vld [tilespmem:s8+$0xFFFFFE30];
	v1 =	vadd.f32 v9, v1  }
0x507: {  	v9 =	vld [tilespmem:s8+$0xFFFFFE40];
	v6 =	vadd.f32 v7, v6  }
0x508: {  	v7 =	vld [tilespmem:s8+$0xFFFFFE50];
	v4 =	vadd.f32 v11, v4  }
0x509: {  	v5 =	vadd.f32 v12, v5;
	v11 =	vld [tilespmem:s8+$0xFFFFFE60]  }
0x50a: {  	v0 =	vadd.f32 v10, v0;
	v10 =	vld [tilespmem:s8+$0xFFFFFE70]  }
0x50b: {  	v12 =	vld [tilespmem:s8+$0xFFFFFE90];
	v2 =	vadd.f32 v8, v2  }
0x50c: {  	v8 =	vld [tilespmem:s8+$0xFFFFFEA0];
	v3 =	vadd.f32 v9, v3  }
0x50d: {  	v9 =	vld [tilespmem:s8+$0xFFFFFEB0];
	v1 =	vadd.f32 v7, v1  }
0x50e: {  	v7 =	vld [tilespmem:s8+$0xFFFFFEC0];
	v6 =	vadd.f32 v11, v6  }
0x50f: {  	v11 =	vld [tilespmem:s8+$0xFFFFFED0];
	v4 =	vadd.f32 v10, v4  }
0x510: {  	v5 =	vadd.f32 v12, v5;
	v10 =	vld [tilespmem:s8+$0xFFFFFEE0]  }
0x511: {  	v0 =	vadd.f32 v8, v0;
	v8 =	vld [tilespmem:s8+$0xFFFFFEF0]  }
0x512: {  	v12 =	vld [tilespmem:s8+$0xFFFFFF10];
	v2 =	vadd.f32 v9, v2  }
0x513: {  	v9 =	vld [tilespmem:s8+$0xFFFFFF20];
	v3 =	vadd.f32 v7, v3  }
0x514: {  	v7 =	vld [tilespmem:s8+$0xFFFFFF30];
	v1 =	vadd.f32 v11, v1  }
0x515: {  	v11 =	vld [tilespmem:s8+$0xFFFFFF40];
	v6 =	vadd.f32 v10, v6  }
0x516: {  	v10 =	vld [tilespmem:s8+$0xFFFFFF50];
	v4 =	vadd.f32 v8, v4  }
0x517: {  	v5 =	vadd.f32 v12, v5;
	v8 =	vld [tilespmem:s8+$0xFFFFFF60]  }
0x518: {  	v0 =	vadd.f32 v9, v0;
	v9 =	vld [tilespmem:s8+$0xFFFFFF70]  }
0x519: {  	v12 =	vld [tilespmem:s8+$0xFFFFFF90];
	v2 =	vadd.f32 v7, v2  }
0x51a: {  	v7 =	vld [tilespmem:s3+$0xFFFFFFD0];
	v11 =	vadd.f32 v11, v3  }
0x51b: {  	v3 =	vld [tilespmem:s8+$0xFFFFFFA0];
	v10 =	vadd.f32 v10, v1  }
0x51c: {  	v13 =	vld [tilespmem:s3+$0xFFFFFFE0];
	v14 =	vadd.f32 v8, v6  }
0x51d: {  	v6 =	vld [tilespmem:s8+$0xFFFFFFB0];
	v9 =	vadd.f32 v9, v4  }
0x51e: {  	v15 =	vadd.f32 v12, v5;
	v5 =	vld [tilespmem:s3+$0xFFFFFFF0]  }
0x51f: {  	v18 =	vmul.f32 v7, v7;
	v4 =	vld [tilespmem:s8+$0xFFFFFFC0]  }
0x520: {  	v0 =	vadd.f32 v3, v0;
	v12 =	vld [tilespmem:s3+$0x0]  }
0x521: {  	v1 =	vmul.f32 v13, v13;
	v8 =	vld [tilespmem:s8+$0xFFFFFFD0]  }
0x522: {  	v0 =	vmul.f32 v0, v7;
	v3 =	vadd.f32 v6, v2;
	v7 =	vld [tilespmem:s3+$0x10]  }
0x523: {  	v2 =	vmul.f32 v5, v5;
	v16 =	vld [tilespmem:s8+$0xFFFFFFE0]  }
0x524: {  	v3 =	vmul.f32 v3, v13;
	v6 =	vadd.f32 v4, v11;
	v17 =	vld [tilespmem:s3+$0x20]  }
0x525: {  	v4 =	vmul.f32 v12, v12;
	v13 =	vld [tilespmem:s8+$0xFFFFFFF0]  }
0x526: {  	v19 =	vld [tilespmem:s3+$0xFFFFFFC0];
	v5 =	vmul.f32 v6, v5;
	v6 =	vadd.f32 v8, v10  }
0x527: {  	v20 =	vld [tilespmem:s4+$0xFFFFFFC0];
	v8 =	vmul.f32 v7, v7  }
0x528: {  	v21 =	vld [tilespmem:s4+$0xFFFFFFD0];
	v6 =	vmul.f32 v6, v12;
	v14 =	vadd.f32 v16, v14  }
.Ltmp8:
0x529: {  	v12 =	vld [tilespmem:s4+$0xFFFFFFE0];
	v10 =	vmul.f32 v17, v17;
	(pc) =	sbr.rel @p0 .LBB2_17-.Ltmp8, $4  }
0x52a: {  	v11 =	vld [tilespmem:s4+$0xFFFFFFF0];
	v7 =	vmul.f32 v14, v7;
	v9 =	vadd.f32 v13, v9  }
0x52b: {  	v16 =	vmul.f32 v15, v19;
	v15 =	vmul.f32 v19, v19;
	v14 =	vld [tilespmem:s4+$0x0]  }
0x52c: {  	v13 =	vld [tilespmem:s4+$0x10];
	v9 =	vmul.f32 v9, v17  }
0x52d: {  	s8 =	sadd.s32 $0x400, s8;
	v17 =	vmul.f32 v20, v15;
	v18 =	vmul.f32 v21, v18;
	v15 =	vld [tilespmem:s4+$0x20]  }
0x52e: {  	_ = 	snop  }
0x52f: {  	v1 =	vmul.f32 v12, v1;
	v57 =	vadd.f32 v17, v16  }
0x530: {  	v0 =	vadd.f32 v18, v0;
	v2 =	vmul.f32 v11, v2  }
0x531: {  	v1 =	vadd.f32 v1, v3;
	v58 =	vmul.f32 v14, v4;
	[tilespmem:s5+$0xFFFFFFC0] =	vst v57  }
0x532: {  	v2 =	vadd.f32 v2, v5;
	v59 =	vmul.f32 v13, v8;
	[tilespmem:s5+$0xFFFFFFD0] =	vst v0  }
0x533: {  	v60 =	vadd.f32 v58, v6;
	v61 =	vmul.f32 v15, v10;
	[tilespmem:s5+$0xFFFFFFE0] =	vst v1  }
0x534: {  	v62 =	vadd.f32 v59, v7;
	[tilespmem:s5+$0xFFFFFFF0] =	vst v2  }
0x535: {  	v63 =	vadd.f32 v61, v9;
	[tilespmem:s5+$0x0] =	vst v60  }
0x536: {  	s2 =	sadd.s32 s2, s7;
	[tilespmem:s5+$0x10] =	vst v62  }
0x537: {  	s3 =	simm.s32 $0x0;
	s4 =	simm.s32 $0x18B80;
	s31 =	simm.s32 $0x3;
	[tilespmem:s5+$0x20] =	vst v63  }
0x538: {  	[hbm4b:s2+s3] =	stream.linear.scatter [tilespmem:s4], [sflag:$0x3], $0x280, $0x38;
	[tilespmem:$0x1B880] =	vst v63  }
0x539: {  	_ =	swait.ge [sflag:s31], $0x280  }
0x53a: {  	[sflag:s31] =	ssyncset.done $0x0  }
0x53b: {  	[sflag:s31] =	ssyncadd.s32 $0xFFFFFD80  }
0x53c: {  	_ =	sfence.sel $0x180000  }
0x53d: {  	[bflag:$0x0] =	sbarrier.arrive $0xFFFF  }
0x53e: {  	p0 =	sne.s32 s0, $0x0;
	_ =	strace $0x90000047  }
0x53f: {  	s0 =	sadd.s32 @!p0 $0x100000, s1;
	[bflag:$0x2] =	sbarrier.arrive $0xFFFF  }
0x540: {  	[sflag:s0] =	ssyncadd.tile.s32 @!p0 $0x1;
	_ =	shalt  }
.Lfunc_end2:
_tile_overlayer_lowered:
.L_overlay_start_2:
0x541: {  	(tag) =	ssettag $0x2  }
0x542: {  	s0 =	rddreg [dreg:$0x0];
	s2 =	stileid.u32  }
0x543: {  	s1 =	rddreg [dreg:$0x1];
	p0 =	sne.s32 s2, $0x0  }
0x544: {  	s3 =	rddreg [dreg:$0x2];
	[bflag:$0x3] =	sbarrier.arrive $0xFFFF;
	s2 =	simm.s32 @!p0 $0x1C03  }
0x545: {  	[timem:s3], [sflag:s2] =	dma.local @!p0 [hbm:s0], s1  }
0x546: {  	s0 =	simm.s32 @!p0 $0x3  }
0x547: {  	_ =	swait.ge @!p0 [sflag:s0], s1  }
0x548: {  	s1 =	ssub.s32 @!p0 $0x0, s1;
	[sflag:s0] =	ssyncset.done @!p0 $0x0  }
0x549: {  	[sflag:s0] =	ssyncadd.s32 @!p0 s1  }
0x54a: {  	[bflag:$0x3] =	sbarrier.arrive $0xFFFF  }
0x54b: {  	_ =	shalt  }

</sc_bundles>
